<compile_context>
chip_gen: v7x
topology: tpu7x:2x2x1
jax: 0.10.2.dev20260603
libtpu: 0.0.44.dev20260713+nightly
codegen_flags: <defaults>
</compile_context>

<pallas_src>
import functools

import jax
import jax.numpy as jnp
from jax import lax
from jax.experimental import pallas as pl
from jax.experimental.pallas import tpu as pltpu
from jax.experimental.pallas import tpu_sc as plsc

B = 8
N = 8192
G = 512
K = 32
L = 16
NQ = 4
NPQ = N // NQ
RPQ = G // NQ
NCHUNK = N // L
INT_MAX = 0x7FFFFFFF


def _splat(x, dtype=None):
    v = jnp.broadcast_to(x, (L,))
    return v if dtype is None else v.astype(dtype)


def _sc_group_kernel(xyz_hbm, neigh_hbm, cent_hbm,
                     x_ref, y_ref, z_ref, d_ref,
                     cxs, cys, czs,
                     out_stage, cent_stage,
                     rf_ref, rinf_ref, drow_ref, cand_d, cand_i, shf):
    c = lax.axis_index("c")
    s = lax.axis_index("s")
    w = c * 16 + s
    b = w // NQ
    p = w % NQ
    iota = lax.iota(jnp.int32, L)
    lane0 = iota == 0
    base_pt = p * NPQ

    pltpu.sync_copy(xyz_hbm.at[pl.ds((b * 3 + 0) * N, N)], x_ref)
    pltpu.sync_copy(xyz_hbm.at[pl.ds((b * 3 + 1) * N, N)], y_ref)
    pltpu.sync_copy(xyz_hbm.at[pl.ds((b * 3 + 2) * N, N)], z_ref)

    def init_d(j, carry):
        d_ref[pl.ds(j * L, L)] = jnp.full((L,), 1e10, jnp.float32)
        return carry

    lax.fori_loop(0, NPQ // L, init_d, 0)

    def fps_iter(i, carry):
        cxv, cyv, czv, _ = carry
        ivec = _splat(i).astype(jnp.int32)
        plsc.store_scatter(cxs, [ivec], cxv, mask=lane0)
        plsc.store_scatter(cys, [ivec], cyv, mask=lane0)
        plsc.store_scatter(czs, [ivec], czv, mask=lane0)

        @plsc.parallel_loop(0, NPQ // L, 4, unroll=2,
                            carry=(jnp.full((L,), -1.0, jnp.float32),
                                   jnp.zeros((L,), jnp.int32)))
        def chunk(j, cc):
            bestv, besti = cc
            for u in range(4):
                jj = j + u
                offs = base_pt + jj * L
                xv = x_ref[pl.ds(offs, L)]
                yv = y_ref[pl.ds(offs, L)]
                zv = z_ref[pl.ds(offs, L)]
                dx = xv - cxv
                dy = yv - cyv
                dz = zv - czv
                dist = (dx * dx + dz * dz) + dy * dy
                dold = d_ref[pl.ds(jj * L, L)]
                dnew = jnp.minimum(dold, dist)
                d_ref[pl.ds(jj * L, L)] = dnew
                idxv = offs + iota
                upd = dnew > bestv
                bestv = jnp.where(upd, dnew, bestv)
                besti = jnp.where(upd, idxv, besti)
            return (bestv, besti)

        bestv, besti = chunk
        mx = jnp.max(bestv)
        lidx = jnp.min(jnp.where(bestv == mx, besti, INT_MAX))

        ints = jnp.where(iota < 12, _splat(lidx), _splat(i)).astype(jnp.int32)
        rec = jnp.where(iota < 8, _splat(mx), plsc.bitcast(ints, jnp.float32))
        rf_ref[...] = rec
        par = (i & 1) * 32
        pltpu.sync_copy(rf_ref, shf.at[pl.ds((par + w) * L, L)])
        plsc.subcore_barrier()
        g0 = (w // NQ) * NQ
        rows = (iota & (NQ - 1)) * L

        def rd_body(tmin):
            pltpu.sync_copy(shf.at[pl.ds((par + g0) * L, NQ * L)], rinf_ref)
            tags = plsc.bitcast(plsc.load_gather(rinf_ref, [rows + 12]),
                                jnp.int32)
            return jnp.min(tags)

        lax.while_loop(lambda tmin: tmin < i, rd_body, jnp.int32(-1))
        mxs = plsc.load_gather(rinf_ref, [rows])
        idxs = plsc.bitcast(plsc.load_gather(rinf_ref, [rows + 8]), jnp.int32)
        gmx = jnp.max(mxs)
        widx = jnp.min(jnp.where(mxs == gmx, idxs, INT_MAX))
        wv = _splat(widx).astype(jnp.int32)
        ncx = plsc.load_gather(x_ref, [wv])
        ncy = plsc.load_gather(y_ref, [wv])
        ncz = plsc.load_gather(z_ref, [wv])
        return (ncx, ncy, ncz, _splat(gmx))

    rf_ref[...] = plsc.bitcast(jnp.full((L,), -1, jnp.int32), jnp.float32)
    pltpu.sync_copy(rf_ref, shf.at[pl.ds(w * L, L)])
    pltpu.sync_copy(rf_ref, shf.at[pl.ds((32 + w) * L, L)])
    plsc.subcore_barrier()

    cx0 = _splat(jnp.sum(jnp.where(lane0, x_ref[pl.ds(0, L)], 0.0)))
    cy0 = _splat(jnp.sum(jnp.where(lane0, y_ref[pl.ds(0, L)], 0.0)))
    cz0 = _splat(jnp.sum(jnp.where(lane0, z_ref[pl.ds(0, L)], 0.0)))
    zf = jnp.zeros((L,), jnp.float32)
    _, _, _, gmx_v = lax.fori_loop(0, G, fps_iter, (cx0, cy0, cz0, zf))

    row0 = p * RPQ

    def row_body(r, thr_in):
        rvec = _splat(row0 + r).astype(jnp.int32)
        cxv = plsc.load_gather(cxs, [rvec])
        cyv = plsc.load_gather(cys, [rvec])
        czv = plsc.load_gather(czs, [rvec])

        @plsc.parallel_loop(0, NCHUNK, 4, unroll=2,
                            carry=jnp.zeros((L,), jnp.int32))
        def pass1(cn, cnt_v):
            for u in range(4):
                sl = pl.ds((cn + u) * L, L)
                dx = x_ref[sl] - cxv
                dy = y_ref[sl] - cyv
                dz = z_ref[sl] - czv
                d = (dx * dx + dz * dz) + dy * dy
                drow_ref[sl] = d
                cnt_v = cnt_v + (d <= thr_in).astype(jnp.int32)
            return cnt_v

        c0 = jnp.sum(pass1)

        def grow_body(cc):
            thr_c, _ = cc
            thr_n = thr_c * 4.0 + 1e-30

            def recount(cn, cv):
                for u in range(4):
                    sl = pl.ds((cn * 4 + u) * L, L)
                    cv = cv + (drow_ref[sl] <= thr_n).astype(jnp.int32)
                return cv

            cv = lax.fori_loop(0, NCHUNK // 4, recount,
                               jnp.zeros((L,), jnp.int32))
            return (thr_n, jnp.sum(cv))

        thr_sel, _ = lax.while_loop(lambda cc: cc[1] < K, grow_body,
                                    (thr_in, c0))

        NQC = NCHUNK // 4

        @plsc.parallel_loop(0, NQC, 1, unroll=2,
                            carry=(jnp.int32(0), jnp.int32(0),
                                   jnp.int32(0), jnp.int32(0)))
        def pass2(cn, offs):
            new_offs = []
            for q in range(4):
                off = offs[q]
                cc2 = q * NQC + cn
                sl = pl.ds(cc2 * L, L)
                d = drow_ref[sl]
                m = d <= thr_sel
                idxv = cc2 * L + iota
                base = q * (N // 4)
                plsc.store_compressed(cand_d.at[pl.ds(base + off, L)], d,
                                      mask=m)
                plsc.store_compressed(cand_i.at[pl.ds(base + off, L)], idxv,
                                      mask=m)
                new_offs.append(off + plsc.all_reduce_population_count(m)[0])
            return tuple(new_offs)

        qsizes = pass2

        inf = jnp.full((L,), jnp.inf, jnp.float32)
        acc = (inf, jnp.zeros((L,), jnp.int32), inf,
               jnp.zeros((L,), jnp.int32))
        for q in range(4):
            qbase = q * (N // 4)
            qn = qsizes[q]
            qv = _splat(qn)

            def pass3(ci, cc, qbase=qbase, qv=qv):
                t0k, t0v, t1k, t1v = cc
                d = cand_d[pl.ds(qbase + ci * L, L)]
                idxv = cand_i[pl.ds(qbase + ci * L, L)]
                d = jnp.where(ci * L + iota < qv, d, jnp.inf)
                sk, sv = plsc.sort_key_val(d, idxv)
                rk = lax.rev(sk, (0,))
                rv = lax.rev(sv, (0,))
                m = t1k <= rk
                lok = jnp.where(m, t1k, rk)
                lov = jnp.where(m, t1v, rv)
                s1k, s1v = plsc.sort_key_val(lok, lov)
                r2k = lax.rev(s1k, (0,))
                r2v = lax.rev(s1v, (0,))
                m2 = t0k <= r2k
                l2k = jnp.where(m2, t0k, r2k)
                l2v = jnp.where(m2, t0v, r2v)
                h2k = jnp.where(m2, r2k, t0k)
                h2v = jnp.where(m2, r2v, t0v)
                nt0k, nt0v = plsc.sort_key_val(l2k, l2v)
                nt1k, nt1v = plsc.sort_key_val(h2k, h2v)
                return (nt0k, nt0v, nt1k, nt1v)

            acc = lax.fori_loop(0, (qn + L - 1) // L, pass3, acc)
        t0k, t0v, t1k, t1v = acc
        thr_out = _splat(jnp.max(t1k)) * 2.0

        for half, tv in ((0, t0v), (1, t1v)):
            gx = plsc.load_gather(x_ref, [tv]) - cxv
            gy = plsc.load_gather(y_ref, [tv]) - cyv
            gz = plsc.load_gather(z_ref, [tv]) - czv
            kpos = (r * K + half * L + iota) * 3
            plsc.store_scatter(out_stage, [kpos], gx)
            plsc.store_scatter(out_stage, [kpos + 1], gy)
            plsc.store_scatter(out_stage, [kpos + 2], gz)
        return thr_out

    lax.fori_loop(0, RPQ, row_body, gmx_v * 4.0)
    pltpu.sync_copy(out_stage,
                    neigh_hbm.at[pl.ds((b * G + row0) * K * 3, RPQ * K * 3)])

    @pl.when(p == 0)
    def _():
        def cent_chunk(i, carry):
            idxv = (i * L + iota) * 3
            for coord, ref in ((0, cxs), (1, cys), (2, czs)):
                v = ref[pl.ds(i * L, L)]
                plsc.store_scatter(cent_stage, [idxv + coord], v)
            return carry

        lax.fori_loop(0, G // L, cent_chunk, 0)
        pltpu.sync_copy(cent_stage, cent_hbm.at[pl.ds(b * G * 3, G * 3)])


@jax.jit
def kernel(xyz):
    xyz_flat = jnp.transpose(xyz, (0, 2, 1)).reshape(-1)
    mesh = plsc.VectorSubcoreMesh(core_axis_name="c", subcore_axis_name="s")
    fn = functools.partial(
        pl.kernel,
        out_type=(jax.ShapeDtypeStruct((B * G * K * 3,), jnp.float32),
                  jax.ShapeDtypeStruct((B * G * 3,), jnp.float32)),
        mesh=mesh,
        compiler_params=pltpu.CompilerParams(needs_layout_passes=False),
        scratch_types=[
            pltpu.VMEM((N,), jnp.float32),
            pltpu.VMEM((N,), jnp.float32),
            pltpu.VMEM((N,), jnp.float32),
            pltpu.VMEM((NPQ,), jnp.float32),
            pltpu.VMEM((G,), jnp.float32),
            pltpu.VMEM((G,), jnp.float32),
            pltpu.VMEM((G,), jnp.float32),
            pltpu.VMEM((RPQ * K * 3,), jnp.float32),
            pltpu.VMEM((G * 3,), jnp.float32),
            pltpu.VMEM((L,), jnp.float32),
            pltpu.VMEM((NQ * L,), jnp.float32),
            pltpu.VMEM((N,), jnp.float32),
            pltpu.VMEM((N + L,), jnp.float32),
            pltpu.VMEM((N + L,), jnp.int32),
            pltpu.VMEM_SHARED((2 * 32 * L,), jnp.float32),
        ],
    )(_sc_group_kernel)
    neigh, cent = fn(xyz_flat)
    return neigh.reshape(B, G, K, 3), cent.reshape(B, G, 3)

# --- scband reference (transcript-rebuilt; emitter-appended) ---
"""Pipeline reference for scband-group-cpu-28063316312779 (READ-ONLY COPY).

The authoritative reference and input builder live on the scoring server;
editing this copy changes nothing except your own understanding.
"""

import jax, jax.numpy as jnp
import numpy as np
from jax import lax

NUM_GROUP = 512
GROUP_SIZE = 32


def setup_inputs(seed: int = 0) -> dict:
    key = jax.random.key(seed)
    xyz = jax.random.normal(key, (8, 8192, 3), dtype=jnp.float32)
    return {"xyz": xyz}


def _fps(xyz, npoint):
    # Farthest point sampling. The torch reference seeds the first centroid with
    # np.random.randint; we use a deterministic start index of 0 for reproducibility.
    N = xyz.shape[0]

    def body(i, state):
        centroids, distance, farthest = state
        centroids = centroids.at[i].set(farthest)
        centroid = xyz[farthest]
        dist = jnp.sum((xyz - centroid) ** 2, axis=1)
        distance = jnp.minimum(distance, dist)
        farthest = jnp.argmax(distance).astype(jnp.int32)
        return (centroids, distance, farthest)

    centroids0 = jnp.zeros((npoint,), dtype=jnp.int32)
    distance0 = jnp.full((N,), 1e10, dtype=jnp.float32)
    farthest0 = jnp.array(0, dtype=jnp.int32)
    centroids, _, _ = lax.fori_loop(0, npoint, body, (centroids0, distance0, farthest0))
    return centroids


def _group_one(xyz_b):
    # FPS and kNN index computation operate on detached coordinates in the torch
    # reference (xyz.detach().cpu().numpy()), so we stop gradients there.
    xyz_det = lax.stop_gradient(xyz_b)
    center_idx = _fps(xyz_det, NUM_GROUP)            # [G] int32
    centers = xyz_b[center_idx]                      # [G, 3] (differentiable gather)
    centers_det = xyz_det[center_idx]                # [G, 3] detached
    # pairwise squared distances [G, N]
    dists = jnp.sum((centers_det[:, None, :] - xyz_det[None, :, :]) ** 2, axis=2)
    knn_idx = jnp.argsort(dists, axis=1)[:, :GROUP_SIZE]   # [G, K]
    neighborhood = xyz_b[knn_idx.reshape(-1)].reshape(NUM_GROUP, GROUP_SIZE, 3)
    neighborhood = neighborhood - centers[:, None, :]
    return neighborhood, centers


def reference(xyz):
    neighborhoods, centers = jax.vmap(_group_one)(xyz)
    return (neighborhoods, centers)

if __name__ == "__main__":
    import jax
    _d = setup_inputs()
    print(jax.jit(kernel)(*tuple(_d.values())))

</pallas_src>

<mosaic_0001>
#map = affine_map<(d0, d1) -> (0)>
module attributes {stable_mosaic.version = 14 : i64} {
  func.func @_sc_group_kernel(%arg0: i32, %arg1: i32, %arg2: memref<196608xf32, #tpu.memory_space<hbm>>, %arg3: memref<393216xf32, #tpu.memory_space<hbm>>, %arg4: memref<12288xf32, #tpu.memory_space<hbm>>, %arg5: memref<8192xf32, #tpu.memory_space<vmem>>, %arg6: memref<8192xf32, #tpu.memory_space<vmem>>, %arg7: memref<8192xf32, #tpu.memory_space<vmem>>, %arg8: memref<2048xf32, #tpu.memory_space<vmem>>, %arg9: memref<512xf32, #tpu.memory_space<vmem>>, %arg10: memref<512xf32, #tpu.memory_space<vmem>>, %arg11: memref<512xf32, #tpu.memory_space<vmem>>, %arg12: memref<12288xf32, #tpu.memory_space<vmem>>, %arg13: memref<1536xf32, #tpu.memory_space<vmem>>, %arg14: memref<16xf32, #tpu.memory_space<vmem>>, %arg15: memref<64xf32, #tpu.memory_space<vmem>>, %arg16: memref<8192xf32, #tpu.memory_space<vmem>>, %arg17: memref<8208xf32, #tpu.memory_space<vmem>>, %arg18: memref<8208xi32, #tpu.memory_space<vmem>>, %arg19: memref<1024xf32, #tpu.memory_space<vmem_shared>>) attributes {dimension_semantics = [#tpu.dimension_semantics<core_parallel>, #tpu.dimension_semantics<subcore_parallel>], iteration_bounds = array<i64: 2, 16>, scalar_prefetch = 0 : i64, scratch_operands = 15 : i64, tpu.core_type = #tpu.core_type<sc_vector_subcore>, window_params = [{transform_indices = #map}, {transform_indices = #map}, {transform_indices = #map}]} {
    %mul3A = arith.constant 16 : i32
    %mul3A_0 = arith.muli %arg0, %mul3A : i32
    %add3A = arith.addi %mul3A_0, %arg1 : i32
    %jit3A = arith.constant 4 : i32
    %div3A = arith.divsi %add3A, %jit3A : i32
    %sign3A = arith.constant 0 : i32
    %sign3A_1 = arith.cmpi sgt, %add3A, %sign3A : i32
    %sign3A_2 = arith.extui %sign3A_1 : i1 to i32
    %sign3A_3 = arith.constant 0 : i32
    %sign3A_4 = arith.cmpi slt, %add3A, %sign3A_3 : i32
    %sign3A_5 = arith.extui %sign3A_4 : i1 to i32
    %sign3A_6 = arith.subi %sign3A_2, %sign3A_5 : i32
    %sign3A_7 = arith.constant 0 : i32
    %sign3A_8 = arith.cmpi sgt, %jit3A, %sign3A_7 : i32
    %sign3A_9 = arith.extui %sign3A_8 : i1 to i32
    %sign3A_10 = arith.constant 0 : i32
    %sign3A_11 = arith.cmpi slt, %jit3A, %sign3A_10 : i32
    %sign3A_12 = arith.extui %sign3A_11 : i1 to i32
    %sign3A_13 = arith.subi %sign3A_9, %sign3A_12 : i32
    %ne3A = arith.cmpi ne, %sign3A_6, %sign3A_13 : i32
    %rem3A = arith.remsi %add3A, %jit3A : i32
    %ne3A_14 = arith.constant 0 : i32
    %ne3A_15 = arith.cmpi ne, %rem3A, %ne3A_14 : i32
    %and3A = arith.andi %ne3A, %ne3A_15 : i1
    %sub3A = arith.constant 1 : i32
    %sub3A_16 = arith.subi %div3A, %sub3A : i32
    %select_n3A = arith.select %and3A, %sub3A_16, %div3A : i32
    %jit3A_17 = arith.constant 4 : i32
    %eq3A = arith.constant 0 : i32
    %eq3A_18 = arith.cmpi eq, %jit3A_17, %eq3A : i32
    %jit3A_19 = arith.constant 1 : i32
    %select_n3A_20 = arith.select %eq3A_18, %jit3A_19, %jit3A_17 : i32
    %rem3A_21 = arith.remsi %add3A, %select_n3A_20 : i32
    %ne3A_22 = arith.constant 0 : i32
    %ne3A_23 = arith.cmpi ne, %rem3A_21, %ne3A_22 : i32
    %lt3A = arith.constant 0 : i32
    %lt3A_24 = arith.cmpi slt, %rem3A_21, %lt3A : i32
    %lt3A_25 = arith.constant 0 : i32
    %lt3A_26 = arith.cmpi slt, %select_n3A_20, %lt3A_25 : i32
    %ne3A_27 = arith.xori %lt3A_24, %lt3A_26 : i1
    %and3A_28 = arith.andi %ne3A_27, %ne3A_23 : i1
    %add3A_29 = arith.addi %rem3A_21, %select_n3A_20 : i32
    %select_n3A_30 = arith.select %and3A_28, %add3A_29, %rem3A_21 : i32
    %iota3A = tpu.iota {dimensions = array<i32: 0>} : vector<16xi32>
    %eq3A_31 = arith.constant 0 : i32
    %eq3A_32 = vector.broadcast %eq3A_31 : i32 to vector<16xi32>
    %eq3A_33 = arith.cmpi eq, %iota3A, %eq3A_32 : vector<16xi32>
    %mul3A_34 = arith.constant 2048 : i32
    %mul3A_35 = arith.muli %select_n3A_30, %mul3A_34 : i32
    %mul3A_36 = arith.constant 3 : i32
    %mul3A_37 = arith.muli %select_n3A, %mul3A_36 : i32
    %add3A_38 = arith.constant 0 : i32
    %add3A_39 = arith.addi %mul3A_37, %add3A_38 : i32
    %mul3A_40 = arith.constant 8192 : i32
    %mul3A_41 = arith.muli %add3A_39, %mul3A_40 : i32
    "tpu.region"() ({
      %run_scoped3A = tpu.sem_alloc : memref<!tpu.dma_semaphore, #tpu.memory_space<semaphore_mem>>
      %dma_start3A = tpu.memref_slice %arg2[%mul3A_41] : memref<196608xf32, #tpu.memory_space<hbm>> -> memref<8192xf32, #tpu.memory_space<hbm>>
      %dma_start3A_124 = tpu.memref_slice %arg2[%mul3A_41] : memref<196608xf32, #tpu.memory_space<hbm>> -> memref<8192xf32, #tpu.memory_space<hbm>>
      tpu.enqueue_dma source(%dma_start3A_124 : memref<8192xf32, #tpu.memory_space<hbm>>) target(%arg5 : memref<8192xf32, #tpu.memory_space<vmem>>) target_semaphore(%run_scoped3A : memref<!tpu.dma_semaphore, #tpu.memory_space<semaphore_mem>>)
      %dma_wait3A = tpu.memref_slice %arg2[%mul3A_41] : memref<196608xf32, #tpu.memory_space<hbm>> -> memref<8192xf32, #tpu.memory_space<hbm>>
      %dma_wait3A_125 = tpu.memref_slice %arg2[%mul3A_41] : memref<196608xf32, #tpu.memory_space<hbm>> -> memref<8192xf32, #tpu.memory_space<hbm>>
      tpu.wait_dma2 semaphore(%run_scoped3A : memref<!tpu.dma_semaphore, #tpu.memory_space<semaphore_mem>>) src(%dma_wait3A_125 : memref<8192xf32, #tpu.memory_space<hbm>>) dst(%arg5 : memref<8192xf32, #tpu.memory_space<vmem>>)
      tpu.yield
    }) : () -> ()
    %mul3A_42 = arith.constant 3 : i32
    %mul3A_43 = arith.muli %select_n3A, %mul3A_42 : i32
    %add3A_44 = arith.constant 1 : i32
    %add3A_45 = arith.addi %mul3A_43, %add3A_44 : i32
    %mul3A_46 = arith.constant 8192 : i32
    %mul3A_47 = arith.muli %add3A_45, %mul3A_46 : i32
    "tpu.region"() ({
      %run_scoped3A = tpu.sem_alloc : memref<!tpu.dma_semaphore, #tpu.memory_space<semaphore_mem>>
      %dma_start3A = tpu.memref_slice %arg2[%mul3A_47] : memref<196608xf32, #tpu.memory_space<hbm>> -> memref<8192xf32, #tpu.memory_space<hbm>>
      %dma_start3A_124 = tpu.memref_slice %arg2[%mul3A_47] : memref<196608xf32, #tpu.memory_space<hbm>> -> memref<8192xf32, #tpu.memory_space<hbm>>
      tpu.enqueue_dma source(%dma_start3A_124 : memref<8192xf32, #tpu.memory_space<hbm>>) target(%arg6 : memref<8192xf32, #tpu.memory_space<vmem>>) target_semaphore(%run_scoped3A : memref<!tpu.dma_semaphore, #tpu.memory_space<semaphore_mem>>)
      %dma_wait3A = tpu.memref_slice %arg2[%mul3A_47] : memref<196608xf32, #tpu.memory_space<hbm>> -> memref<8192xf32, #tpu.memory_space<hbm>>
      %dma_wait3A_125 = tpu.memref_slice %arg2[%mul3A_47] : memref<196608xf32, #tpu.memory_space<hbm>> -> memref<8192xf32, #tpu.memory_space<hbm>>
      tpu.wait_dma2 semaphore(%run_scoped3A : memref<!tpu.dma_semaphore, #tpu.memory_space<semaphore_mem>>) src(%dma_wait3A_125 : memref<8192xf32, #tpu.memory_space<hbm>>) dst(%arg6 : memref<8192xf32, #tpu.memory_space<vmem>>)
      tpu.yield
    }) : () -> ()
    %mul3A_48 = arith.constant 3 : i32
    %mul3A_49 = arith.muli %select_n3A, %mul3A_48 : i32
    %add3A_50 = arith.constant 2 : i32
    %add3A_51 = arith.addi %mul3A_49, %add3A_50 : i32
    %mul3A_52 = arith.constant 8192 : i32
    %mul3A_53 = arith.muli %add3A_51, %mul3A_52 : i32
    "tpu.region"() ({
      %run_scoped3A = tpu.sem_alloc : memref<!tpu.dma_semaphore, #tpu.memory_space<semaphore_mem>>
      %dma_start3A = tpu.memref_slice %arg2[%mul3A_53] : memref<196608xf32, #tpu.memory_space<hbm>> -> memref<8192xf32, #tpu.memory_space<hbm>>
      %dma_start3A_124 = tpu.memref_slice %arg2[%mul3A_53] : memref<196608xf32, #tpu.memory_space<hbm>> -> memref<8192xf32, #tpu.memory_space<hbm>>
      tpu.enqueue_dma source(%dma_start3A_124 : memref<8192xf32, #tpu.memory_space<hbm>>) target(%arg7 : memref<8192xf32, #tpu.memory_space<vmem>>) target_semaphore(%run_scoped3A : memref<!tpu.dma_semaphore, #tpu.memory_space<semaphore_mem>>)
      %dma_wait3A = tpu.memref_slice %arg2[%mul3A_53] : memref<196608xf32, #tpu.memory_space<hbm>> -> memref<8192xf32, #tpu.memory_space<hbm>>
      %dma_wait3A_125 = tpu.memref_slice %arg2[%mul3A_53] : memref<196608xf32, #tpu.memory_space<hbm>> -> memref<8192xf32, #tpu.memory_space<hbm>>
      tpu.wait_dma2 semaphore(%run_scoped3A : memref<!tpu.dma_semaphore, #tpu.memory_space<semaphore_mem>>) src(%dma_wait3A_125 : memref<8192xf32, #tpu.memory_space<hbm>>) dst(%arg7 : memref<8192xf32, #tpu.memory_space<vmem>>)
      tpu.yield
    }) : () -> ()
    %scan3A = arith.constant 0 : i32
    %scan3A_54 = arith.constant 0 : i32
    %scan3A_55 = arith.constant 128 : i32
    %scan3A_56 = arith.addi %scan3A_54, %scan3A_55 : i32
    %scan3A_57 = arith.constant 1 : i32
    scf.for %scan3A_124 = %scan3A_54 to %scan3A_56 step %scan3A_57  : i32 {
      %broadcast_in_dim3A_125 = arith.constant 1.000000e+10 : f32
      %broadcast_in_dim3A_126 = vector.broadcast %broadcast_in_dim3A_125 : f32 to vector<16xf32>
      %mul3A_127 = arith.constant 16 : i32
      %mul3A_128 = arith.muli %scan3A_124, %mul3A_127 : i32
      %swap3A_129 = arith.index_cast %mul3A_128 : i32 to index
      %swap3A_130 = tpu.vector_load %arg8[%swap3A_129] {strides = array<i32>} : memref<2048xf32, #tpu.memory_space<vmem>>, vector<16xf32>,
      tpu.vector_store %arg8[%swap3A_129], %broadcast_in_dim3A_126 {strides = array<i32>} : memref<2048xf32, #tpu.memory_space<vmem>>, vector<16xf32>,
    }
    %scan3A_58 = arith.constant 128 : i32
    %broadcast_in_dim3A = arith.constant -1 : i32
    %broadcast_in_dim3A_59 = vector.broadcast %broadcast_in_dim3A : i32 to vector<16xi32>
    %bitcast3A = vector.bitcast %broadcast_in_dim3A_59 : vector<16xi32> to vector<16xf32>
    %swap3A = arith.constant 0 : index
    %swap3A_60 = tpu.vector_load %arg14[%swap3A] {strides = array<i32>} : memref<16xf32, #tpu.memory_space<vmem>>, vector<16xf32>,
    tpu.vector_store %arg14[%swap3A], %bitcast3A {strides = array<i32>} : memref<16xf32, #tpu.memory_space<vmem>>, vector<16xf32>,
    %mul3A_61 = arith.constant 16 : i32
    %mul3A_62 = arith.muli %add3A, %mul3A_61 : i32
    "tpu.region"() ({
      %run_scoped3A = tpu.sem_alloc : memref<!tpu.dma_semaphore, #tpu.memory_space<semaphore_mem>>
      %dma_start3A = tpu.memref_slice %arg19[%mul3A_62] : memref<1024xf32, #tpu.memory_space<vmem_shared>> -> memref<16xf32, #tpu.memory_space<vmem_shared>>
      %dma_start3A_124 = tpu.memref_slice %arg19[%mul3A_62] : memref<1024xf32, #tpu.memory_space<vmem_shared>> -> memref<16xf32, #tpu.memory_space<vmem_shared>>
      tpu.enqueue_dma source(%arg14 : memref<16xf32, #tpu.memory_space<vmem>>) target(%dma_start3A_124 : memref<16xf32, #tpu.memory_space<vmem_shared>>) target_semaphore(%run_scoped3A : memref<!tpu.dma_semaphore, #tpu.memory_space<semaphore_mem>>)
      %dma_wait3A = tpu.memref_slice %arg19[%mul3A_62] : memref<1024xf32, #tpu.memory_space<vmem_shared>> -> memref<16xf32, #tpu.memory_space<vmem_shared>>
      %dma_wait3A_125 = tpu.memref_slice %arg19[%mul3A_62] : memref<1024xf32, #tpu.memory_space<vmem_shared>> -> memref<16xf32, #tpu.memory_space<vmem_shared>>
      tpu.wait_dma2 semaphore(%run_scoped3A : memref<!tpu.dma_semaphore, #tpu.memory_space<semaphore_mem>>) src(%arg14 : memref<16xf32, #tpu.memory_space<vmem>>) dst(%dma_wait3A_125 : memref<16xf32, #tpu.memory_space<vmem_shared>>)
      tpu.yield
    }) : () -> ()
    %add3A_63 = arith.constant 32 : i32
    %add3A_64 = arith.addi %add3A_63, %add3A : i32
    %mul3A_65 = arith.constant 16 : i32
    %mul3A_66 = arith.muli %add3A_64, %mul3A_65 : i32
    "tpu.region"() ({
      %run_scoped3A = tpu.sem_alloc : memref<!tpu.dma_semaphore, #tpu.memory_space<semaphore_mem>>
      %dma_start3A = tpu.memref_slice %arg19[%mul3A_66] : memref<1024xf32, #tpu.memory_space<vmem_shared>> -> memref<16xf32, #tpu.memory_space<vmem_shared>>
      %dma_start3A_124 = tpu.memref_slice %arg19[%mul3A_66] : memref<1024xf32, #tpu.memory_space<vmem_shared>> -> memref<16xf32, #tpu.memory_space<vmem_shared>>
      tpu.enqueue_dma source(%arg14 : memref<16xf32, #tpu.memory_space<vmem>>) target(%dma_start3A_124 : memref<16xf32, #tpu.memory_space<vmem_shared>>) target_semaphore(%run_scoped3A : memref<!tpu.dma_semaphore, #tpu.memory_space<semaphore_mem>>)
      %dma_wait3A = tpu.memref_slice %arg19[%mul3A_66] : memref<1024xf32, #tpu.memory_space<vmem_shared>> -> memref<16xf32, #tpu.memory_space<vmem_shared>>
      %dma_wait3A_125 = tpu.memref_slice %arg19[%mul3A_66] : memref<1024xf32, #tpu.memory_space<vmem_shared>> -> memref<16xf32, #tpu.memory_space<vmem_shared>>
      tpu.wait_dma2 semaphore(%run_scoped3A : memref<!tpu.dma_semaphore, #tpu.memory_space<semaphore_mem>>) src(%arg14 : memref<16xf32, #tpu.memory_space<vmem>>) dst(%dma_wait3A_125 : memref<16xf32, #tpu.memory_space<vmem_shared>>)
      tpu.yield
    }) : () -> ()
    %barrier3A = arith.constant 0 : index
    tpu.barrier barrier_id(%barrier3A)
    %get3A = arith.constant 0 : index
    %get3A_67 = tpu.vector_load %arg5[%get3A] {strides = array<i32>} : memref<8192xf32, #tpu.memory_space<vmem>>, vector<16xf32>,
    %jit3A_68 = arith.constant 0.000000e+00 : f32
    %broadcast_in_dim3A_69 = vector.broadcast %jit3A_68 : f32 to vector<16xf32>
    %select_n3A_70 = arith.select %eq3A_33, %get3A_67, %broadcast_in_dim3A_69 : vector<16xi1>, vector<16xf32>
    %reduce_sum3A = arith.constant true
    %reduce_sum3A_71 = vector.broadcast %reduce_sum3A : i1 to vector<16xi1>
    %reduce_sum3A_72 = tpu.scan <sum>, %select_n3A_70 masked %reduce_sum3A_71 : vector<16xf32>, vector<16xi1> -> vector<16xf32>
    %reduce_sum3A_73 = vector.extract %reduce_sum3A_72[15] : f32 from vector<16xf32>
    %broadcast_in_dim3A_74 = vector.broadcast %reduce_sum3A_73 : f32 to vector<16xf32>
    %get3A_75 = arith.constant 0 : index
    %get3A_76 = tpu.vector_load %arg6[%get3A_75] {strides = array<i32>} : memref<8192xf32, #tpu.memory_space<vmem>>, vector<16xf32>,
    %jit3A_77 = arith.constant 0.000000e+00 : f32
    %broadcast_in_dim3A_78 = vector.broadcast %jit3A_77 : f32 to vector<16xf32>
    %select_n3A_79 = arith.select %eq3A_33, %get3A_76, %broadcast_in_dim3A_78 : vector<16xi1>, vector<16xf32>
    %reduce_sum3A_80 = arith.constant true
    %reduce_sum3A_81 = vector.broadcast %reduce_sum3A_80 : i1 to vector<16xi1>
    %reduce_sum3A_82 = tpu.scan <sum>, %select_n3A_79 masked %reduce_sum3A_81 : vector<16xf32>, vector<16xi1> -> vector<16xf32>
    %reduce_sum3A_83 = vector.extract %reduce_sum3A_82[15] : f32 from vector<16xf32>
    %broadcast_in_dim3A_84 = vector.broadcast %reduce_sum3A_83 : f32 to vector<16xf32>
    %get3A_85 = arith.constant 0 : index
    %get3A_86 = tpu.vector_load %arg7[%get3A_85] {strides = array<i32>} : memref<8192xf32, #tpu.memory_space<vmem>>, vector<16xf32>,
    %jit3A_87 = arith.constant 0.000000e+00 : f32
    %broadcast_in_dim3A_88 = vector.broadcast %jit3A_87 : f32 to vector<16xf32>
    %select_n3A_89 = arith.select %eq3A_33, %get3A_86, %broadcast_in_dim3A_88 : vector<16xi1>, vector<16xf32>
    %reduce_sum3A_90 = arith.constant true
    %reduce_sum3A_91 = vector.broadcast %reduce_sum3A_90 : i1 to vector<16xi1>
    %reduce_sum3A_92 = tpu.scan <sum>, %select_n3A_89 masked %reduce_sum3A_91 : vector<16xf32>, vector<16xi1> -> vector<16xf32>
    %reduce_sum3A_93 = vector.extract %reduce_sum3A_92[15] : f32 from vector<16xf32>
    %broadcast_in_dim3A_94 = vector.broadcast %reduce_sum3A_93 : f32 to vector<16xf32>
    %broadcast_in_dim3A_95 = arith.constant 0.000000e+00 : f32
    %broadcast_in_dim3A_96 = vector.broadcast %broadcast_in_dim3A_95 : f32 to vector<16xf32>
    %scan3A_97 = arith.constant 0 : i32
    %scan3A_98 = arith.constant 512 : i32
    %scan3A_99 = arith.addi %scan3A_97, %scan3A_98 : i32
    %scan3A_100 = arith.constant 1 : i32
    %scan3A_101:4 = scf.for %scan3A_124 = %scan3A_97 to %scan3A_99 step %scan3A_100 iter_args(%scan3A_125 = %broadcast_in_dim3A_74, %scan3A_126 = %broadcast_in_dim3A_84, %scan3A_127 = %broadcast_in_dim3A_94, %scan3A_128 = %broadcast_in_dim3A_96) -> (vector<16xf32>, vector<16xf32>, vector<16xf32>, vector<16xf32>)  : i32 {
      %broadcast_in_dim3A_129 = vector.broadcast %scan3A_124 : i32 to vector<16xi32>
      tpu.vector_store_idx %arg9[%broadcast_in_dim3A_129], %scan3A_125 masked %eq3A_33 : memref<512xf32, #tpu.memory_space<vmem>>[vector<16xi32>], vector<16xf32>, vector<16xi1>
      tpu.vector_store_idx %arg10[%broadcast_in_dim3A_129], %scan3A_126 masked %eq3A_33 : memref<512xf32, #tpu.memory_space<vmem>>[vector<16xi32>], vector<16xf32>, vector<16xi1>
      tpu.vector_store_idx %arg11[%broadcast_in_dim3A_129], %scan3A_127 masked %eq3A_33 : memref<512xf32, #tpu.memory_space<vmem>>[vector<16xi32>], vector<16xf32>, vector<16xi1>
      %broadcast_in_dim3A_130 = arith.constant -1.000000e+00 : f32
      %broadcast_in_dim3A_131 = vector.broadcast %broadcast_in_dim3A_130 : f32 to vector<16xf32>
      %broadcast_in_dim3A_132 = arith.constant 0 : i32
      %broadcast_in_dim3A_133 = vector.broadcast %broadcast_in_dim3A_132 : i32 to vector<16xi32>
      %parallel_loop3A = arith.constant 0 : i32
      %parallel_loop3A_134 = arith.constant 128 : i32
      %parallel_loop3A_135 = arith.constant 4 : i32
      %parallel_loop3A_136:2 = scf.for %parallel_loop3A_234 = %parallel_loop3A to %parallel_loop3A_134 step %parallel_loop3A_135 iter_args(%parallel_loop3A_235 = %broadcast_in_dim3A_131, %parallel_loop3A_236 = %broadcast_in_dim3A_133) -> (vector<16xf32>, vector<16xi32>)  : i32 {
        %parallel_loop3A_237 = arith.constant 0 : i32
        %parallel_loop3A_238 = arith.addi %parallel_loop3A_234, %parallel_loop3A_237 : i32
        %parallel_loop3A_239 = arith.constant 16 : i32
        %parallel_loop3A_240 = arith.muli %parallel_loop3A_238, %parallel_loop3A_239 : i32
        %parallel_loop3A_241 = arith.addi %mul3A_35, %parallel_loop3A_240 : i32
        %parallel_loop3A_242 = arith.index_cast %parallel_loop3A_241 : i32 to index
        %parallel_loop3A_243 = tpu.vector_load %arg5[%parallel_loop3A_242] {strides = array<i32>} : memref<8192xf32, #tpu.memory_space<vmem>>, vector<16xf32>,
        %parallel_loop3A_244 = arith.index_cast %parallel_loop3A_241 : i32 to index
        %parallel_loop3A_245 = tpu.vector_load %arg6[%parallel_loop3A_244] {strides = array<i32>} : memref<8192xf32, #tpu.memory_space<vmem>>, vector<16xf32>,
        %parallel_loop3A_246 = arith.index_cast %parallel_loop3A_241 : i32 to index
        %parallel_loop3A_247 = tpu.vector_load %arg7[%parallel_loop3A_246] {strides = array<i32>} : memref<8192xf32, #tpu.memory_space<vmem>>, vector<16xf32>,
        %parallel_loop3A_248 = arith.subf %parallel_loop3A_243, %scan3A_125 : vector<16xf32>
        %parallel_loop3A_249 = arith.subf %parallel_loop3A_245, %scan3A_126 : vector<16xf32>
        %parallel_loop3A_250 = arith.subf %parallel_loop3A_247, %scan3A_127 : vector<16xf32>
        %parallel_loop3A_251 = arith.mulf %parallel_loop3A_248, %parallel_loop3A_248 : vector<16xf32>
        %parallel_loop3A_252 = arith.mulf %parallel_loop3A_250, %parallel_loop3A_250 : vector<16xf32>
        %parallel_loop3A_253 = arith.addf %parallel_loop3A_251, %parallel_loop3A_252 : vector<16xf32>
        %parallel_loop3A_254 = arith.mulf %parallel_loop3A_249, %parallel_loop3A_249 : vector<16xf32>
        %parallel_loop3A_255 = arith.addf %parallel_loop3A_253, %parallel_loop3A_254 : vector<16xf32>
        %parallel_loop3A_256 = arith.constant 16 : i32
        %parallel_loop3A_257 = arith.muli %parallel_loop3A_238, %parallel_loop3A_256 : i32
        %parallel_loop3A_258 = arith.index_cast %parallel_loop3A_257 : i32 to index
        %parallel_loop3A_259 = tpu.vector_load %arg8[%parallel_loop3A_258] {strides = array<i32>} : memref<2048xf32, #tpu.memory_space<vmem>>, vector<16xf32>,
        %parallel_loop3A_260 = arith.minimumf %parallel_loop3A_259, %parallel_loop3A_255 : vector<16xf32>
        %parallel_loop3A_261 = arith.constant 16 : i32
        %parallel_loop3A_262 = arith.muli %parallel_loop3A_238, %parallel_loop3A_261 : i32
        %parallel_loop3A_263 = arith.index_cast %parallel_loop3A_262 : i32 to index
        %parallel_loop3A_264 = tpu.vector_load %arg8[%parallel_loop3A_263] {strides = array<i32>} : memref<2048xf32, #tpu.memory_space<vmem>>, vector<16xf32>,
        tpu.vector_store %arg8[%parallel_loop3A_263], %parallel_loop3A_260 {strides = array<i32>} : memref<2048xf32, #tpu.memory_space<vmem>>, vector<16xf32>,
        %parallel_loop3A_265 = vector.broadcast %parallel_loop3A_241 : i32 to vector<16xi32>
        %parallel_loop3A_266 = arith.addi %parallel_loop3A_265, %iota3A : vector<16xi32>
        %parallel_loop3A_267 = arith.cmpf ogt, %parallel_loop3A_260, %parallel_loop3A_235 : vector<16xf32>
        %parallel_loop3A_268 = arith.select %parallel_loop3A_267, %parallel_loop3A_260, %parallel_loop3A_235 : vector<16xi1>, vector<16xf32>
        %parallel_loop3A_269 = arith.select %parallel_loop3A_267, %parallel_loop3A_266, %parallel_loop3A_236 : vector<16xi1>, vector<16xi32>
        %parallel_loop3A_270 = arith.constant 1 : i32
        %parallel_loop3A_271 = arith.addi %parallel_loop3A_234, %parallel_loop3A_270 : i32
        %parallel_loop3A_272 = arith.constant 16 : i32
        %parallel_loop3A_273 = arith.muli %parallel_loop3A_271, %parallel_loop3A_272 : i32
        %parallel_loop3A_274 = arith.addi %mul3A_35, %parallel_loop3A_273 : i32
        %parallel_loop3A_275 = arith.index_cast %parallel_loop3A_274 : i32 to index
        %parallel_loop3A_276 = tpu.vector_load %arg5[%parallel_loop3A_275] {strides = array<i32>} : memref<8192xf32, #tpu.memory_space<vmem>>, vector<16xf32>,
        %parallel_loop3A_277 = arith.index_cast %parallel_loop3A_274 : i32 to index
        %parallel_loop3A_278 = tpu.vector_load %arg6[%parallel_loop3A_277] {strides = array<i32>} : memref<8192xf32, #tpu.memory_space<vmem>>, vector<16xf32>,
        %parallel_loop3A_279 = arith.index_cast %parallel_loop3A_274 : i32 to index
        %parallel_loop3A_280 = tpu.vector_load %arg7[%parallel_loop3A_279] {strides = array<i32>} : memref<8192xf32, #tpu.memory_space<vmem>>, vector<16xf32>,
        %parallel_loop3A_281 = arith.subf %parallel_loop3A_276, %scan3A_125 : vector<16xf32>
        %parallel_loop3A_282 = arith.subf %parallel_loop3A_278, %scan3A_126 : vector<16xf32>
        %parallel_loop3A_283 = arith.subf %parallel_loop3A_280, %scan3A_127 : vector<16xf32>
        %parallel_loop3A_284 = arith.mulf %parallel_loop3A_281, %parallel_loop3A_281 : vector<16xf32>
        %parallel_loop3A_285 = arith.mulf %parallel_loop3A_283, %parallel_loop3A_283 : vector<16xf32>
        %parallel_loop3A_286 = arith.addf %parallel_loop3A_284, %parallel_loop3A_285 : vector<16xf32>
        %parallel_loop3A_287 = arith.mulf %parallel_loop3A_282, %parallel_loop3A_282 : vector<16xf32>
        %parallel_loop3A_288 = arith.addf %parallel_loop3A_286, %parallel_loop3A_287 : vector<16xf32>
        %parallel_loop3A_289 = arith.constant 16 : i32
        %parallel_loop3A_290 = arith.muli %parallel_loop3A_271, %parallel_loop3A_289 : i32
        %parallel_loop3A_291 = arith.index_cast %parallel_loop3A_290 : i32 to index
        %parallel_loop3A_292 = tpu.vector_load %arg8[%parallel_loop3A_291] {strides = array<i32>} : memref<2048xf32, #tpu.memory_space<vmem>>, vector<16xf32>,
        %parallel_loop3A_293 = arith.minimumf %parallel_loop3A_292, %parallel_loop3A_288 : vector<16xf32>
        %parallel_loop3A_294 = arith.constant 16 : i32
        %parallel_loop3A_295 = arith.muli %parallel_loop3A_271, %parallel_loop3A_294 : i32
        %parallel_loop3A_296 = arith.index_cast %parallel_loop3A_295 : i32 to index
        %parallel_loop3A_297 = tpu.vector_load %arg8[%parallel_loop3A_296] {strides = array<i32>} : memref<2048xf32, #tpu.memory_space<vmem>>, vector<16xf32>,
        tpu.vector_store %arg8[%parallel_loop3A_296], %parallel_loop3A_293 {strides = array<i32>} : memref<2048xf32, #tpu.memory_space<vmem>>, vector<16xf32>,
        %parallel_loop3A_298 = vector.broadcast %parallel_loop3A_274 : i32 to vector<16xi32>
        %parallel_loop3A_299 = arith.addi %parallel_loop3A_298, %iota3A : vector<16xi32>
        %parallel_loop3A_300 = arith.cmpf ogt, %parallel_loop3A_293, %parallel_loop3A_268 : vector<16xf32>
        %parallel_loop3A_301 = arith.select %parallel_loop3A_300, %parallel_loop3A_293, %parallel_loop3A_268 : vector<16xi1>, vector<16xf32>
        %parallel_loop3A_302 = arith.select %parallel_loop3A_300, %parallel_loop3A_299, %parallel_loop3A_269 : vector<16xi1>, vector<16xi32>
        %parallel_loop3A_303 = arith.constant 2 : i32
        %parallel_loop3A_304 = arith.addi %parallel_loop3A_234, %parallel_loop3A_303 : i32
        %parallel_loop3A_305 = arith.constant 16 : i32
        %parallel_loop3A_306 = arith.muli %parallel_loop3A_304, %parallel_loop3A_305 : i32
        %parallel_loop3A_307 = arith.addi %mul3A_35, %parallel_loop3A_306 : i32
        %parallel_loop3A_308 = arith.index_cast %parallel_loop3A_307 : i32 to index
        %parallel_loop3A_309 = tpu.vector_load %arg5[%parallel_loop3A_308] {strides = array<i32>} : memref<8192xf32, #tpu.memory_space<vmem>>, vector<16xf32>,
        %parallel_loop3A_310 = arith.index_cast %parallel_loop3A_307 : i32 to index
        %parallel_loop3A_311 = tpu.vector_load %arg6[%parallel_loop3A_310] {strides = array<i32>} : memref<8192xf32, #tpu.memory_space<vmem>>, vector<16xf32>,
        %parallel_loop3A_312 = arith.index_cast %parallel_loop3A_307 : i32 to index
        %parallel_loop3A_313 = tpu.vector_load %arg7[%parallel_loop3A_312] {strides = array<i32>} : memref<8192xf32, #tpu.memory_space<vmem>>, vector<16xf32>,
        %parallel_loop3A_314 = arith.subf %parallel_loop3A_309, %scan3A_125 : vector<16xf32>
        %parallel_loop3A_315 = arith.subf %parallel_loop3A_311, %scan3A_126 : vector<16xf32>
        %parallel_loop3A_316 = arith.subf %parallel_loop3A_313, %scan3A_127 : vector<16xf32>
        %parallel_loop3A_317 = arith.mulf %parallel_loop3A_314, %parallel_loop3A_314 : vector<16xf32>
        %parallel_loop3A_318 = arith.mulf %parallel_loop3A_316, %parallel_loop3A_316 : vector<16xf32>
        %parallel_loop3A_319 = arith.addf %parallel_loop3A_317, %parallel_loop3A_318 : vector<16xf32>
        %parallel_loop3A_320 = arith.mulf %parallel_loop3A_315, %parallel_loop3A_315 : vector<16xf32>
        %parallel_loop3A_321 = arith.addf %parallel_loop3A_319, %parallel_loop3A_320 : vector<16xf32>
        %parallel_loop3A_322 = arith.constant 16 : i32
        %parallel_loop3A_323 = arith.muli %parallel_loop3A_304, %parallel_loop3A_322 : i32
        %parallel_loop3A_324 = arith.index_cast %parallel_loop3A_323 : i32 to index
        %parallel_loop3A_325 = tpu.vector_load %arg8[%parallel_loop3A_324] {strides = array<i32>} : memref<2048xf32, #tpu.memory_space<vmem>>, vector<16xf32>,
        %parallel_loop3A_326 = arith.minimumf %parallel_loop3A_325, %parallel_loop3A_321 : vector<16xf32>
        %parallel_loop3A_327 = arith.constant 16 : i32
        %parallel_loop3A_328 = arith.muli %parallel_loop3A_304, %parallel_loop3A_327 : i32
        %parallel_loop3A_329 = arith.index_cast %parallel_loop3A_328 : i32 to index
        %parallel_loop3A_330 = tpu.vector_load %arg8[%parallel_loop3A_329] {strides = array<i32>} : memref<2048xf32, #tpu.memory_space<vmem>>, vector<16xf32>,
        tpu.vector_store %arg8[%parallel_loop3A_329], %parallel_loop3A_326 {strides = array<i32>} : memref<2048xf32, #tpu.memory_space<vmem>>, vector<16xf32>,
        %parallel_loop3A_331 = vector.broadcast %parallel_loop3A_307 : i32 to vector<16xi32>
        %parallel_loop3A_332 = arith.addi %parallel_loop3A_331, %iota3A : vector<16xi32>
        %parallel_loop3A_333 = arith.cmpf ogt, %parallel_loop3A_326, %parallel_loop3A_301 : vector<16xf32>
        %parallel_loop3A_334 = arith.select %parallel_loop3A_333, %parallel_loop3A_326, %parallel_loop3A_301 : vector<16xi1>, vector<16xf32>
        %parallel_loop3A_335 = arith.select %parallel_loop3A_333, %parallel_loop3A_332, %parallel_loop3A_302 : vector<16xi1>, vector<16xi32>
        %parallel_loop3A_336 = arith.constant 3 : i32
        %parallel_loop3A_337 = arith.addi %parallel_loop3A_234, %parallel_loop3A_336 : i32
        %parallel_loop3A_338 = arith.constant 16 : i32
        %parallel_loop3A_339 = arith.muli %parallel_loop3A_337, %parallel_loop3A_338 : i32
        %parallel_loop3A_340 = arith.addi %mul3A_35, %parallel_loop3A_339 : i32
        %parallel_loop3A_341 = arith.index_cast %parallel_loop3A_340 : i32 to index
        %parallel_loop3A_342 = tpu.vector_load %arg5[%parallel_loop3A_341] {strides = array<i32>} : memref<8192xf32, #tpu.memory_space<vmem>>, vector<16xf32>,
        %parallel_loop3A_343 = arith.index_cast %parallel_loop3A_340 : i32 to index
        %parallel_loop3A_344 = tpu.vector_load %arg6[%parallel_loop3A_343] {strides = array<i32>} : memref<8192xf32, #tpu.memory_space<vmem>>, vector<16xf32>,
        %parallel_loop3A_345 = arith.index_cast %parallel_loop3A_340 : i32 to index
        %parallel_loop3A_346 = tpu.vector_load %arg7[%parallel_loop3A_345] {strides = array<i32>} : memref<8192xf32, #tpu.memory_space<vmem>>, vector<16xf32>,
        %parallel_loop3A_347 = arith.subf %parallel_loop3A_342, %scan3A_125 : vector<16xf32>
        %parallel_loop3A_348 = arith.subf %parallel_loop3A_344, %scan3A_126 : vector<16xf32>
        %parallel_loop3A_349 = arith.subf %parallel_loop3A_346, %scan3A_127 : vector<16xf32>
        %parallel_loop3A_350 = arith.mulf %parallel_loop3A_347, %parallel_loop3A_347 : vector<16xf32>
        %parallel_loop3A_351 = arith.mulf %parallel_loop3A_349, %parallel_loop3A_349 : vector<16xf32>
        %parallel_loop3A_352 = arith.addf %parallel_loop3A_350, %parallel_loop3A_351 : vector<16xf32>
        %parallel_loop3A_353 = arith.mulf %parallel_loop3A_348, %parallel_loop3A_348 : vector<16xf32>
        %parallel_loop3A_354 = arith.addf %parallel_loop3A_352, %parallel_loop3A_353 : vector<16xf32>
        %parallel_loop3A_355 = arith.constant 16 : i32
        %parallel_loop3A_356 = arith.muli %parallel_loop3A_337, %parallel_loop3A_355 : i32
        %parallel_loop3A_357 = arith.index_cast %parallel_loop3A_356 : i32 to index
        %parallel_loop3A_358 = tpu.vector_load %arg8[%parallel_loop3A_357] {strides = array<i32>} : memref<2048xf32, #tpu.memory_space<vmem>>, vector<16xf32>,
        %parallel_loop3A_359 = arith.minimumf %parallel_loop3A_358, %parallel_loop3A_354 : vector<16xf32>
        %parallel_loop3A_360 = arith.constant 16 : i32
        %parallel_loop3A_361 = arith.muli %parallel_loop3A_337, %parallel_loop3A_360 : i32
        %parallel_loop3A_362 = arith.index_cast %parallel_loop3A_361 : i32 to index
        %parallel_loop3A_363 = tpu.vector_load %arg8[%parallel_loop3A_362] {strides = array<i32>} : memref<2048xf32, #tpu.memory_space<vmem>>, vector<16xf32>,
        tpu.vector_store %arg8[%parallel_loop3A_362], %parallel_loop3A_359 {strides = array<i32>} : memref<2048xf32, #tpu.memory_space<vmem>>, vector<16xf32>,
        %parallel_loop3A_364 = vector.broadcast %parallel_loop3A_340 : i32 to vector<16xi32>
        %parallel_loop3A_365 = arith.addi %parallel_loop3A_364, %iota3A : vector<16xi32>
        %parallel_loop3A_366 = arith.cmpf ogt, %parallel_loop3A_359, %parallel_loop3A_334 : vector<16xf32>
        %parallel_loop3A_367 = arith.select %parallel_loop3A_366, %parallel_loop3A_359, %parallel_loop3A_334 : vector<16xi1>, vector<16xf32>
        %parallel_loop3A_368 = arith.select %parallel_loop3A_366, %parallel_loop3A_365, %parallel_loop3A_335 : vector<16xi1>, vector<16xi32>
        scf.yield %parallel_loop3A_367, %parallel_loop3A_368 : vector<16xf32>, vector<16xi32>
      } {sc.loop_unroll_factor = 2 : i64, sc.parallel_access}
      %reduce_max3A = arith.constant true
      %reduce_max3A_137 = vector.broadcast %reduce_max3A : i1 to vector<16xi1>
      %reduce_max3A_138 = tpu.scan <max>, %parallel_loop3A_136#0 masked %reduce_max3A_137 : vector<16xf32>, vector<16xi1> -> vector<16xf32>
      %reduce_max3A_139 = vector.extract %reduce_max3A_138[15] : f32 from vector<16xf32>
      %eq3A_140 = vector.broadcast %reduce_max3A_139 : f32 to vector<16xf32>
      %eq3A_141 = arith.cmpf oeq, %parallel_loop3A_136#0, %eq3A_140 : vector<16xf32>
      %jit3A_142 = arith.constant 2147483647 : i32
      %broadcast_in_dim3A_143 = vector.broadcast %jit3A_142 : i32 to vector<16xi32>
      %select_n3A_144 = arith.select %eq3A_141, %parallel_loop3A_136#1, %broadcast_in_dim3A_143 : vector<16xi1>, vector<16xi32>
      %reduce_min3A = arith.constant true
      %reduce_min3A_145 = vector.broadcast %reduce_min3A : i1 to vector<16xi1>
      %reduce_min3A_146 = arith.constant -2147483648 : i32
      %reduce_min3A_147 = vector.broadcast %reduce_min3A_146 : i32 to vector<16xi32>
      %reduce_min3A_148 = arith.xori %select_n3A_144, %reduce_min3A_147 : vector<16xi32>
      %reduce_min3A_149 = tpu.scan <min>, %reduce_min3A_148 masked %reduce_min3A_145 : vector<16xi32>, vector<16xi1> -> vector<16xi32>
      %reduce_min3A_150 = arith.xori %reduce_min3A_149, %reduce_min3A_147 : vector<16xi32>
      %reduce_min3A_151 = vector.extract %reduce_min3A_150[15] : i32 from vector<16xi32>
      %lt3A_152 = arith.constant 12 : i32
      %lt3A_153 = vector.broadcast %lt3A_152 : i32 to vector<16xi32>
      %lt3A_154 = arith.cmpi slt, %iota3A, %lt3A_153 : vector<16xi32>
      %broadcast_in_dim3A_155 = vector.broadcast %reduce_min3A_151 : i32 to vector<16xi32>
      %broadcast_in_dim3A_156 = vector.broadcast %scan3A_124 : i32 to vector<16xi32>
      %select_n3A_157 = arith.select %lt3A_154, %broadcast_in_dim3A_155, %broadcast_in_dim3A_156 : vector<16xi1>, vector<16xi32>
      %lt3A_158 = arith.constant 8 : i32
      %lt3A_159 = vector.broadcast %lt3A_158 : i32 to vector<16xi32>
      %lt3A_160 = arith.cmpi slt, %iota3A, %lt3A_159 : vector<16xi32>
      %broadcast_in_dim3A_161 = vector.broadcast %reduce_max3A_139 : f32 to vector<16xf32>
      %bitcast3A_162 = vector.bitcast %select_n3A_157 : vector<16xi32> to vector<16xf32>
      %select_n3A_163 = arith.select %lt3A_160, %broadcast_in_dim3A_161, %bitcast3A_162 : vector<16xi1>, vector<16xf32>
      %swap3A_164 = arith.constant 0 : index
      %swap3A_165 = tpu.vector_load %arg14[%swap3A_164] {strides = array<i32>} : memref<16xf32, #tpu.memory_space<vmem>>, vector<16xf32>,
      tpu.vector_store %arg14[%swap3A_164], %select_n3A_163 {strides = array<i32>} : memref<16xf32, #tpu.memory_space<vmem>>, vector<16xf32>,
      %and3A_166 = arith.constant 1 : i32
      %and3A_167 = arith.andi %scan3A_124, %and3A_166 : i32
      %mul3A_168 = arith.constant 32 : i32
      %mul3A_169 = arith.muli %and3A_167, %mul3A_168 : i32
      %add3A_170 = arith.addi %mul3A_169, %add3A : i32
      %mul3A_171 = arith.constant 16 : i32
      %mul3A_172 = arith.muli %add3A_170, %mul3A_171 : i32
      "tpu.region"() ({
        %run_scoped3A = tpu.sem_alloc : memref<!tpu.dma_semaphore, #tpu.memory_space<semaphore_mem>>
        %dma_start3A = tpu.memref_slice %arg19[%mul3A_172] : memref<1024xf32, #tpu.memory_space<vmem_shared>> -> memref<16xf32, #tpu.memory_space<vmem_shared>>
        %dma_start3A_234 = tpu.memref_slice %arg19[%mul3A_172] : memref<1024xf32, #tpu.memory_space<vmem_shared>> -> memref<16xf32, #tpu.memory_space<vmem_shared>>
        tpu.enqueue_dma source(%arg14 : memref<16xf32, #tpu.memory_space<vmem>>) target(%dma_start3A_234 : memref<16xf32, #tpu.memory_space<vmem_shared>>) target_semaphore(%run_scoped3A : memref<!tpu.dma_semaphore, #tpu.memory_space<semaphore_mem>>)
        %dma_wait3A = tpu.memref_slice %arg19[%mul3A_172] : memref<1024xf32, #tpu.memory_space<vmem_shared>> -> memref<16xf32, #tpu.memory_space<vmem_shared>>
        %dma_wait3A_235 = tpu.memref_slice %arg19[%mul3A_172] : memref<1024xf32, #tpu.memory_space<vmem_shared>> -> memref<16xf32, #tpu.memory_space<vmem_shared>>
        tpu.wait_dma2 semaphore(%run_scoped3A : memref<!tpu.dma_semaphore, #tpu.memory_space<semaphore_mem>>) src(%arg14 : memref<16xf32, #tpu.memory_space<vmem>>) dst(%dma_wait3A_235 : memref<16xf32, #tpu.memory_space<vmem_shared>>)
        tpu.yield
      }) : () -> ()
      %barrier3A_173 = arith.constant 0 : index
      tpu.barrier barrier_id(%barrier3A_173)
      %jit3A_174 = arith.constant 4 : i32
      %div3A_175 = arith.divsi %add3A, %jit3A_174 : i32
      %sign3A_176 = arith.constant 0 : i32
      %sign3A_177 = arith.cmpi sgt, %add3A, %sign3A_176 : i32
      %sign3A_178 = arith.extui %sign3A_177 : i1 to i32
      %sign3A_179 = arith.constant 0 : i32
      %sign3A_180 = arith.cmpi slt, %add3A, %sign3A_179 : i32
      %sign3A_181 = arith.extui %sign3A_180 : i1 to i32
      %sign3A_182 = arith.subi %sign3A_178, %sign3A_181 : i32
      %sign3A_183 = arith.constant 0 : i32
      %sign3A_184 = arith.cmpi sgt, %jit3A_174, %sign3A_183 : i32
      %sign3A_185 = arith.extui %sign3A_184 : i1 to i32
      %sign3A_186 = arith.constant 0 : i32
      %sign3A_187 = arith.cmpi slt, %jit3A_174, %sign3A_186 : i32
      %sign3A_188 = arith.extui %sign3A_187 : i1 to i32
      %sign3A_189 = arith.subi %sign3A_185, %sign3A_188 : i32
      %ne3A_190 = arith.cmpi ne, %sign3A_182, %sign3A_189 : i32
      %rem3A_191 = arith.remsi %add3A, %jit3A_174 : i32
      %ne3A_192 = arith.constant 0 : i32
      %ne3A_193 = arith.cmpi ne, %rem3A_191, %ne3A_192 : i32
      %and3A_194 = arith.andi %ne3A_190, %ne3A_193 : i1
      %sub3A_195 = arith.constant 1 : i32
      %sub3A_196 = arith.subi %div3A_175, %sub3A_195 : i32
      %select_n3A_197 = arith.select %and3A_194, %sub3A_196, %div3A_175 : i32
      %mul3A_198 = arith.constant 4 : i32
      %mul3A_199 = arith.muli %select_n3A_197, %mul3A_198 : i32
      %and3A_200 = arith.constant 3 : i32
      %and3A_201 = vector.broadcast %and3A_200 : i32 to vector<16xi32>
      %and3A_202 = arith.andi %iota3A, %and3A_201 : vector<16xi32>
      %mul3A_203 = arith.constant 16 : i32
      %mul3A_204 = vector.broadcast %mul3A_203 : i32 to vector<16xi32>
      %mul3A_205 = arith.muli %and3A_202, %mul3A_204 : vector<16xi32>
      %while3A = arith.constant -1 : i32
      %while3A_206 = scf.while (%while3A_234 = %while3A) : (i32) -> i32 {
        %lt3A_235 = arith.cmpi slt, %while3A_234, %scan3A_124 : i32
        scf.condition(%lt3A_235) %while3A_234 : i32
      } do {
      ^bb0(%while3A_234: i32):
        %add3A_235 = arith.addi %mul3A_169, %mul3A_199 : i32
        %mul3A_236 = arith.constant 16 : i32
        %mul3A_237 = arith.muli %add3A_235, %mul3A_236 : i32
        "tpu.region"() ({
          %run_scoped3A = tpu.sem_alloc : memref<!tpu.dma_semaphore, #tpu.memory_space<semaphore_mem>>
          %dma_start3A = tpu.memref_slice %arg19[%mul3A_237] : memref<1024xf32, #tpu.memory_space<vmem_shared>> -> memref<64xf32, #tpu.memory_space<vmem_shared>>
          %dma_start3A_251 = tpu.memref_slice %arg19[%mul3A_237] : memref<1024xf32, #tpu.memory_space<vmem_shared>> -> memref<64xf32, #tpu.memory_space<vmem_shared>>
          tpu.enqueue_dma source(%dma_start3A_251 : memref<64xf32, #tpu.memory_space<vmem_shared>>) target(%arg15 : memref<64xf32, #tpu.memory_space<vmem>>) target_semaphore(%run_scoped3A : memref<!tpu.dma_semaphore, #tpu.memory_space<semaphore_mem>>)
          %dma_wait3A = tpu.memref_slice %arg19[%mul3A_237] : memref<1024xf32, #tpu.memory_space<vmem_shared>> -> memref<64xf32, #tpu.memory_space<vmem_shared>>
          %dma_wait3A_252 = tpu.memref_slice %arg19[%mul3A_237] : memref<1024xf32, #tpu.memory_space<vmem_shared>> -> memref<64xf32, #tpu.memory_space<vmem_shared>>
          tpu.wait_dma2 semaphore(%run_scoped3A : memref<!tpu.dma_semaphore, #tpu.memory_space<semaphore_mem>>) src(%dma_wait3A_252 : memref<64xf32, #tpu.memory_space<vmem_shared>>) dst(%arg15 : memref<64xf32, #tpu.memory_space<vmem>>)
          tpu.yield
        }) : () -> ()
        %add3A_238 = arith.constant 12 : i32
        %add3A_239 = vector.broadcast %add3A_238 : i32 to vector<16xi32>
        %add3A_240 = arith.addi %mul3A_205, %add3A_239 : vector<16xi32>
        %gather3A_241 = tpu.vector_load_idx %arg15[%add3A_240] : memref<64xf32, #tpu.memory_space<vmem>>[vector<16xi32>], vector<16xf32>,
        %bitcast3A_242 = vector.bitcast %gather3A_241 : vector<16xf32> to vector<16xi32>
        %reduce_min3A_243 = arith.constant true
        %reduce_min3A_244 = vector.broadcast %reduce_min3A_243 : i1 to vector<16xi1>
        %reduce_min3A_245 = arith.constant -2147483648 : i32
        %reduce_min3A_246 = vector.broadcast %reduce_min3A_245 : i32 to vector<16xi32>
        %reduce_min3A_247 = arith.xori %bitcast3A_242, %reduce_min3A_246 : vector<16xi32>
        %reduce_min3A_248 = tpu.scan <min>, %reduce_min3A_247 masked %reduce_min3A_244 : vector<16xi32>, vector<16xi1> -> vector<16xi32>
        %reduce_min3A_249 = arith.xori %reduce_min3A_248, %reduce_min3A_246 : vector<16xi32>
        %reduce_min3A_250 = vector.extract %reduce_min3A_249[15] : i32 from vector<16xi32>
        scf.yield %reduce_min3A_250 : i32
      }
      %gather3A = tpu.vector_load_idx %arg15[%mul3A_205] : memref<64xf32, #tpu.memory_space<vmem>>[vector<16xi32>], vector<16xf32>,
      %add3A_207 = arith.constant 8 : i32
      %add3A_208 = vector.broadcast %add3A_207 : i32 to vector<16xi32>
      %add3A_209 = arith.addi %mul3A_205, %add3A_208 : vector<16xi32>
      %gather3A_210 = tpu.vector_load_idx %arg15[%add3A_209] : memref<64xf32, #tpu.memory_space<vmem>>[vector<16xi32>], vector<16xf32>,
      %bitcast3A_211 = vector.bitcast %gather3A_210 : vector<16xf32> to vector<16xi32>
      %reduce_max3A_212 = arith.constant true
      %reduce_max3A_213 = vector.broadcast %reduce_max3A_212 : i1 to vector<16xi1>
      %reduce_max3A_214 = tpu.scan <max>, %gather3A masked %reduce_max3A_213 : vector<16xf32>, vector<16xi1> -> vector<16xf32>
      %reduce_max3A_215 = vector.extract %reduce_max3A_214[15] : f32 from vector<16xf32>
      %eq3A_216 = vector.broadcast %reduce_max3A_215 : f32 to vector<16xf32>
      %eq3A_217 = arith.cmpf oeq, %gather3A, %eq3A_216 : vector<16xf32>
      %jit3A_218 = arith.constant 2147483647 : i32
      %broadcast_in_dim3A_219 = vector.broadcast %jit3A_218 : i32 to vector<16xi32>
      %select_n3A_220 = arith.select %eq3A_217, %bitcast3A_211, %broadcast_in_dim3A_219 : vector<16xi1>, vector<16xi32>
      %reduce_min3A_221 = arith.constant true
      %reduce_min3A_222 = vector.broadcast %reduce_min3A_221 : i1 to vector<16xi1>
      %reduce_min3A_223 = arith.constant -2147483648 : i32
      %reduce_min3A_224 = vector.broadcast %reduce_min3A_223 : i32 to vector<16xi32>
      %reduce_min3A_225 = arith.xori %select_n3A_220, %reduce_min3A_224 : vector<16xi32>
      %reduce_min3A_226 = tpu.scan <min>, %reduce_min3A_225 masked %reduce_min3A_222 : vector<16xi32>, vector<16xi1> -> vector<16xi32>
      %reduce_min3A_227 = arith.xori %reduce_min3A_226, %reduce_min3A_224 : vector<16xi32>
      %reduce_min3A_228 = vector.extract %reduce_min3A_227[15] : i32 from vector<16xi32>
      %broadcast_in_dim3A_229 = vector.broadcast %reduce_min3A_228 : i32 to vector<16xi32>
      %gather3A_230 = tpu.vector_load_idx %arg5[%broadcast_in_dim3A_229] : memref<8192xf32, #tpu.memory_space<vmem>>[vector<16xi32>], vector<16xf32>,
      %gather3A_231 = tpu.vector_load_idx %arg6[%broadcast_in_dim3A_229] : memref<8192xf32, #tpu.memory_space<vmem>>[vector<16xi32>], vector<16xf32>,
      %gather3A_232 = tpu.vector_load_idx %arg7[%broadcast_in_dim3A_229] : memref<8192xf32, #tpu.memory_space<vmem>>[vector<16xi32>], vector<16xf32>,
      %broadcast_in_dim3A_233 = vector.broadcast %reduce_max3A_215 : f32 to vector<16xf32>
      scf.yield %gather3A_230, %gather3A_231, %gather3A_232, %broadcast_in_dim3A_233 : vector<16xf32>, vector<16xf32>, vector<16xf32>, vector<16xf32>
    }
    %scan3A_102 = arith.constant 512 : i32
    %mul3A_103 = arith.constant 128 : i32
    %mul3A_104 = arith.muli %select_n3A_30, %mul3A_103 : i32
    %mul3A_105 = arith.constant 4.000000e+00 : f32
    %mul3A_106 = vector.broadcast %mul3A_105 : f32 to vector<16xf32>
    %mul3A_107 = arith.mulf %scan3A_101#3, %mul3A_106 : vector<16xf32>
    %scan3A_108 = arith.constant 0 : i32
    %scan3A_109 = arith.constant 128 : i32
    %scan3A_110 = arith.addi %scan3A_108, %scan3A_109 : i32
    %scan3A_111 = arith.constant 1 : i32
    %scan3A_112 = scf.for %scan3A_124 = %scan3A_108 to %scan3A_110 step %scan3A_111 iter_args(%scan3A_125 = %mul3A_107) -> (vector<16xf32>)  : i32 {
      %add3A_126 = arith.addi %mul3A_104, %scan3A_124 : i32
      %broadcast_in_dim3A_127 = vector.broadcast %add3A_126 : i32 to vector<16xi32>
      %gather3A = tpu.vector_load_idx %arg9[%broadcast_in_dim3A_127] : memref<512xf32, #tpu.memory_space<vmem>>[vector<16xi32>], vector<16xf32>,
      %gather3A_128 = tpu.vector_load_idx %arg10[%broadcast_in_dim3A_127] : memref<512xf32, #tpu.memory_space<vmem>>[vector<16xi32>], vector<16xf32>,
      %gather3A_129 = tpu.vector_load_idx %arg11[%broadcast_in_dim3A_127] : memref<512xf32, #tpu.memory_space<vmem>>[vector<16xi32>], vector<16xf32>,
      %broadcast_in_dim3A_130 = arith.constant 0 : i32
      %broadcast_in_dim3A_131 = vector.broadcast %broadcast_in_dim3A_130 : i32 to vector<16xi32>
      %parallel_loop3A = arith.constant 0 : i32
      %parallel_loop3A_132 = arith.constant 512 : i32
      %parallel_loop3A_133 = arith.constant 4 : i32
      %parallel_loop3A_134 = scf.for %parallel_loop3A_362 = %parallel_loop3A to %parallel_loop3A_132 step %parallel_loop3A_133 iter_args(%parallel_loop3A_363 = %broadcast_in_dim3A_131) -> (vector<16xi32>)  : i32 {
        %parallel_loop3A_364 = arith.constant 0 : i32
        %parallel_loop3A_365 = arith.addi %parallel_loop3A_362, %parallel_loop3A_364 : i32
        %parallel_loop3A_366 = arith.constant 16 : i32
        %parallel_loop3A_367 = arith.muli %parallel_loop3A_365, %parallel_loop3A_366 : i32
        %parallel_loop3A_368 = arith.index_cast %parallel_loop3A_367 : i32 to index
        %parallel_loop3A_369 = tpu.vector_load %arg5[%parallel_loop3A_368] {strides = array<i32>} : memref<8192xf32, #tpu.memory_space<vmem>>, vector<16xf32>,
        %parallel_loop3A_370 = arith.subf %parallel_loop3A_369, %gather3A : vector<16xf32>
        %parallel_loop3A_371 = arith.index_cast %parallel_loop3A_367 : i32 to index
        %parallel_loop3A_372 = tpu.vector_load %arg6[%parallel_loop3A_371] {strides = array<i32>} : memref<8192xf32, #tpu.memory_space<vmem>>, vector<16xf32>,
        %parallel_loop3A_373 = arith.subf %parallel_loop3A_372, %gather3A_128 : vector<16xf32>
        %parallel_loop3A_374 = arith.index_cast %parallel_loop3A_367 : i32 to index
        %parallel_loop3A_375 = tpu.vector_load %arg7[%parallel_loop3A_374] {strides = array<i32>} : memref<8192xf32, #tpu.memory_space<vmem>>, vector<16xf32>,
        %parallel_loop3A_376 = arith.subf %parallel_loop3A_375, %gather3A_129 : vector<16xf32>
        %parallel_loop3A_377 = arith.mulf %parallel_loop3A_370, %parallel_loop3A_370 : vector<16xf32>
        %parallel_loop3A_378 = arith.mulf %parallel_loop3A_376, %parallel_loop3A_376 : vector<16xf32>
        %parallel_loop3A_379 = arith.addf %parallel_loop3A_377, %parallel_loop3A_378 : vector<16xf32>
        %parallel_loop3A_380 = arith.mulf %parallel_loop3A_373, %parallel_loop3A_373 : vector<16xf32>
        %parallel_loop3A_381 = arith.addf %parallel_loop3A_379, %parallel_loop3A_380 : vector<16xf32>
        %parallel_loop3A_382 = arith.index_cast %parallel_loop3A_367 : i32 to index
        %parallel_loop3A_383 = tpu.vector_load %arg16[%parallel_loop3A_382] {strides = array<i32>} : memref<8192xf32, #tpu.memory_space<vmem>>, vector<16xf32>,
        tpu.vector_store %arg16[%parallel_loop3A_382], %parallel_loop3A_381 {strides = array<i32>} : memref<8192xf32, #tpu.memory_space<vmem>>, vector<16xf32>,
        %parallel_loop3A_384 = arith.cmpf ole, %parallel_loop3A_381, %scan3A_125 : vector<16xf32>
        %parallel_loop3A_385 = arith.extui %parallel_loop3A_384 : vector<16xi1> to vector<16xi32>
        %parallel_loop3A_386 = arith.addi %parallel_loop3A_363, %parallel_loop3A_385 : vector<16xi32>
        %parallel_loop3A_387 = arith.constant 1 : i32
        %parallel_loop3A_388 = arith.addi %parallel_loop3A_362, %parallel_loop3A_387 : i32
        %parallel_loop3A_389 = arith.constant 16 : i32
        %parallel_loop3A_390 = arith.muli %parallel_loop3A_388, %parallel_loop3A_389 : i32
        %parallel_loop3A_391 = arith.index_cast %parallel_loop3A_390 : i32 to index
        %parallel_loop3A_392 = tpu.vector_load %arg5[%parallel_loop3A_391] {strides = array<i32>} : memref<8192xf32, #tpu.memory_space<vmem>>, vector<16xf32>,
        %parallel_loop3A_393 = arith.subf %parallel_loop3A_392, %gather3A : vector<16xf32>
        %parallel_loop3A_394 = arith.index_cast %parallel_loop3A_390 : i32 to index
        %parallel_loop3A_395 = tpu.vector_load %arg6[%parallel_loop3A_394] {strides = array<i32>} : memref<8192xf32, #tpu.memory_space<vmem>>, vector<16xf32>,
        %parallel_loop3A_396 = arith.subf %parallel_loop3A_395, %gather3A_128 : vector<16xf32>
        %parallel_loop3A_397 = arith.index_cast %parallel_loop3A_390 : i32 to index
        %parallel_loop3A_398 = tpu.vector_load %arg7[%parallel_loop3A_397] {strides = array<i32>} : memref<8192xf32, #tpu.memory_space<vmem>>, vector<16xf32>,
        %parallel_loop3A_399 = arith.subf %parallel_loop3A_398, %gather3A_129 : vector<16xf32>
        %parallel_loop3A_400 = arith.mulf %parallel_loop3A_393, %parallel_loop3A_393 : vector<16xf32>
        %parallel_loop3A_401 = arith.mulf %parallel_loop3A_399, %parallel_loop3A_399 : vector<16xf32>
        %parallel_loop3A_402 = arith.addf %parallel_loop3A_400, %parallel_loop3A_401 : vector<16xf32>
        %parallel_loop3A_403 = arith.mulf %parallel_loop3A_396, %parallel_loop3A_396 : vector<16xf32>
        %parallel_loop3A_404 = arith.addf %parallel_loop3A_402, %parallel_loop3A_403 : vector<16xf32>
        %parallel_loop3A_405 = arith.index_cast %parallel_loop3A_390 : i32 to index
        %parallel_loop3A_406 = tpu.vector_load %arg16[%parallel_loop3A_405] {strides = array<i32>} : memref<8192xf32, #tpu.memory_space<vmem>>, vector<16xf32>,
        tpu.vector_store %arg16[%parallel_loop3A_405], %parallel_loop3A_404 {strides = array<i32>} : memref<8192xf32, #tpu.memory_space<vmem>>, vector<16xf32>,
        %parallel_loop3A_407 = arith.cmpf ole, %parallel_loop3A_404, %scan3A_125 : vector<16xf32>
        %parallel_loop3A_408 = arith.extui %parallel_loop3A_407 : vector<16xi1> to vector<16xi32>
        %parallel_loop3A_409 = arith.addi %parallel_loop3A_386, %parallel_loop3A_408 : vector<16xi32>
        %parallel_loop3A_410 = arith.constant 2 : i32
        %parallel_loop3A_411 = arith.addi %parallel_loop3A_362, %parallel_loop3A_410 : i32
        %parallel_loop3A_412 = arith.constant 16 : i32
        %parallel_loop3A_413 = arith.muli %parallel_loop3A_411, %parallel_loop3A_412 : i32
        %parallel_loop3A_414 = arith.index_cast %parallel_loop3A_413 : i32 to index
        %parallel_loop3A_415 = tpu.vector_load %arg5[%parallel_loop3A_414] {strides = array<i32>} : memref<8192xf32, #tpu.memory_space<vmem>>, vector<16xf32>,
        %parallel_loop3A_416 = arith.subf %parallel_loop3A_415, %gather3A : vector<16xf32>
        %parallel_loop3A_417 = arith.index_cast %parallel_loop3A_413 : i32 to index
        %parallel_loop3A_418 = tpu.vector_load %arg6[%parallel_loop3A_417] {strides = array<i32>} : memref<8192xf32, #tpu.memory_space<vmem>>, vector<16xf32>,
        %parallel_loop3A_419 = arith.subf %parallel_loop3A_418, %gather3A_128 : vector<16xf32>
        %parallel_loop3A_420 = arith.index_cast %parallel_loop3A_413 : i32 to index
        %parallel_loop3A_421 = tpu.vector_load %arg7[%parallel_loop3A_420] {strides = array<i32>} : memref<8192xf32, #tpu.memory_space<vmem>>, vector<16xf32>,
        %parallel_loop3A_422 = arith.subf %parallel_loop3A_421, %gather3A_129 : vector<16xf32>
        %parallel_loop3A_423 = arith.mulf %parallel_loop3A_416, %parallel_loop3A_416 : vector<16xf32>
        %parallel_loop3A_424 = arith.mulf %parallel_loop3A_422, %parallel_loop3A_422 : vector<16xf32>
        %parallel_loop3A_425 = arith.addf %parallel_loop3A_423, %parallel_loop3A_424 : vector<16xf32>
        %parallel_loop3A_426 = arith.mulf %parallel_loop3A_419, %parallel_loop3A_419 : vector<16xf32>
        %parallel_loop3A_427 = arith.addf %parallel_loop3A_425, %parallel_loop3A_426 : vector<16xf32>
        %parallel_loop3A_428 = arith.index_cast %parallel_loop3A_413 : i32 to index
        %parallel_loop3A_429 = tpu.vector_load %arg16[%parallel_loop3A_428] {strides = array<i32>} : memref<8192xf32, #tpu.memory_space<vmem>>, vector<16xf32>,
        tpu.vector_store %arg16[%parallel_loop3A_428], %parallel_loop3A_427 {strides = array<i32>} : memref<8192xf32, #tpu.memory_space<vmem>>, vector<16xf32>,
        %parallel_loop3A_430 = arith.cmpf ole, %parallel_loop3A_427, %scan3A_125 : vector<16xf32>
        %parallel_loop3A_431 = arith.extui %parallel_loop3A_430 : vector<16xi1> to vector<16xi32>
        %parallel_loop3A_432 = arith.addi %parallel_loop3A_409, %parallel_loop3A_431 : vector<16xi32>
        %parallel_loop3A_433 = arith.constant 3 : i32
        %parallel_loop3A_434 = arith.addi %parallel_loop3A_362, %parallel_loop3A_433 : i32
        %parallel_loop3A_435 = arith.constant 16 : i32
        %parallel_loop3A_436 = arith.muli %parallel_loop3A_434, %parallel_loop3A_435 : i32
        %parallel_loop3A_437 = arith.index_cast %parallel_loop3A_436 : i32 to index
        %parallel_loop3A_438 = tpu.vector_load %arg5[%parallel_loop3A_437] {strides = array<i32>} : memref<8192xf32, #tpu.memory_space<vmem>>, vector<16xf32>,
        %parallel_loop3A_439 = arith.subf %parallel_loop3A_438, %gather3A : vector<16xf32>
        %parallel_loop3A_440 = arith.index_cast %parallel_loop3A_436 : i32 to index
        %parallel_loop3A_441 = tpu.vector_load %arg6[%parallel_loop3A_440] {strides = array<i32>} : memref<8192xf32, #tpu.memory_space<vmem>>, vector<16xf32>,
        %parallel_loop3A_442 = arith.subf %parallel_loop3A_441, %gather3A_128 : vector<16xf32>
        %parallel_loop3A_443 = arith.index_cast %parallel_loop3A_436 : i32 to index
        %parallel_loop3A_444 = tpu.vector_load %arg7[%parallel_loop3A_443] {strides = array<i32>} : memref<8192xf32, #tpu.memory_space<vmem>>, vector<16xf32>,
        %parallel_loop3A_445 = arith.subf %parallel_loop3A_444, %gather3A_129 : vector<16xf32>
        %parallel_loop3A_446 = arith.mulf %parallel_loop3A_439, %parallel_loop3A_439 : vector<16xf32>
        %parallel_loop3A_447 = arith.mulf %parallel_loop3A_445, %parallel_loop3A_445 : vector<16xf32>
        %parallel_loop3A_448 = arith.addf %parallel_loop3A_446, %parallel_loop3A_447 : vector<16xf32>
        %parallel_loop3A_449 = arith.mulf %parallel_loop3A_442, %parallel_loop3A_442 : vector<16xf32>
        %parallel_loop3A_450 = arith.addf %parallel_loop3A_448, %parallel_loop3A_449 : vector<16xf32>
        %parallel_loop3A_451 = arith.index_cast %parallel_loop3A_436 : i32 to index
        %parallel_loop3A_452 = tpu.vector_load %arg16[%parallel_loop3A_451] {strides = array<i32>} : memref<8192xf32, #tpu.memory_space<vmem>>, vector<16xf32>,
        tpu.vector_store %arg16[%parallel_loop3A_451], %parallel_loop3A_450 {strides = array<i32>} : memref<8192xf32, #tpu.memory_space<vmem>>, vector<16xf32>,
        %parallel_loop3A_453 = arith.cmpf ole, %parallel_loop3A_450, %scan3A_125 : vector<16xf32>
        %parallel_loop3A_454 = arith.extui %parallel_loop3A_453 : vector<16xi1> to vector<16xi32>
        %parallel_loop3A_455 = arith.addi %parallel_loop3A_432, %parallel_loop3A_454 : vector<16xi32>
        scf.yield %parallel_loop3A_455 : vector<16xi32>
      } {sc.loop_unroll_factor = 2 : i64, sc.parallel_access}
      %reduce_sum3A_135 = arith.constant true
      %reduce_sum3A_136 = vector.broadcast %reduce_sum3A_135 : i1 to vector<16xi1>
      %reduce_sum3A_137 = tpu.scan <sum>, %parallel_loop3A_134 masked %reduce_sum3A_136 : vector<16xi32>, vector<16xi1> -> vector<16xi32>
      %reduce_sum3A_138 = vector.extract %reduce_sum3A_137[15] : i32 from vector<16xi32>
      %while3A:2 = scf.while (%while3A_362 = %scan3A_125, %while3A_363 = %reduce_sum3A_138) : (vector<16xf32>, i32) -> (vector<16xf32>, i32) {
        %lt3A_364 = arith.constant 32 : i32
        %lt3A_365 = arith.cmpi slt, %while3A_363, %lt3A_364 : i32
        scf.condition(%lt3A_365) %while3A_362, %while3A_363 : vector<16xf32>, i32
      } do {
      ^bb0(%while3A_362: vector<16xf32>, %while3A_363: i32):
        %mul3A_364 = arith.constant 4.000000e+00 : f32
        %mul3A_365 = vector.broadcast %mul3A_364 : f32 to vector<16xf32>
        %mul3A_366 = arith.mulf %while3A_362, %mul3A_365 : vector<16xf32>
        %add3A_367 = arith.constant 1.000000e-30 : f32
        %add3A_368 = vector.broadcast %add3A_367 : f32 to vector<16xf32>
        %add3A_369 = arith.addf %mul3A_366, %add3A_368 : vector<16xf32>
        %broadcast_in_dim3A_370 = arith.constant 0 : i32
        %broadcast_in_dim3A_371 = vector.broadcast %broadcast_in_dim3A_370 : i32 to vector<16xi32>
        %scan3A_372 = arith.constant 0 : i32
        %scan3A_373 = arith.constant 128 : i32
        %scan3A_374 = arith.addi %scan3A_372, %scan3A_373 : i32
        %scan3A_375 = arith.constant 1 : i32
        %scan3A_376 = scf.for %scan3A_382 = %scan3A_372 to %scan3A_374 step %scan3A_375 iter_args(%scan3A_383 = %broadcast_in_dim3A_371) -> (vector<16xi32>)  : i32 {
          %mul3A_384 = arith.constant 4 : i32
          %mul3A_385 = arith.muli %scan3A_382, %mul3A_384 : i32
          %add3A_386 = arith.constant 0 : i32
          %add3A_387 = arith.addi %mul3A_385, %add3A_386 : i32
          %mul3A_388 = arith.constant 16 : i32
          %mul3A_389 = arith.muli %add3A_387, %mul3A_388 : i32
          %get3A_390 = arith.index_cast %mul3A_389 : i32 to index
          %get3A_391 = tpu.vector_load %arg16[%get3A_390] {strides = array<i32>} : memref<8192xf32, #tpu.memory_space<vmem>>, vector<16xf32>,
          %le3A = arith.cmpf ole, %get3A_391, %add3A_369 : vector<16xf32>
          %convert_element_type3A_392 = arith.extui %le3A : vector<16xi1> to vector<16xi32>
          %add3A_393 = arith.addi %scan3A_383, %convert_element_type3A_392 : vector<16xi32>
          %mul3A_394 = arith.constant 4 : i32
          %mul3A_395 = arith.muli %scan3A_382, %mul3A_394 : i32
          %add3A_396 = arith.constant 1 : i32
          %add3A_397 = arith.addi %mul3A_395, %add3A_396 : i32
          %mul3A_398 = arith.constant 16 : i32
          %mul3A_399 = arith.muli %add3A_397, %mul3A_398 : i32
          %get3A_400 = arith.index_cast %mul3A_399 : i32 to index
          %get3A_401 = tpu.vector_load %arg16[%get3A_400] {strides = array<i32>} : memref<8192xf32, #tpu.memory_space<vmem>>, vector<16xf32>,
          %le3A_402 = arith.cmpf ole, %get3A_401, %add3A_369 : vector<16xf32>
          %convert_element_type3A_403 = arith.extui %le3A_402 : vector<16xi1> to vector<16xi32>
          %add3A_404 = arith.addi %add3A_393, %convert_element_type3A_403 : vector<16xi32>
          %mul3A_405 = arith.constant 4 : i32
          %mul3A_406 = arith.muli %scan3A_382, %mul3A_405 : i32
          %add3A_407 = arith.constant 2 : i32
          %add3A_408 = arith.addi %mul3A_406, %add3A_407 : i32
          %mul3A_409 = arith.constant 16 : i32
          %mul3A_410 = arith.muli %add3A_408, %mul3A_409 : i32
          %get3A_411 = arith.index_cast %mul3A_410 : i32 to index
          %get3A_412 = tpu.vector_load %arg16[%get3A_411] {strides = array<i32>} : memref<8192xf32, #tpu.memory_space<vmem>>, vector<16xf32>,
          %le3A_413 = arith.cmpf ole, %get3A_412, %add3A_369 : vector<16xf32>
          %convert_element_type3A_414 = arith.extui %le3A_413 : vector<16xi1> to vector<16xi32>
          %add3A_415 = arith.addi %add3A_404, %convert_element_type3A_414 : vector<16xi32>
          %mul3A_416 = arith.constant 4 : i32
          %mul3A_417 = arith.muli %scan3A_382, %mul3A_416 : i32
          %add3A_418 = arith.constant 3 : i32
          %add3A_419 = arith.addi %mul3A_417, %add3A_418 : i32
          %mul3A_420 = arith.constant 16 : i32
          %mul3A_421 = arith.muli %add3A_419, %mul3A_420 : i32
          %get3A_422 = arith.index_cast %mul3A_421 : i32 to index
          %get3A_423 = tpu.vector_load %arg16[%get3A_422] {strides = array<i32>} : memref<8192xf32, #tpu.memory_space<vmem>>, vector<16xf32>,
          %le3A_424 = arith.cmpf ole, %get3A_423, %add3A_369 : vector<16xf32>
          %convert_element_type3A_425 = arith.extui %le3A_424 : vector<16xi1> to vector<16xi32>
          %add3A_426 = arith.addi %add3A_415, %convert_element_type3A_425 : vector<16xi32>
          scf.yield %add3A_426 : vector<16xi32>
        }
        %scan3A_377 = arith.constant 128 : i32
        %reduce_sum3A_378 = arith.constant true
        %reduce_sum3A_379 = vector.broadcast %reduce_sum3A_378 : i1 to vector<16xi1>
        %reduce_sum3A_380 = tpu.scan <sum>, %scan3A_376 masked %reduce_sum3A_379 : vector<16xi32>, vector<16xi1> -> vector<16xi32>
        %reduce_sum3A_381 = vector.extract %reduce_sum3A_380[15] : i32 from vector<16xi32>
        scf.yield %add3A_369, %reduce_sum3A_381 : vector<16xf32>, i32
      }
      %parallel_loop3A_139 = arith.constant 0 : i32
      %parallel_loop3A_140 = arith.constant 128 : i32
      %parallel_loop3A_141 = arith.constant 1 : i32
      %parallel_loop3A_142 = arith.constant 0 : i32
      %parallel_loop3A_143 = arith.constant 0 : i32
      %parallel_loop3A_144 = arith.constant 0 : i32
      %parallel_loop3A_145 = arith.constant 0 : i32
      %parallel_loop3A_146:4 = scf.for %parallel_loop3A_362 = %parallel_loop3A_139 to %parallel_loop3A_140 step %parallel_loop3A_141 iter_args(%parallel_loop3A_363 = %parallel_loop3A_142, %parallel_loop3A_364 = %parallel_loop3A_143, %parallel_loop3A_365 = %parallel_loop3A_144, %parallel_loop3A_366 = %parallel_loop3A_145) -> (i32, i32, i32, i32)  : i32 {
        %parallel_loop3A_367 = arith.constant 0 : i32
        %parallel_loop3A_368 = arith.addi %parallel_loop3A_367, %parallel_loop3A_362 : i32
        %parallel_loop3A_369 = arith.constant 16 : i32
        %parallel_loop3A_370 = arith.muli %parallel_loop3A_368, %parallel_loop3A_369 : i32
        %parallel_loop3A_371 = arith.index_cast %parallel_loop3A_370 : i32 to index
        %parallel_loop3A_372 = tpu.vector_load %arg16[%parallel_loop3A_371] {strides = array<i32>} : memref<8192xf32, #tpu.memory_space<vmem>>, vector<16xf32>,
        %parallel_loop3A_373 = arith.cmpf ole, %parallel_loop3A_372, %while3A#0 : vector<16xf32>
        %parallel_loop3A_374 = arith.constant 16 : i32
        %parallel_loop3A_375 = arith.muli %parallel_loop3A_368, %parallel_loop3A_374 : i32
        %parallel_loop3A_376 = vector.broadcast %parallel_loop3A_375 : i32 to vector<16xi32>
        %parallel_loop3A_377 = arith.addi %parallel_loop3A_376, %iota3A : vector<16xi32>
        %parallel_loop3A_378 = arith.constant 0 : i32
        %parallel_loop3A_379 = arith.addi %parallel_loop3A_378, %parallel_loop3A_363 : i32
        %parallel_loop3A_380 = arith.index_cast %parallel_loop3A_379 : i32 to index
        %parallel_loop3A_381 = tpu.vector_load %arg17[%parallel_loop3A_380] masked %parallel_loop3A_373 {strides = array<i32>} : memref<8208xf32, #tpu.memory_space<vmem>>, vector<16xf32>, vector<16xi1>
        tpu.vector_store %arg17[%parallel_loop3A_380], %parallel_loop3A_372 masked %parallel_loop3A_373 {strides = array<i32>} : memref<8208xf32, #tpu.memory_space<vmem>>, vector<16xf32>, vector<16xi1>
        %parallel_loop3A_382 = arith.constant 0 : i32
        %parallel_loop3A_383 = arith.addi %parallel_loop3A_382, %parallel_loop3A_363 : i32
        %parallel_loop3A_384 = arith.index_cast %parallel_loop3A_383 : i32 to index
        %parallel_loop3A_385 = tpu.vector_load %arg18[%parallel_loop3A_384] masked %parallel_loop3A_373 {strides = array<i32>} : memref<8208xi32, #tpu.memory_space<vmem>>, vector<16xi32>, vector<16xi1>
        tpu.vector_store %arg18[%parallel_loop3A_384], %parallel_loop3A_377 masked %parallel_loop3A_373 {strides = array<i32>} : memref<8208xi32, #tpu.memory_space<vmem>>, vector<16xi32>, vector<16xi1>
        %parallel_loop3A_386 = tpu.all_reduce %parallel_loop3A_373 {dim = 0 : i64, kind = #tpu.reduction_kind<sum>} : vector<16xi1> -> vector<16xi32>
        %parallel_loop3A_387 = vector.extract_strided_slice %parallel_loop3A_386 {offsets = [0], sizes = [1], strides = [1]} : vector<16xi32> to vector<1xi32>
        %parallel_loop3A_388 = vector.extract %parallel_loop3A_387[0] : i32 from vector<1xi32>
        %parallel_loop3A_389 = arith.addi %parallel_loop3A_363, %parallel_loop3A_388 : i32
        %parallel_loop3A_390 = arith.constant 128 : i32
        %parallel_loop3A_391 = arith.addi %parallel_loop3A_390, %parallel_loop3A_362 : i32
        %parallel_loop3A_392 = arith.constant 16 : i32
        %parallel_loop3A_393 = arith.muli %parallel_loop3A_391, %parallel_loop3A_392 : i32
        %parallel_loop3A_394 = arith.index_cast %parallel_loop3A_393 : i32 to index
        %parallel_loop3A_395 = tpu.vector_load %arg16[%parallel_loop3A_394] {strides = array<i32>} : memref<8192xf32, #tpu.memory_space<vmem>>, vector<16xf32>,
        %parallel_loop3A_396 = arith.cmpf ole, %parallel_loop3A_395, %while3A#0 : vector<16xf32>
        %parallel_loop3A_397 = arith.constant 16 : i32
        %parallel_loop3A_398 = arith.muli %parallel_loop3A_391, %parallel_loop3A_397 : i32
        %parallel_loop3A_399 = vector.broadcast %parallel_loop3A_398 : i32 to vector<16xi32>
        %parallel_loop3A_400 = arith.addi %parallel_loop3A_399, %iota3A : vector<16xi32>
        %parallel_loop3A_401 = arith.constant 2048 : i32
        %parallel_loop3A_402 = arith.addi %parallel_loop3A_401, %parallel_loop3A_364 : i32
        %parallel_loop3A_403 = arith.index_cast %parallel_loop3A_402 : i32 to index
        %parallel_loop3A_404 = tpu.vector_load %arg17[%parallel_loop3A_403] masked %parallel_loop3A_396 {strides = array<i32>} : memref<8208xf32, #tpu.memory_space<vmem>>, vector<16xf32>, vector<16xi1>
        tpu.vector_store %arg17[%parallel_loop3A_403], %parallel_loop3A_395 masked %parallel_loop3A_396 {strides = array<i32>} : memref<8208xf32, #tpu.memory_space<vmem>>, vector<16xf32>, vector<16xi1>
        %parallel_loop3A_405 = arith.constant 2048 : i32
        %parallel_loop3A_406 = arith.addi %parallel_loop3A_405, %parallel_loop3A_364 : i32
        %parallel_loop3A_407 = arith.index_cast %parallel_loop3A_406 : i32 to index
        %parallel_loop3A_408 = tpu.vector_load %arg18[%parallel_loop3A_407] masked %parallel_loop3A_396 {strides = array<i32>} : memref<8208xi32, #tpu.memory_space<vmem>>, vector<16xi32>, vector<16xi1>
        tpu.vector_store %arg18[%parallel_loop3A_407], %parallel_loop3A_400 masked %parallel_loop3A_396 {strides = array<i32>} : memref<8208xi32, #tpu.memory_space<vmem>>, vector<16xi32>, vector<16xi1>
        %parallel_loop3A_409 = tpu.all_reduce %parallel_loop3A_396 {dim = 0 : i64, kind = #tpu.reduction_kind<sum>} : vector<16xi1> -> vector<16xi32>
        %parallel_loop3A_410 = vector.extract_strided_slice %parallel_loop3A_409 {offsets = [0], sizes = [1], strides = [1]} : vector<16xi32> to vector<1xi32>
        %parallel_loop3A_411 = vector.extract %parallel_loop3A_410[0] : i32 from vector<1xi32>
        %parallel_loop3A_412 = arith.addi %parallel_loop3A_364, %parallel_loop3A_411 : i32
        %parallel_loop3A_413 = arith.constant 256 : i32
        %parallel_loop3A_414 = arith.addi %parallel_loop3A_413, %parallel_loop3A_362 : i32
        %parallel_loop3A_415 = arith.constant 16 : i32
        %parallel_loop3A_416 = arith.muli %parallel_loop3A_414, %parallel_loop3A_415 : i32
        %parallel_loop3A_417 = arith.index_cast %parallel_loop3A_416 : i32 to index
        %parallel_loop3A_418 = tpu.vector_load %arg16[%parallel_loop3A_417] {strides = array<i32>} : memref<8192xf32, #tpu.memory_space<vmem>>, vector<16xf32>,
        %parallel_loop3A_419 = arith.cmpf ole, %parallel_loop3A_418, %while3A#0 : vector<16xf32>
        %parallel_loop3A_420 = arith.constant 16 : i32
        %parallel_loop3A_421 = arith.muli %parallel_loop3A_414, %parallel_loop3A_420 : i32
        %parallel_loop3A_422 = vector.broadcast %parallel_loop3A_421 : i32 to vector<16xi32>
        %parallel_loop3A_423 = arith.addi %parallel_loop3A_422, %iota3A : vector<16xi32>
        %parallel_loop3A_424 = arith.constant 4096 : i32
        %parallel_loop3A_425 = arith.addi %parallel_loop3A_424, %parallel_loop3A_365 : i32
        %parallel_loop3A_426 = arith.index_cast %parallel_loop3A_425 : i32 to index
        %parallel_loop3A_427 = tpu.vector_load %arg17[%parallel_loop3A_426] masked %parallel_loop3A_419 {strides = array<i32>} : memref<8208xf32, #tpu.memory_space<vmem>>, vector<16xf32>, vector<16xi1>
        tpu.vector_store %arg17[%parallel_loop3A_426], %parallel_loop3A_418 masked %parallel_loop3A_419 {strides = array<i32>} : memref<8208xf32, #tpu.memory_space<vmem>>, vector<16xf32>, vector<16xi1>
        %parallel_loop3A_428 = arith.constant 4096 : i32
        %parallel_loop3A_429 = arith.addi %parallel_loop3A_428, %parallel_loop3A_365 : i32
        %parallel_loop3A_430 = arith.index_cast %parallel_loop3A_429 : i32 to index
        %parallel_loop3A_431 = tpu.vector_load %arg18[%parallel_loop3A_430] masked %parallel_loop3A_419 {strides = array<i32>} : memref<8208xi32, #tpu.memory_space<vmem>>, vector<16xi32>, vector<16xi1>
        tpu.vector_store %arg18[%parallel_loop3A_430], %parallel_loop3A_423 masked %parallel_loop3A_419 {strides = array<i32>} : memref<8208xi32, #tpu.memory_space<vmem>>, vector<16xi32>, vector<16xi1>
        %parallel_loop3A_432 = tpu.all_reduce %parallel_loop3A_419 {dim = 0 : i64, kind = #tpu.reduction_kind<sum>} : vector<16xi1> -> vector<16xi32>
        %parallel_loop3A_433 = vector.extract_strided_slice %parallel_loop3A_432 {offsets = [0], sizes = [1], strides = [1]} : vector<16xi32> to vector<1xi32>
        %parallel_loop3A_434 = vector.extract %parallel_loop3A_433[0] : i32 from vector<1xi32>
        %parallel_loop3A_435 = arith.addi %parallel_loop3A_365, %parallel_loop3A_434 : i32
        %parallel_loop3A_436 = arith.constant 384 : i32
        %parallel_loop3A_437 = arith.addi %parallel_loop3A_436, %parallel_loop3A_362 : i32
        %parallel_loop3A_438 = arith.constant 16 : i32
        %parallel_loop3A_439 = arith.muli %parallel_loop3A_437, %parallel_loop3A_438 : i32
        %parallel_loop3A_440 = arith.index_cast %parallel_loop3A_439 : i32 to index
        %parallel_loop3A_441 = tpu.vector_load %arg16[%parallel_loop3A_440] {strides = array<i32>} : memref<8192xf32, #tpu.memory_space<vmem>>, vector<16xf32>,
        %parallel_loop3A_442 = arith.cmpf ole, %parallel_loop3A_441, %while3A#0 : vector<16xf32>
        %parallel_loop3A_443 = arith.constant 16 : i32
        %parallel_loop3A_444 = arith.muli %parallel_loop3A_437, %parallel_loop3A_443 : i32
        %parallel_loop3A_445 = vector.broadcast %parallel_loop3A_444 : i32 to vector<16xi32>
        %parallel_loop3A_446 = arith.addi %parallel_loop3A_445, %iota3A : vector<16xi32>
        %parallel_loop3A_447 = arith.constant 6144 : i32
        %parallel_loop3A_448 = arith.addi %parallel_loop3A_447, %parallel_loop3A_366 : i32
        %parallel_loop3A_449 = arith.index_cast %parallel_loop3A_448 : i32 to index
        %parallel_loop3A_450 = tpu.vector_load %arg17[%parallel_loop3A_449] masked %parallel_loop3A_442 {strides = array<i32>} : memref<8208xf32, #tpu.memory_space<vmem>>, vector<16xf32>, vector<16xi1>
        tpu.vector_store %arg17[%parallel_loop3A_449], %parallel_loop3A_441 masked %parallel_loop3A_442 {strides = array<i32>} : memref<8208xf32, #tpu.memory_space<vmem>>, vector<16xf32>, vector<16xi1>
        %parallel_loop3A_451 = arith.constant 6144 : i32
        %parallel_loop3A_452 = arith.addi %parallel_loop3A_451, %parallel_loop3A_366 : i32
        %parallel_loop3A_453 = arith.index_cast %parallel_loop3A_452 : i32 to index
        %parallel_loop3A_454 = tpu.vector_load %arg18[%parallel_loop3A_453] masked %parallel_loop3A_442 {strides = array<i32>} : memref<8208xi32, #tpu.memory_space<vmem>>, vector<16xi32>, vector<16xi1>
        tpu.vector_store %arg18[%parallel_loop3A_453], %parallel_loop3A_446 masked %parallel_loop3A_442 {strides = array<i32>} : memref<8208xi32, #tpu.memory_space<vmem>>, vector<16xi32>, vector<16xi1>
        %parallel_loop3A_455 = tpu.all_reduce %parallel_loop3A_442 {dim = 0 : i64, kind = #tpu.reduction_kind<sum>} : vector<16xi1> -> vector<16xi32>
        %parallel_loop3A_456 = vector.extract_strided_slice %parallel_loop3A_455 {offsets = [0], sizes = [1], strides = [1]} : vector<16xi32> to vector<1xi32>
        %parallel_loop3A_457 = vector.extract %parallel_loop3A_456[0] : i32 from vector<1xi32>
        %parallel_loop3A_458 = arith.addi %parallel_loop3A_366, %parallel_loop3A_457 : i32
        scf.yield %parallel_loop3A_389, %parallel_loop3A_412, %parallel_loop3A_435, %parallel_loop3A_458 : i32, i32, i32, i32
      } {sc.loop_unroll_factor = 2 : i64, sc.parallel_access}
      %broadcast_in_dim3A_147 = arith.constant 0x7F800000 : f32
      %broadcast_in_dim3A_148 = vector.broadcast %broadcast_in_dim3A_147 : f32 to vector<16xf32>
      %broadcast_in_dim3A_149 = arith.constant 0 : i32
      %broadcast_in_dim3A_150 = vector.broadcast %broadcast_in_dim3A_149 : i32 to vector<16xi32>
      %broadcast_in_dim3A_151 = arith.constant 0 : i32
      %broadcast_in_dim3A_152 = vector.broadcast %broadcast_in_dim3A_151 : i32 to vector<16xi32>
      %broadcast_in_dim3A_153 = vector.broadcast %parallel_loop3A_146#0 : i32 to vector<16xi32>
      %add3A_154 = arith.constant 16 : i32
      %add3A_155 = arith.addi %parallel_loop3A_146#0, %add3A_154 : i32
      %sub3A_156 = arith.constant 1 : i32
      %sub3A_157 = arith.subi %add3A_155, %sub3A_156 : i32
      %jit3A_158 = arith.constant 16 : i32
      %div3A_159 = arith.divsi %sub3A_157, %jit3A_158 : i32
      %sign3A_160 = arith.constant 0 : i32
      %sign3A_161 = arith.cmpi sgt, %sub3A_157, %sign3A_160 : i32
      %sign3A_162 = arith.extui %sign3A_161 : i1 to i32
      %sign3A_163 = arith.constant 0 : i32
      %sign3A_164 = arith.cmpi slt, %sub3A_157, %sign3A_163 : i32
      %sign3A_165 = arith.extui %sign3A_164 : i1 to i32
      %sign3A_166 = arith.subi %sign3A_162, %sign3A_165 : i32
      %sign3A_167 = arith.constant 0 : i32
      %sign3A_168 = arith.cmpi sgt, %jit3A_158, %sign3A_167 : i32
      %sign3A_169 = arith.extui %sign3A_168 : i1 to i32
      %sign3A_170 = arith.constant 0 : i32
      %sign3A_171 = arith.cmpi slt, %jit3A_158, %sign3A_170 : i32
      %sign3A_172 = arith.extui %sign3A_171 : i1 to i32
      %sign3A_173 = arith.subi %sign3A_169, %sign3A_172 : i32
      %ne3A_174 = arith.cmpi ne, %sign3A_166, %sign3A_173 : i32
      %rem3A_175 = arith.remsi %sub3A_157, %jit3A_158 : i32
      %ne3A_176 = arith.constant 0 : i32
      %ne3A_177 = arith.cmpi ne, %rem3A_175, %ne3A_176 : i32
      %and3A_178 = arith.andi %ne3A_174, %ne3A_177 : i1
      %sub3A_179 = arith.constant 1 : i32
      %sub3A_180 = arith.subi %div3A_159, %sub3A_179 : i32
      %select_n3A_181 = arith.select %and3A_178, %sub3A_180, %div3A_159 : i32
      %while3A_182 = arith.constant 0 : i32
      %while3A_183 = arith.subi %select_n3A_181, %while3A_182 : i32
      %while3A_184 = arith.addi %while3A_182, %while3A_183 : i32
      %while3A_185 = arith.constant 1 : i32
      %while3A_186 = arith.divsi %while3A_183, %while3A_185 : i32
      %while3A_187 = arith.muli %while3A_186, %while3A_185 : i32
      %while3A_188 = arith.addi %while3A_182, %while3A_187 : i32
      %while3A_189 = arith.constant 1 : i32
      %while3A_190:4 = scf.for %while3A_362 = %while3A_182 to %while3A_188 step %while3A_189 iter_args(%while3A_363 = %broadcast_in_dim3A_148, %while3A_364 = %broadcast_in_dim3A_150, %while3A_365 = %broadcast_in_dim3A_148, %while3A_366 = %broadcast_in_dim3A_152) -> (vector<16xf32>, vector<16xi32>, vector<16xf32>, vector<16xi32>)  : i32 {
        %mul3A_367 = arith.constant 16 : i32
        %mul3A_368 = arith.muli %while3A_362, %mul3A_367 : i32
        %add3A_369 = arith.constant 0 : i32
        %add3A_370 = arith.addi %add3A_369, %mul3A_368 : i32
        %get3A_371 = arith.index_cast %add3A_370 : i32 to index
        %get3A_372 = tpu.vector_load %arg17[%get3A_371] {strides = array<i32>} : memref<8208xf32, #tpu.memory_space<vmem>>, vector<16xf32>,
        %mul3A_373 = arith.constant 16 : i32
        %mul3A_374 = arith.muli %while3A_362, %mul3A_373 : i32
        %add3A_375 = arith.constant 0 : i32
        %add3A_376 = arith.addi %add3A_375, %mul3A_374 : i32
        %get3A_377 = arith.index_cast %add3A_376 : i32 to index
        %get3A_378 = tpu.vector_load %arg18[%get3A_377] {strides = array<i32>} : memref<8208xi32, #tpu.memory_space<vmem>>, vector<16xi32>,
        %mul3A_379 = arith.constant 16 : i32
        %mul3A_380 = arith.muli %while3A_362, %mul3A_379 : i32
        %add3A_381 = vector.broadcast %mul3A_380 : i32 to vector<16xi32>
        %add3A_382 = arith.addi %add3A_381, %iota3A : vector<16xi32>
        %lt3A_383 = arith.cmpi slt, %add3A_382, %broadcast_in_dim3A_153 : vector<16xi32>
        %jit3A_384 = arith.constant 0x7F800000 : f32
        %broadcast_in_dim3A_385 = vector.broadcast %jit3A_384 : f32 to vector<16xf32>
        %select_n3A_386 = arith.select %lt3A_383, %get3A_372, %broadcast_in_dim3A_385 : vector<16xi1>, vector<16xf32>
        %masked_sort3A = arith.constant dense<true> : vector<16xi1>
        %masked_sort3A_387, %masked_sort3A_388, %masked_sort3A_389 = tpu.sort %select_n3A_386, %get3A_378 masked %masked_sort3A : (vector<16xf32>, vector<16xi32>, vector<16xi1>) -> (vector<16xi1>, vector<16xf32>, vector<16xi32>)
        %rev3A = arith.constant 15 : i32
        %rev3A_390 = vector.broadcast %rev3A : i32 to vector<16xi32>
        %rev3A_391 = tpu.iota {dimensions = array<i32: 0>} : vector<16xi32>
        %rev3A_392 = arith.subi %rev3A_390, %rev3A_391 : vector<16xi32>
        %rev3A_393 = tpu.dynamic_gather %masked_sort3A_388[%rev3A_392] in [0] : vector<16xf32>, vector<16xi32> -> vector<16xf32>
        %rev3A_394 = arith.constant 15 : i32
        %rev3A_395 = vector.broadcast %rev3A_394 : i32 to vector<16xi32>
        %rev3A_396 = tpu.iota {dimensions = array<i32: 0>} : vector<16xi32>
        %rev3A_397 = arith.subi %rev3A_395, %rev3A_396 : vector<16xi32>
        %rev3A_398 = tpu.dynamic_gather %masked_sort3A_389[%rev3A_397] in [0] : vector<16xi32>, vector<16xi32> -> vector<16xi32>
        %le3A = arith.cmpf ole, %while3A_365, %rev3A_393 : vector<16xf32>
        %select_n3A_399 = arith.select %le3A, %while3A_365, %rev3A_393 : vector<16xi1>, vector<16xf32>
        %select_n3A_400 = arith.select %le3A, %while3A_366, %rev3A_398 : vector<16xi1>, vector<16xi32>
        %masked_sort3A_401 = arith.constant dense<true> : vector<16xi1>
        %masked_sort3A_402, %masked_sort3A_403, %masked_sort3A_404 = tpu.sort %select_n3A_399, %select_n3A_400 masked %masked_sort3A_401 : (vector<16xf32>, vector<16xi32>, vector<16xi1>) -> (vector<16xi1>, vector<16xf32>, vector<16xi32>)
        %rev3A_405 = arith.constant 15 : i32
        %rev3A_406 = vector.broadcast %rev3A_405 : i32 to vector<16xi32>
        %rev3A_407 = tpu.iota {dimensions = array<i32: 0>} : vector<16xi32>
        %rev3A_408 = arith.subi %rev3A_406, %rev3A_407 : vector<16xi32>
        %rev3A_409 = tpu.dynamic_gather %masked_sort3A_403[%rev3A_408] in [0] : vector<16xf32>, vector<16xi32> -> vector<16xf32>
        %rev3A_410 = arith.constant 15 : i32
        %rev3A_411 = vector.broadcast %rev3A_410 : i32 to vector<16xi32>
        %rev3A_412 = tpu.iota {dimensions = array<i32: 0>} : vector<16xi32>
        %rev3A_413 = arith.subi %rev3A_411, %rev3A_412 : vector<16xi32>
        %rev3A_414 = tpu.dynamic_gather %masked_sort3A_404[%rev3A_413] in [0] : vector<16xi32>, vector<16xi32> -> vector<16xi32>
        %le3A_415 = arith.cmpf ole, %while3A_363, %rev3A_409 : vector<16xf32>
        %select_n3A_416 = arith.select %le3A_415, %while3A_363, %rev3A_409 : vector<16xi1>, vector<16xf32>
        %select_n3A_417 = arith.select %le3A_415, %while3A_364, %rev3A_414 : vector<16xi1>, vector<16xi32>
        %select_n3A_418 = arith.select %le3A_415, %rev3A_409, %while3A_363 : vector<16xi1>, vector<16xf32>
        %select_n3A_419 = arith.select %le3A_415, %rev3A_414, %while3A_364 : vector<16xi1>, vector<16xi32>
        %masked_sort3A_420 = arith.constant dense<true> : vector<16xi1>
        %masked_sort3A_421, %masked_sort3A_422, %masked_sort3A_423 = tpu.sort %select_n3A_416, %select_n3A_417 masked %masked_sort3A_420 : (vector<16xf32>, vector<16xi32>, vector<16xi1>) -> (vector<16xi1>, vector<16xf32>, vector<16xi32>)
        %masked_sort3A_424 = arith.constant dense<true> : vector<16xi1>
        %masked_sort3A_425, %masked_sort3A_426, %masked_sort3A_427 = tpu.sort %select_n3A_418, %select_n3A_419 masked %masked_sort3A_424 : (vector<16xf32>, vector<16xi32>, vector<16xi1>) -> (vector<16xi1>, vector<16xf32>, vector<16xi32>)
        scf.yield %masked_sort3A_422, %masked_sort3A_423, %masked_sort3A_426, %masked_sort3A_427 : vector<16xf32>, vector<16xi32>, vector<16xf32>, vector<16xi32>
      }
      %while3A_191 = arith.constant 1 : i32
      %while3A_192:4 = scf.for %while3A_362 = %while3A_188 to %while3A_184 step %while3A_191 iter_args(%while3A_363 = %while3A_190#0, %while3A_364 = %while3A_190#1, %while3A_365 = %while3A_190#2, %while3A_366 = %while3A_190#3) -> (vector<16xf32>, vector<16xi32>, vector<16xf32>, vector<16xi32>)  : i32 {
        %mul3A_367 = arith.constant 16 : i32
        %mul3A_368 = arith.muli %while3A_362, %mul3A_367 : i32
        %add3A_369 = arith.constant 0 : i32
        %add3A_370 = arith.addi %add3A_369, %mul3A_368 : i32
        %get3A_371 = arith.index_cast %add3A_370 : i32 to index
        %get3A_372 = tpu.vector_load %arg17[%get3A_371] {strides = array<i32>} : memref<8208xf32, #tpu.memory_space<vmem>>, vector<16xf32>,
        %mul3A_373 = arith.constant 16 : i32
        %mul3A_374 = arith.muli %while3A_362, %mul3A_373 : i32
        %add3A_375 = arith.constant 0 : i32
        %add3A_376 = arith.addi %add3A_375, %mul3A_374 : i32
        %get3A_377 = arith.index_cast %add3A_376 : i32 to index
        %get3A_378 = tpu.vector_load %arg18[%get3A_377] {strides = array<i32>} : memref<8208xi32, #tpu.memory_space<vmem>>, vector<16xi32>,
        %mul3A_379 = arith.constant 16 : i32
        %mul3A_380 = arith.muli %while3A_362, %mul3A_379 : i32
        %add3A_381 = vector.broadcast %mul3A_380 : i32 to vector<16xi32>
        %add3A_382 = arith.addi %add3A_381, %iota3A : vector<16xi32>
        %lt3A_383 = arith.cmpi slt, %add3A_382, %broadcast_in_dim3A_153 : vector<16xi32>
        %jit3A_384 = arith.constant 0x7F800000 : f32
        %broadcast_in_dim3A_385 = vector.broadcast %jit3A_384 : f32 to vector<16xf32>
        %select_n3A_386 = arith.select %lt3A_383, %get3A_372, %broadcast_in_dim3A_385 : vector<16xi1>, vector<16xf32>
        %masked_sort3A = arith.constant dense<true> : vector<16xi1>
        %masked_sort3A_387, %masked_sort3A_388, %masked_sort3A_389 = tpu.sort %select_n3A_386, %get3A_378 masked %masked_sort3A : (vector<16xf32>, vector<16xi32>, vector<16xi1>) -> (vector<16xi1>, vector<16xf32>, vector<16xi32>)
        %rev3A = arith.constant 15 : i32
        %rev3A_390 = vector.broadcast %rev3A : i32 to vector<16xi32>
        %rev3A_391 = tpu.iota {dimensions = array<i32: 0>} : vector<16xi32>
        %rev3A_392 = arith.subi %rev3A_390, %rev3A_391 : vector<16xi32>
        %rev3A_393 = tpu.dynamic_gather %masked_sort3A_388[%rev3A_392] in [0] : vector<16xf32>, vector<16xi32> -> vector<16xf32>
        %rev3A_394 = arith.constant 15 : i32
        %rev3A_395 = vector.broadcast %rev3A_394 : i32 to vector<16xi32>
        %rev3A_396 = tpu.iota {dimensions = array<i32: 0>} : vector<16xi32>
        %rev3A_397 = arith.subi %rev3A_395, %rev3A_396 : vector<16xi32>
        %rev3A_398 = tpu.dynamic_gather %masked_sort3A_389[%rev3A_397] in [0] : vector<16xi32>, vector<16xi32> -> vector<16xi32>
        %le3A = arith.cmpf ole, %while3A_365, %rev3A_393 : vector<16xf32>
        %select_n3A_399 = arith.select %le3A, %while3A_365, %rev3A_393 : vector<16xi1>, vector<16xf32>
        %select_n3A_400 = arith.select %le3A, %while3A_366, %rev3A_398 : vector<16xi1>, vector<16xi32>
        %masked_sort3A_401 = arith.constant dense<true> : vector<16xi1>
        %masked_sort3A_402, %masked_sort3A_403, %masked_sort3A_404 = tpu.sort %select_n3A_399, %select_n3A_400 masked %masked_sort3A_401 : (vector<16xf32>, vector<16xi32>, vector<16xi1>) -> (vector<16xi1>, vector<16xf32>, vector<16xi32>)
        %rev3A_405 = arith.constant 15 : i32
        %rev3A_406 = vector.broadcast %rev3A_405 : i32 to vector<16xi32>
        %rev3A_407 = tpu.iota {dimensions = array<i32: 0>} : vector<16xi32>
        %rev3A_408 = arith.subi %rev3A_406, %rev3A_407 : vector<16xi32>
        %rev3A_409 = tpu.dynamic_gather %masked_sort3A_403[%rev3A_408] in [0] : vector<16xf32>, vector<16xi32> -> vector<16xf32>
        %rev3A_410 = arith.constant 15 : i32
        %rev3A_411 = vector.broadcast %rev3A_410 : i32 to vector<16xi32>
        %rev3A_412 = tpu.iota {dimensions = array<i32: 0>} : vector<16xi32>
        %rev3A_413 = arith.subi %rev3A_411, %rev3A_412 : vector<16xi32>
        %rev3A_414 = tpu.dynamic_gather %masked_sort3A_404[%rev3A_413] in [0] : vector<16xi32>, vector<16xi32> -> vector<16xi32>
        %le3A_415 = arith.cmpf ole, %while3A_363, %rev3A_409 : vector<16xf32>
        %select_n3A_416 = arith.select %le3A_415, %while3A_363, %rev3A_409 : vector<16xi1>, vector<16xf32>
        %select_n3A_417 = arith.select %le3A_415, %while3A_364, %rev3A_414 : vector<16xi1>, vector<16xi32>
        %select_n3A_418 = arith.select %le3A_415, %rev3A_409, %while3A_363 : vector<16xi1>, vector<16xf32>
        %select_n3A_419 = arith.select %le3A_415, %rev3A_414, %while3A_364 : vector<16xi1>, vector<16xi32>
        %masked_sort3A_420 = arith.constant dense<true> : vector<16xi1>
        %masked_sort3A_421, %masked_sort3A_422, %masked_sort3A_423 = tpu.sort %select_n3A_416, %select_n3A_417 masked %masked_sort3A_420 : (vector<16xf32>, vector<16xi32>, vector<16xi1>) -> (vector<16xi1>, vector<16xf32>, vector<16xi32>)
        %masked_sort3A_424 = arith.constant dense<true> : vector<16xi1>
        %masked_sort3A_425, %masked_sort3A_426, %masked_sort3A_427 = tpu.sort %select_n3A_418, %select_n3A_419 masked %masked_sort3A_424 : (vector<16xf32>, vector<16xi32>, vector<16xi1>) -> (vector<16xi1>, vector<16xf32>, vector<16xi32>)
        scf.yield %masked_sort3A_422, %masked_sort3A_423, %masked_sort3A_426, %masked_sort3A_427 : vector<16xf32>, vector<16xi32>, vector<16xf32>, vector<16xi32>
      }
      %broadcast_in_dim3A_193 = vector.broadcast %parallel_loop3A_146#1 : i32 to vector<16xi32>
      %add3A_194 = arith.constant 16 : i32
      %add3A_195 = arith.addi %parallel_loop3A_146#1, %add3A_194 : i32
      %sub3A_196 = arith.constant 1 : i32
      %sub3A_197 = arith.subi %add3A_195, %sub3A_196 : i32
      %jit3A_198 = arith.constant 16 : i32
      %div3A_199 = arith.divsi %sub3A_197, %jit3A_198 : i32
      %sign3A_200 = arith.constant 0 : i32
      %sign3A_201 = arith.cmpi sgt, %sub3A_197, %sign3A_200 : i32
      %sign3A_202 = arith.extui %sign3A_201 : i1 to i32
      %sign3A_203 = arith.constant 0 : i32
      %sign3A_204 = arith.cmpi slt, %sub3A_197, %sign3A_203 : i32
      %sign3A_205 = arith.extui %sign3A_204 : i1 to i32
      %sign3A_206 = arith.subi %sign3A_202, %sign3A_205 : i32
      %sign3A_207 = arith.constant 0 : i32
      %sign3A_208 = arith.cmpi sgt, %jit3A_198, %sign3A_207 : i32
      %sign3A_209 = arith.extui %sign3A_208 : i1 to i32
      %sign3A_210 = arith.constant 0 : i32
      %sign3A_211 = arith.cmpi slt, %jit3A_198, %sign3A_210 : i32
      %sign3A_212 = arith.extui %sign3A_211 : i1 to i32
      %sign3A_213 = arith.subi %sign3A_209, %sign3A_212 : i32
      %ne3A_214 = arith.cmpi ne, %sign3A_206, %sign3A_213 : i32
      %rem3A_215 = arith.remsi %sub3A_197, %jit3A_198 : i32
      %ne3A_216 = arith.constant 0 : i32
      %ne3A_217 = arith.cmpi ne, %rem3A_215, %ne3A_216 : i32
      %and3A_218 = arith.andi %ne3A_214, %ne3A_217 : i1
      %sub3A_219 = arith.constant 1 : i32
      %sub3A_220 = arith.subi %div3A_199, %sub3A_219 : i32
      %select_n3A_221 = arith.select %and3A_218, %sub3A_220, %div3A_199 : i32
      %while3A_222 = arith.constant 0 : i32
      %while3A_223 = arith.subi %select_n3A_221, %while3A_222 : i32
      %while3A_224 = arith.addi %while3A_222, %while3A_223 : i32
      %while3A_225 = arith.constant 1 : i32
      %while3A_226 = arith.divsi %while3A_223, %while3A_225 : i32
      %while3A_227 = arith.muli %while3A_226, %while3A_225 : i32
      %while3A_228 = arith.addi %while3A_222, %while3A_227 : i32
      %while3A_229 = arith.constant 1 : i32
      %while3A_230:4 = scf.for %while3A_362 = %while3A_222 to %while3A_228 step %while3A_229 iter_args(%while3A_363 = %while3A_192#0, %while3A_364 = %while3A_192#1, %while3A_365 = %while3A_192#2, %while3A_366 = %while3A_192#3) -> (vector<16xf32>, vector<16xi32>, vector<16xf32>, vector<16xi32>)  : i32 {
        %mul3A_367 = arith.constant 16 : i32
        %mul3A_368 = arith.muli %while3A_362, %mul3A_367 : i32
        %add3A_369 = arith.constant 2048 : i32
        %add3A_370 = arith.addi %add3A_369, %mul3A_368 : i32
        %get3A_371 = arith.index_cast %add3A_370 : i32 to index
        %get3A_372 = tpu.vector_load %arg17[%get3A_371] {strides = array<i32>} : memref<8208xf32, #tpu.memory_space<vmem>>, vector<16xf32>,
        %mul3A_373 = arith.constant 16 : i32
        %mul3A_374 = arith.muli %while3A_362, %mul3A_373 : i32
        %add3A_375 = arith.constant 2048 : i32
        %add3A_376 = arith.addi %add3A_375, %mul3A_374 : i32
        %get3A_377 = arith.index_cast %add3A_376 : i32 to index
        %get3A_378 = tpu.vector_load %arg18[%get3A_377] {strides = array<i32>} : memref<8208xi32, #tpu.memory_space<vmem>>, vector<16xi32>,
        %mul3A_379 = arith.constant 16 : i32
        %mul3A_380 = arith.muli %while3A_362, %mul3A_379 : i32
        %add3A_381 = vector.broadcast %mul3A_380 : i32 to vector<16xi32>
        %add3A_382 = arith.addi %add3A_381, %iota3A : vector<16xi32>
        %lt3A_383 = arith.cmpi slt, %add3A_382, %broadcast_in_dim3A_193 : vector<16xi32>
        %jit3A_384 = arith.constant 0x7F800000 : f32
        %broadcast_in_dim3A_385 = vector.broadcast %jit3A_384 : f32 to vector<16xf32>
        %select_n3A_386 = arith.select %lt3A_383, %get3A_372, %broadcast_in_dim3A_385 : vector<16xi1>, vector<16xf32>
        %masked_sort3A = arith.constant dense<true> : vector<16xi1>
        %masked_sort3A_387, %masked_sort3A_388, %masked_sort3A_389 = tpu.sort %select_n3A_386, %get3A_378 masked %masked_sort3A : (vector<16xf32>, vector<16xi32>, vector<16xi1>) -> (vector<16xi1>, vector<16xf32>, vector<16xi32>)
        %rev3A = arith.constant 15 : i32
        %rev3A_390 = vector.broadcast %rev3A : i32 to vector<16xi32>
        %rev3A_391 = tpu.iota {dimensions = array<i32: 0>} : vector<16xi32>
        %rev3A_392 = arith.subi %rev3A_390, %rev3A_391 : vector<16xi32>
        %rev3A_393 = tpu.dynamic_gather %masked_sort3A_388[%rev3A_392] in [0] : vector<16xf32>, vector<16xi32> -> vector<16xf32>
        %rev3A_394 = arith.constant 15 : i32
        %rev3A_395 = vector.broadcast %rev3A_394 : i32 to vector<16xi32>
        %rev3A_396 = tpu.iota {dimensions = array<i32: 0>} : vector<16xi32>
        %rev3A_397 = arith.subi %rev3A_395, %rev3A_396 : vector<16xi32>
        %rev3A_398 = tpu.dynamic_gather %masked_sort3A_389[%rev3A_397] in [0] : vector<16xi32>, vector<16xi32> -> vector<16xi32>
        %le3A = arith.cmpf ole, %while3A_365, %rev3A_393 : vector<16xf32>
        %select_n3A_399 = arith.select %le3A, %while3A_365, %rev3A_393 : vector<16xi1>, vector<16xf32>
        %select_n3A_400 = arith.select %le3A, %while3A_366, %rev3A_398 : vector<16xi1>, vector<16xi32>
        %masked_sort3A_401 = arith.constant dense<true> : vector<16xi1>
        %masked_sort3A_402, %masked_sort3A_403, %masked_sort3A_404 = tpu.sort %select_n3A_399, %select_n3A_400 masked %masked_sort3A_401 : (vector<16xf32>, vector<16xi32>, vector<16xi1>) -> (vector<16xi1>, vector<16xf32>, vector<16xi32>)
        %rev3A_405 = arith.constant 15 : i32
        %rev3A_406 = vector.broadcast %rev3A_405 : i32 to vector<16xi32>
        %rev3A_407 = tpu.iota {dimensions = array<i32: 0>} : vector<16xi32>
        %rev3A_408 = arith.subi %rev3A_406, %rev3A_407 : vector<16xi32>
        %rev3A_409 = tpu.dynamic_gather %masked_sort3A_403[%rev3A_408] in [0] : vector<16xf32>, vector<16xi32> -> vector<16xf32>
        %rev3A_410 = arith.constant 15 : i32
        %rev3A_411 = vector.broadcast %rev3A_410 : i32 to vector<16xi32>
        %rev3A_412 = tpu.iota {dimensions = array<i32: 0>} : vector<16xi32>
        %rev3A_413 = arith.subi %rev3A_411, %rev3A_412 : vector<16xi32>
        %rev3A_414 = tpu.dynamic_gather %masked_sort3A_404[%rev3A_413] in [0] : vector<16xi32>, vector<16xi32> -> vector<16xi32>
        %le3A_415 = arith.cmpf ole, %while3A_363, %rev3A_409 : vector<16xf32>
        %select_n3A_416 = arith.select %le3A_415, %while3A_363, %rev3A_409 : vector<16xi1>, vector<16xf32>
        %select_n3A_417 = arith.select %le3A_415, %while3A_364, %rev3A_414 : vector<16xi1>, vector<16xi32>
        %select_n3A_418 = arith.select %le3A_415, %rev3A_409, %while3A_363 : vector<16xi1>, vector<16xf32>
        %select_n3A_419 = arith.select %le3A_415, %rev3A_414, %while3A_364 : vector<16xi1>, vector<16xi32>
        %masked_sort3A_420 = arith.constant dense<true> : vector<16xi1>
        %masked_sort3A_421, %masked_sort3A_422, %masked_sort3A_423 = tpu.sort %select_n3A_416, %select_n3A_417 masked %masked_sort3A_420 : (vector<16xf32>, vector<16xi32>, vector<16xi1>) -> (vector<16xi1>, vector<16xf32>, vector<16xi32>)
        %masked_sort3A_424 = arith.constant dense<true> : vector<16xi1>
        %masked_sort3A_425, %masked_sort3A_426, %masked_sort3A_427 = tpu.sort %select_n3A_418, %select_n3A_419 masked %masked_sort3A_424 : (vector<16xf32>, vector<16xi32>, vector<16xi1>) -> (vector<16xi1>, vector<16xf32>, vector<16xi32>)
        scf.yield %masked_sort3A_422, %masked_sort3A_423, %masked_sort3A_426, %masked_sort3A_427 : vector<16xf32>, vector<16xi32>, vector<16xf32>, vector<16xi32>
      }
      %while3A_231 = arith.constant 1 : i32
      %while3A_232:4 = scf.for %while3A_362 = %while3A_228 to %while3A_224 step %while3A_231 iter_args(%while3A_363 = %while3A_230#0, %while3A_364 = %while3A_230#1, %while3A_365 = %while3A_230#2, %while3A_366 = %while3A_230#3) -> (vector<16xf32>, vector<16xi32>, vector<16xf32>, vector<16xi32>)  : i32 {
        %mul3A_367 = arith.constant 16 : i32
        %mul3A_368 = arith.muli %while3A_362, %mul3A_367 : i32
        %add3A_369 = arith.constant 2048 : i32
        %add3A_370 = arith.addi %add3A_369, %mul3A_368 : i32
        %get3A_371 = arith.index_cast %add3A_370 : i32 to index
        %get3A_372 = tpu.vector_load %arg17[%get3A_371] {strides = array<i32>} : memref<8208xf32, #tpu.memory_space<vmem>>, vector<16xf32>,
        %mul3A_373 = arith.constant 16 : i32
        %mul3A_374 = arith.muli %while3A_362, %mul3A_373 : i32
        %add3A_375 = arith.constant 2048 : i32
        %add3A_376 = arith.addi %add3A_375, %mul3A_374 : i32
        %get3A_377 = arith.index_cast %add3A_376 : i32 to index
        %get3A_378 = tpu.vector_load %arg18[%get3A_377] {strides = array<i32>} : memref<8208xi32, #tpu.memory_space<vmem>>, vector<16xi32>,
        %mul3A_379 = arith.constant 16 : i32
        %mul3A_380 = arith.muli %while3A_362, %mul3A_379 : i32
        %add3A_381 = vector.broadcast %mul3A_380 : i32 to vector<16xi32>
        %add3A_382 = arith.addi %add3A_381, %iota3A : vector<16xi32>
        %lt3A_383 = arith.cmpi slt, %add3A_382, %broadcast_in_dim3A_193 : vector<16xi32>
        %jit3A_384 = arith.constant 0x7F800000 : f32
        %broadcast_in_dim3A_385 = vector.broadcast %jit3A_384 : f32 to vector<16xf32>
        %select_n3A_386 = arith.select %lt3A_383, %get3A_372, %broadcast_in_dim3A_385 : vector<16xi1>, vector<16xf32>
        %masked_sort3A = arith.constant dense<true> : vector<16xi1>
        %masked_sort3A_387, %masked_sort3A_388, %masked_sort3A_389 = tpu.sort %select_n3A_386, %get3A_378 masked %masked_sort3A : (vector<16xf32>, vector<16xi32>, vector<16xi1>) -> (vector<16xi1>, vector<16xf32>, vector<16xi32>)
        %rev3A = arith.constant 15 : i32
        %rev3A_390 = vector.broadcast %rev3A : i32 to vector<16xi32>
        %rev3A_391 = tpu.iota {dimensions = array<i32: 0>} : vector<16xi32>
        %rev3A_392 = arith.subi %rev3A_390, %rev3A_391 : vector<16xi32>
        %rev3A_393 = tpu.dynamic_gather %masked_sort3A_388[%rev3A_392] in [0] : vector<16xf32>, vector<16xi32> -> vector<16xf32>
        %rev3A_394 = arith.constant 15 : i32
        %rev3A_395 = vector.broadcast %rev3A_394 : i32 to vector<16xi32>
        %rev3A_396 = tpu.iota {dimensions = array<i32: 0>} : vector<16xi32>
        %rev3A_397 = arith.subi %rev3A_395, %rev3A_396 : vector<16xi32>
        %rev3A_398 = tpu.dynamic_gather %masked_sort3A_389[%rev3A_397] in [0] : vector<16xi32>, vector<16xi32> -> vector<16xi32>
        %le3A = arith.cmpf ole, %while3A_365, %rev3A_393 : vector<16xf32>
        %select_n3A_399 = arith.select %le3A, %while3A_365, %rev3A_393 : vector<16xi1>, vector<16xf32>
        %select_n3A_400 = arith.select %le3A, %while3A_366, %rev3A_398 : vector<16xi1>, vector<16xi32>
        %masked_sort3A_401 = arith.constant dense<true> : vector<16xi1>
        %masked_sort3A_402, %masked_sort3A_403, %masked_sort3A_404 = tpu.sort %select_n3A_399, %select_n3A_400 masked %masked_sort3A_401 : (vector<16xf32>, vector<16xi32>, vector<16xi1>) -> (vector<16xi1>, vector<16xf32>, vector<16xi32>)
        %rev3A_405 = arith.constant 15 : i32
        %rev3A_406 = vector.broadcast %rev3A_405 : i32 to vector<16xi32>
        %rev3A_407 = tpu.iota {dimensions = array<i32: 0>} : vector<16xi32>
        %rev3A_408 = arith.subi %rev3A_406, %rev3A_407 : vector<16xi32>
        %rev3A_409 = tpu.dynamic_gather %masked_sort3A_403[%rev3A_408] in [0] : vector<16xf32>, vector<16xi32> -> vector<16xf32>
        %rev3A_410 = arith.constant 15 : i32
        %rev3A_411 = vector.broadcast %rev3A_410 : i32 to vector<16xi32>
        %rev3A_412 = tpu.iota {dimensions = array<i32: 0>} : vector<16xi32>
        %rev3A_413 = arith.subi %rev3A_411, %rev3A_412 : vector<16xi32>
        %rev3A_414 = tpu.dynamic_gather %masked_sort3A_404[%rev3A_413] in [0] : vector<16xi32>, vector<16xi32> -> vector<16xi32>
        %le3A_415 = arith.cmpf ole, %while3A_363, %rev3A_409 : vector<16xf32>
        %select_n3A_416 = arith.select %le3A_415, %while3A_363, %rev3A_409 : vector<16xi1>, vector<16xf32>
        %select_n3A_417 = arith.select %le3A_415, %while3A_364, %rev3A_414 : vector<16xi1>, vector<16xi32>
        %select_n3A_418 = arith.select %le3A_415, %rev3A_409, %while3A_363 : vector<16xi1>, vector<16xf32>
        %select_n3A_419 = arith.select %le3A_415, %rev3A_414, %while3A_364 : vector<16xi1>, vector<16xi32>
        %masked_sort3A_420 = arith.constant dense<true> : vector<16xi1>
        %masked_sort3A_421, %masked_sort3A_422, %masked_sort3A_423 = tpu.sort %select_n3A_416, %select_n3A_417 masked %masked_sort3A_420 : (vector<16xf32>, vector<16xi32>, vector<16xi1>) -> (vector<16xi1>, vector<16xf32>, vector<16xi32>)
        %masked_sort3A_424 = arith.constant dense<true> : vector<16xi1>
        %masked_sort3A_425, %masked_sort3A_426, %masked_sort3A_427 = tpu.sort %select_n3A_418, %select_n3A_419 masked %masked_sort3A_424 : (vector<16xf32>, vector<16xi32>, vector<16xi1>) -> (vector<16xi1>, vector<16xf32>, vector<16xi32>)
        scf.yield %masked_sort3A_422, %masked_sort3A_423, %masked_sort3A_426, %masked_sort3A_427 : vector<16xf32>, vector<16xi32>, vector<16xf32>, vector<16xi32>
      }
      %broadcast_in_dim3A_233 = vector.broadcast %parallel_loop3A_146#2 : i32 to vector<16xi32>
      %add3A_234 = arith.constant 16 : i32
      %add3A_235 = arith.addi %parallel_loop3A_146#2, %add3A_234 : i32
      %sub3A_236 = arith.constant 1 : i32
      %sub3A_237 = arith.subi %add3A_235, %sub3A_236 : i32
      %jit3A_238 = arith.constant 16 : i32
      %div3A_239 = arith.divsi %sub3A_237, %jit3A_238 : i32
      %sign3A_240 = arith.constant 0 : i32
      %sign3A_241 = arith.cmpi sgt, %sub3A_237, %sign3A_240 : i32
      %sign3A_242 = arith.extui %sign3A_241 : i1 to i32
      %sign3A_243 = arith.constant 0 : i32
      %sign3A_244 = arith.cmpi slt, %sub3A_237, %sign3A_243 : i32
      %sign3A_245 = arith.extui %sign3A_244 : i1 to i32
      %sign3A_246 = arith.subi %sign3A_242, %sign3A_245 : i32
      %sign3A_247 = arith.constant 0 : i32
      %sign3A_248 = arith.cmpi sgt, %jit3A_238, %sign3A_247 : i32
      %sign3A_249 = arith.extui %sign3A_248 : i1 to i32
      %sign3A_250 = arith.constant 0 : i32
      %sign3A_251 = arith.cmpi slt, %jit3A_238, %sign3A_250 : i32
      %sign3A_252 = arith.extui %sign3A_251 : i1 to i32
      %sign3A_253 = arith.subi %sign3A_249, %sign3A_252 : i32
      %ne3A_254 = arith.cmpi ne, %sign3A_246, %sign3A_253 : i32
      %rem3A_255 = arith.remsi %sub3A_237, %jit3A_238 : i32
      %ne3A_256 = arith.constant 0 : i32
      %ne3A_257 = arith.cmpi ne, %rem3A_255, %ne3A_256 : i32
      %and3A_258 = arith.andi %ne3A_254, %ne3A_257 : i1
      %sub3A_259 = arith.constant 1 : i32
      %sub3A_260 = arith.subi %div3A_239, %sub3A_259 : i32
      %select_n3A_261 = arith.select %and3A_258, %sub3A_260, %div3A_239 : i32
      %while3A_262 = arith.constant 0 : i32
      %while3A_263 = arith.subi %select_n3A_261, %while3A_262 : i32
      %while3A_264 = arith.addi %while3A_262, %while3A_263 : i32
      %while3A_265 = arith.constant 1 : i32
      %while3A_266 = arith.divsi %while3A_263, %while3A_265 : i32
      %while3A_267 = arith.muli %while3A_266, %while3A_265 : i32
      %while3A_268 = arith.addi %while3A_262, %while3A_267 : i32
      %while3A_269 = arith.constant 1 : i32
      %while3A_270:4 = scf.for %while3A_362 = %while3A_262 to %while3A_268 step %while3A_269 iter_args(%while3A_363 = %while3A_232#0, %while3A_364 = %while3A_232#1, %while3A_365 = %while3A_232#2, %while3A_366 = %while3A_232#3) -> (vector<16xf32>, vector<16xi32>, vector<16xf32>, vector<16xi32>)  : i32 {
        %mul3A_367 = arith.constant 16 : i32
        %mul3A_368 = arith.muli %while3A_362, %mul3A_367 : i32
        %add3A_369 = arith.constant 4096 : i32
        %add3A_370 = arith.addi %add3A_369, %mul3A_368 : i32
        %get3A_371 = arith.index_cast %add3A_370 : i32 to index
        %get3A_372 = tpu.vector_load %arg17[%get3A_371] {strides = array<i32>} : memref<8208xf32, #tpu.memory_space<vmem>>, vector<16xf32>,
        %mul3A_373 = arith.constant 16 : i32
        %mul3A_374 = arith.muli %while3A_362, %mul3A_373 : i32
        %add3A_375 = arith.constant 4096 : i32
        %add3A_376 = arith.addi %add3A_375, %mul3A_374 : i32
        %get3A_377 = arith.index_cast %add3A_376 : i32 to index
        %get3A_378 = tpu.vector_load %arg18[%get3A_377] {strides = array<i32>} : memref<8208xi32, #tpu.memory_space<vmem>>, vector<16xi32>,
        %mul3A_379 = arith.constant 16 : i32
        %mul3A_380 = arith.muli %while3A_362, %mul3A_379 : i32
        %add3A_381 = vector.broadcast %mul3A_380 : i32 to vector<16xi32>
        %add3A_382 = arith.addi %add3A_381, %iota3A : vector<16xi32>
        %lt3A_383 = arith.cmpi slt, %add3A_382, %broadcast_in_dim3A_233 : vector<16xi32>
        %jit3A_384 = arith.constant 0x7F800000 : f32
        %broadcast_in_dim3A_385 = vector.broadcast %jit3A_384 : f32 to vector<16xf32>
        %select_n3A_386 = arith.select %lt3A_383, %get3A_372, %broadcast_in_dim3A_385 : vector<16xi1>, vector<16xf32>
        %masked_sort3A = arith.constant dense<true> : vector<16xi1>
        %masked_sort3A_387, %masked_sort3A_388, %masked_sort3A_389 = tpu.sort %select_n3A_386, %get3A_378 masked %masked_sort3A : (vector<16xf32>, vector<16xi32>, vector<16xi1>) -> (vector<16xi1>, vector<16xf32>, vector<16xi32>)
        %rev3A = arith.constant 15 : i32
        %rev3A_390 = vector.broadcast %rev3A : i32 to vector<16xi32>
        %rev3A_391 = tpu.iota {dimensions = array<i32: 0>} : vector<16xi32>
        %rev3A_392 = arith.subi %rev3A_390, %rev3A_391 : vector<16xi32>
        %rev3A_393 = tpu.dynamic_gather %masked_sort3A_388[%rev3A_392] in [0] : vector<16xf32>, vector<16xi32> -> vector<16xf32>
        %rev3A_394 = arith.constant 15 : i32
        %rev3A_395 = vector.broadcast %rev3A_394 : i32 to vector<16xi32>
        %rev3A_396 = tpu.iota {dimensions = array<i32: 0>} : vector<16xi32>
        %rev3A_397 = arith.subi %rev3A_395, %rev3A_396 : vector<16xi32>
        %rev3A_398 = tpu.dynamic_gather %masked_sort3A_389[%rev3A_397] in [0] : vector<16xi32>, vector<16xi32> -> vector<16xi32>
        %le3A = arith.cmpf ole, %while3A_365, %rev3A_393 : vector<16xf32>
        %select_n3A_399 = arith.select %le3A, %while3A_365, %rev3A_393 : vector<16xi1>, vector<16xf32>
        %select_n3A_400 = arith.select %le3A, %while3A_366, %rev3A_398 : vector<16xi1>, vector<16xi32>
        %masked_sort3A_401 = arith.constant dense<true> : vector<16xi1>
        %masked_sort3A_402, %masked_sort3A_403, %masked_sort3A_404 = tpu.sort %select_n3A_399, %select_n3A_400 masked %masked_sort3A_401 : (vector<16xf32>, vector<16xi32>, vector<16xi1>) -> (vector<16xi1>, vector<16xf32>, vector<16xi32>)
        %rev3A_405 = arith.constant 15 : i32
        %rev3A_406 = vector.broadcast %rev3A_405 : i32 to vector<16xi32>
        %rev3A_407 = tpu.iota {dimensions = array<i32: 0>} : vector<16xi32>
        %rev3A_408 = arith.subi %rev3A_406, %rev3A_407 : vector<16xi32>
        %rev3A_409 = tpu.dynamic_gather %masked_sort3A_403[%rev3A_408] in [0] : vector<16xf32>, vector<16xi32> -> vector<16xf32>
        %rev3A_410 = arith.constant 15 : i32
        %rev3A_411 = vector.broadcast %rev3A_410 : i32 to vector<16xi32>
        %rev3A_412 = tpu.iota {dimensions = array<i32: 0>} : vector<16xi32>
        %rev3A_413 = arith.subi %rev3A_411, %rev3A_412 : vector<16xi32>
        %rev3A_414 = tpu.dynamic_gather %masked_sort3A_404[%rev3A_413] in [0] : vector<16xi32>, vector<16xi32> -> vector<16xi32>
        %le3A_415 = arith.cmpf ole, %while3A_363, %rev3A_409 : vector<16xf32>
        %select_n3A_416 = arith.select %le3A_415, %while3A_363, %rev3A_409 : vector<16xi1>, vector<16xf32>
        %select_n3A_417 = arith.select %le3A_415, %while3A_364, %rev3A_414 : vector<16xi1>, vector<16xi32>
        %select_n3A_418 = arith.select %le3A_415, %rev3A_409, %while3A_363 : vector<16xi1>, vector<16xf32>
        %select_n3A_419 = arith.select %le3A_415, %rev3A_414, %while3A_364 : vector<16xi1>, vector<16xi32>
        %masked_sort3A_420 = arith.constant dense<true> : vector<16xi1>
        %masked_sort3A_421, %masked_sort3A_422, %masked_sort3A_423 = tpu.sort %select_n3A_416, %select_n3A_417 masked %masked_sort3A_420 : (vector<16xf32>, vector<16xi32>, vector<16xi1>) -> (vector<16xi1>, vector<16xf32>, vector<16xi32>)
        %masked_sort3A_424 = arith.constant dense<true> : vector<16xi1>
        %masked_sort3A_425, %masked_sort3A_426, %masked_sort3A_427 = tpu.sort %select_n3A_418, %select_n3A_419 masked %masked_sort3A_424 : (vector<16xf32>, vector<16xi32>, vector<16xi1>) -> (vector<16xi1>, vector<16xf32>, vector<16xi32>)
        scf.yield %masked_sort3A_422, %masked_sort3A_423, %masked_sort3A_426, %masked_sort3A_427 : vector<16xf32>, vector<16xi32>, vector<16xf32>, vector<16xi32>
      }
      %while3A_271 = arith.constant 1 : i32
      %while3A_272:4 = scf.for %while3A_362 = %while3A_268 to %while3A_264 step %while3A_271 iter_args(%while3A_363 = %while3A_270#0, %while3A_364 = %while3A_270#1, %while3A_365 = %while3A_270#2, %while3A_366 = %while3A_270#3) -> (vector<16xf32>, vector<16xi32>, vector<16xf32>, vector<16xi32>)  : i32 {
        %mul3A_367 = arith.constant 16 : i32
        %mul3A_368 = arith.muli %while3A_362, %mul3A_367 : i32
        %add3A_369 = arith.constant 4096 : i32
        %add3A_370 = arith.addi %add3A_369, %mul3A_368 : i32
        %get3A_371 = arith.index_cast %add3A_370 : i32 to index
        %get3A_372 = tpu.vector_load %arg17[%get3A_371] {strides = array<i32>} : memref<8208xf32, #tpu.memory_space<vmem>>, vector<16xf32>,
        %mul3A_373 = arith.constant 16 : i32
        %mul3A_374 = arith.muli %while3A_362, %mul3A_373 : i32
        %add3A_375 = arith.constant 4096 : i32
        %add3A_376 = arith.addi %add3A_375, %mul3A_374 : i32
        %get3A_377 = arith.index_cast %add3A_376 : i32 to index
        %get3A_378 = tpu.vector_load %arg18[%get3A_377] {strides = array<i32>} : memref<8208xi32, #tpu.memory_space<vmem>>, vector<16xi32>,
        %mul3A_379 = arith.constant 16 : i32
        %mul3A_380 = arith.muli %while3A_362, %mul3A_379 : i32
        %add3A_381 = vector.broadcast %mul3A_380 : i32 to vector<16xi32>
        %add3A_382 = arith.addi %add3A_381, %iota3A : vector<16xi32>
        %lt3A_383 = arith.cmpi slt, %add3A_382, %broadcast_in_dim3A_233 : vector<16xi32>
        %jit3A_384 = arith.constant 0x7F800000 : f32
        %broadcast_in_dim3A_385 = vector.broadcast %jit3A_384 : f32 to vector<16xf32>
        %select_n3A_386 = arith.select %lt3A_383, %get3A_372, %broadcast_in_dim3A_385 : vector<16xi1>, vector<16xf32>
        %masked_sort3A = arith.constant dense<true> : vector<16xi1>
        %masked_sort3A_387, %masked_sort3A_388, %masked_sort3A_389 = tpu.sort %select_n3A_386, %get3A_378 masked %masked_sort3A : (vector<16xf32>, vector<16xi32>, vector<16xi1>) -> (vector<16xi1>, vector<16xf32>, vector<16xi32>)
        %rev3A = arith.constant 15 : i32
        %rev3A_390 = vector.broadcast %rev3A : i32 to vector<16xi32>
        %rev3A_391 = tpu.iota {dimensions = array<i32: 0>} : vector<16xi32>
        %rev3A_392 = arith.subi %rev3A_390, %rev3A_391 : vector<16xi32>
        %rev3A_393 = tpu.dynamic_gather %masked_sort3A_388[%rev3A_392] in [0] : vector<16xf32>, vector<16xi32> -> vector<16xf32>
        %rev3A_394 = arith.constant 15 : i32
        %rev3A_395 = vector.broadcast %rev3A_394 : i32 to vector<16xi32>
        %rev3A_396 = tpu.iota {dimensions = array<i32: 0>} : vector<16xi32>
        %rev3A_397 = arith.subi %rev3A_395, %rev3A_396 : vector<16xi32>
        %rev3A_398 = tpu.dynamic_gather %masked_sort3A_389[%rev3A_397] in [0] : vector<16xi32>, vector<16xi32> -> vector<16xi32>
        %le3A = arith.cmpf ole, %while3A_365, %rev3A_393 : vector<16xf32>
        %select_n3A_399 = arith.select %le3A, %while3A_365, %rev3A_393 : vector<16xi1>, vector<16xf32>
        %select_n3A_400 = arith.select %le3A, %while3A_366, %rev3A_398 : vector<16xi1>, vector<16xi32>
        %masked_sort3A_401 = arith.constant dense<true> : vector<16xi1>
        %masked_sort3A_402, %masked_sort3A_403, %masked_sort3A_404 = tpu.sort %select_n3A_399, %select_n3A_400 masked %masked_sort3A_401 : (vector<16xf32>, vector<16xi32>, vector<16xi1>) -> (vector<16xi1>, vector<16xf32>, vector<16xi32>)
        %rev3A_405 = arith.constant 15 : i32
        %rev3A_406 = vector.broadcast %rev3A_405 : i32 to vector<16xi32>
        %rev3A_407 = tpu.iota {dimensions = array<i32: 0>} : vector<16xi32>
        %rev3A_408 = arith.subi %rev3A_406, %rev3A_407 : vector<16xi32>
        %rev3A_409 = tpu.dynamic_gather %masked_sort3A_403[%rev3A_408] in [0] : vector<16xf32>, vector<16xi32> -> vector<16xf32>
        %rev3A_410 = arith.constant 15 : i32
        %rev3A_411 = vector.broadcast %rev3A_410 : i32 to vector<16xi32>
        %rev3A_412 = tpu.iota {dimensions = array<i32: 0>} : vector<16xi32>
        %rev3A_413 = arith.subi %rev3A_411, %rev3A_412 : vector<16xi32>
        %rev3A_414 = tpu.dynamic_gather %masked_sort3A_404[%rev3A_413] in [0] : vector<16xi32>, vector<16xi32> -> vector<16xi32>
        %le3A_415 = arith.cmpf ole, %while3A_363, %rev3A_409 : vector<16xf32>
        %select_n3A_416 = arith.select %le3A_415, %while3A_363, %rev3A_409 : vector<16xi1>, vector<16xf32>
        %select_n3A_417 = arith.select %le3A_415, %while3A_364, %rev3A_414 : vector<16xi1>, vector<16xi32>
        %select_n3A_418 = arith.select %le3A_415, %rev3A_409, %while3A_363 : vector<16xi1>, vector<16xf32>
        %select_n3A_419 = arith.select %le3A_415, %rev3A_414, %while3A_364 : vector<16xi1>, vector<16xi32>
        %masked_sort3A_420 = arith.constant dense<true> : vector<16xi1>
        %masked_sort3A_421, %masked_sort3A_422, %masked_sort3A_423 = tpu.sort %select_n3A_416, %select_n3A_417 masked %masked_sort3A_420 : (vector<16xf32>, vector<16xi32>, vector<16xi1>) -> (vector<16xi1>, vector<16xf32>, vector<16xi32>)
        %masked_sort3A_424 = arith.constant dense<true> : vector<16xi1>
        %masked_sort3A_425, %masked_sort3A_426, %masked_sort3A_427 = tpu.sort %select_n3A_418, %select_n3A_419 masked %masked_sort3A_424 : (vector<16xf32>, vector<16xi32>, vector<16xi1>) -> (vector<16xi1>, vector<16xf32>, vector<16xi32>)
        scf.yield %masked_sort3A_422, %masked_sort3A_423, %masked_sort3A_426, %masked_sort3A_427 : vector<16xf32>, vector<16xi32>, vector<16xf32>, vector<16xi32>
      }
      %broadcast_in_dim3A_273 = vector.broadcast %parallel_loop3A_146#3 : i32 to vector<16xi32>
      %add3A_274 = arith.constant 16 : i32
      %add3A_275 = arith.addi %parallel_loop3A_146#3, %add3A_274 : i32
      %sub3A_276 = arith.constant 1 : i32
      %sub3A_277 = arith.subi %add3A_275, %sub3A_276 : i32
      %jit3A_278 = arith.constant 16 : i32
      %div3A_279 = arith.divsi %sub3A_277, %jit3A_278 : i32
      %sign3A_280 = arith.constant 0 : i32
      %sign3A_281 = arith.cmpi sgt, %sub3A_277, %sign3A_280 : i32
      %sign3A_282 = arith.extui %sign3A_281 : i1 to i32
      %sign3A_283 = arith.constant 0 : i32
      %sign3A_284 = arith.cmpi slt, %sub3A_277, %sign3A_283 : i32
      %sign3A_285 = arith.extui %sign3A_284 : i1 to i32
      %sign3A_286 = arith.subi %sign3A_282, %sign3A_285 : i32
      %sign3A_287 = arith.constant 0 : i32
      %sign3A_288 = arith.cmpi sgt, %jit3A_278, %sign3A_287 : i32
      %sign3A_289 = arith.extui %sign3A_288 : i1 to i32
      %sign3A_290 = arith.constant 0 : i32
      %sign3A_291 = arith.cmpi slt, %jit3A_278, %sign3A_290 : i32
      %sign3A_292 = arith.extui %sign3A_291 : i1 to i32
      %sign3A_293 = arith.subi %sign3A_289, %sign3A_292 : i32
      %ne3A_294 = arith.cmpi ne, %sign3A_286, %sign3A_293 : i32
      %rem3A_295 = arith.remsi %sub3A_277, %jit3A_278 : i32
      %ne3A_296 = arith.constant 0 : i32
      %ne3A_297 = arith.cmpi ne, %rem3A_295, %ne3A_296 : i32
      %and3A_298 = arith.andi %ne3A_294, %ne3A_297 : i1
      %sub3A_299 = arith.constant 1 : i32
      %sub3A_300 = arith.subi %div3A_279, %sub3A_299 : i32
      %select_n3A_301 = arith.select %and3A_298, %sub3A_300, %div3A_279 : i32
      %while3A_302 = arith.constant 0 : i32
      %while3A_303 = arith.subi %select_n3A_301, %while3A_302 : i32
      %while3A_304 = arith.addi %while3A_302, %while3A_303 : i32
      %while3A_305 = arith.constant 1 : i32
      %while3A_306 = arith.divsi %while3A_303, %while3A_305 : i32
      %while3A_307 = arith.muli %while3A_306, %while3A_305 : i32
      %while3A_308 = arith.addi %while3A_302, %while3A_307 : i32
      %while3A_309 = arith.constant 1 : i32
      %while3A_310:4 = scf.for %while3A_362 = %while3A_302 to %while3A_308 step %while3A_309 iter_args(%while3A_363 = %while3A_272#0, %while3A_364 = %while3A_272#1, %while3A_365 = %while3A_272#2, %while3A_366 = %while3A_272#3) -> (vector<16xf32>, vector<16xi32>, vector<16xf32>, vector<16xi32>)  : i32 {
        %mul3A_367 = arith.constant 16 : i32
        %mul3A_368 = arith.muli %while3A_362, %mul3A_367 : i32
        %add3A_369 = arith.constant 6144 : i32
        %add3A_370 = arith.addi %add3A_369, %mul3A_368 : i32
        %get3A_371 = arith.index_cast %add3A_370 : i32 to index
        %get3A_372 = tpu.vector_load %arg17[%get3A_371] {strides = array<i32>} : memref<8208xf32, #tpu.memory_space<vmem>>, vector<16xf32>,
        %mul3A_373 = arith.constant 16 : i32
        %mul3A_374 = arith.muli %while3A_362, %mul3A_373 : i32
        %add3A_375 = arith.constant 6144 : i32
        %add3A_376 = arith.addi %add3A_375, %mul3A_374 : i32
        %get3A_377 = arith.index_cast %add3A_376 : i32 to index
        %get3A_378 = tpu.vector_load %arg18[%get3A_377] {strides = array<i32>} : memref<8208xi32, #tpu.memory_space<vmem>>, vector<16xi32>,
        %mul3A_379 = arith.constant 16 : i32
        %mul3A_380 = arith.muli %while3A_362, %mul3A_379 : i32
        %add3A_381 = vector.broadcast %mul3A_380 : i32 to vector<16xi32>
        %add3A_382 = arith.addi %add3A_381, %iota3A : vector<16xi32>
        %lt3A_383 = arith.cmpi slt, %add3A_382, %broadcast_in_dim3A_273 : vector<16xi32>
        %jit3A_384 = arith.constant 0x7F800000 : f32
        %broadcast_in_dim3A_385 = vector.broadcast %jit3A_384 : f32 to vector<16xf32>
        %select_n3A_386 = arith.select %lt3A_383, %get3A_372, %broadcast_in_dim3A_385 : vector<16xi1>, vector<16xf32>
        %masked_sort3A = arith.constant dense<true> : vector<16xi1>
        %masked_sort3A_387, %masked_sort3A_388, %masked_sort3A_389 = tpu.sort %select_n3A_386, %get3A_378 masked %masked_sort3A : (vector<16xf32>, vector<16xi32>, vector<16xi1>) -> (vector<16xi1>, vector<16xf32>, vector<16xi32>)
        %rev3A = arith.constant 15 : i32
        %rev3A_390 = vector.broadcast %rev3A : i32 to vector<16xi32>
        %rev3A_391 = tpu.iota {dimensions = array<i32: 0>} : vector<16xi32>
        %rev3A_392 = arith.subi %rev3A_390, %rev3A_391 : vector<16xi32>
        %rev3A_393 = tpu.dynamic_gather %masked_sort3A_388[%rev3A_392] in [0] : vector<16xf32>, vector<16xi32> -> vector<16xf32>
        %rev3A_394 = arith.constant 15 : i32
        %rev3A_395 = vector.broadcast %rev3A_394 : i32 to vector<16xi32>
        %rev3A_396 = tpu.iota {dimensions = array<i32: 0>} : vector<16xi32>
        %rev3A_397 = arith.subi %rev3A_395, %rev3A_396 : vector<16xi32>
        %rev3A_398 = tpu.dynamic_gather %masked_sort3A_389[%rev3A_397] in [0] : vector<16xi32>, vector<16xi32> -> vector<16xi32>
        %le3A = arith.cmpf ole, %while3A_365, %rev3A_393 : vector<16xf32>
        %select_n3A_399 = arith.select %le3A, %while3A_365, %rev3A_393 : vector<16xi1>, vector<16xf32>
        %select_n3A_400 = arith.select %le3A, %while3A_366, %rev3A_398 : vector<16xi1>, vector<16xi32>
        %masked_sort3A_401 = arith.constant dense<true> : vector<16xi1>
        %masked_sort3A_402, %masked_sort3A_403, %masked_sort3A_404 = tpu.sort %select_n3A_399, %select_n3A_400 masked %masked_sort3A_401 : (vector<16xf32>, vector<16xi32>, vector<16xi1>) -> (vector<16xi1>, vector<16xf32>, vector<16xi32>)
        %rev3A_405 = arith.constant 15 : i32
        %rev3A_406 = vector.broadcast %rev3A_405 : i32 to vector<16xi32>
        %rev3A_407 = tpu.iota {dimensions = array<i32: 0>} : vector<16xi32>
        %rev3A_408 = arith.subi %rev3A_406, %rev3A_407 : vector<16xi32>
        %rev3A_409 = tpu.dynamic_gather %masked_sort3A_403[%rev3A_408] in [0] : vector<16xf32>, vector<16xi32> -> vector<16xf32>
        %rev3A_410 = arith.constant 15 : i32
        %rev3A_411 = vector.broadcast %rev3A_410 : i32 to vector<16xi32>
        %rev3A_412 = tpu.iota {dimensions = array<i32: 0>} : vector<16xi32>
        %rev3A_413 = arith.subi %rev3A_411, %rev3A_412 : vector<16xi32>
        %rev3A_414 = tpu.dynamic_gather %masked_sort3A_404[%rev3A_413] in [0] : vector<16xi32>, vector<16xi32> -> vector<16xi32>
        %le3A_415 = arith.cmpf ole, %while3A_363, %rev3A_409 : vector<16xf32>
        %select_n3A_416 = arith.select %le3A_415, %while3A_363, %rev3A_409 : vector<16xi1>, vector<16xf32>
        %select_n3A_417 = arith.select %le3A_415, %while3A_364, %rev3A_414 : vector<16xi1>, vector<16xi32>
        %select_n3A_418 = arith.select %le3A_415, %rev3A_409, %while3A_363 : vector<16xi1>, vector<16xf32>
        %select_n3A_419 = arith.select %le3A_415, %rev3A_414, %while3A_364 : vector<16xi1>, vector<16xi32>
        %masked_sort3A_420 = arith.constant dense<true> : vector<16xi1>
        %masked_sort3A_421, %masked_sort3A_422, %masked_sort3A_423 = tpu.sort %select_n3A_416, %select_n3A_417 masked %masked_sort3A_420 : (vector<16xf32>, vector<16xi32>, vector<16xi1>) -> (vector<16xi1>, vector<16xf32>, vector<16xi32>)
        %masked_sort3A_424 = arith.constant dense<true> : vector<16xi1>
        %masked_sort3A_425, %masked_sort3A_426, %masked_sort3A_427 = tpu.sort %select_n3A_418, %select_n3A_419 masked %masked_sort3A_424 : (vector<16xf32>, vector<16xi32>, vector<16xi1>) -> (vector<16xi1>, vector<16xf32>, vector<16xi32>)
        scf.yield %masked_sort3A_422, %masked_sort3A_423, %masked_sort3A_426, %masked_sort3A_427 : vector<16xf32>, vector<16xi32>, vector<16xf32>, vector<16xi32>
      }
      %while3A_311 = arith.constant 1 : i32
      %while3A_312:4 = scf.for %while3A_362 = %while3A_308 to %while3A_304 step %while3A_311 iter_args(%while3A_363 = %while3A_310#0, %while3A_364 = %while3A_310#1, %while3A_365 = %while3A_310#2, %while3A_366 = %while3A_310#3) -> (vector<16xf32>, vector<16xi32>, vector<16xf32>, vector<16xi32>)  : i32 {
        %mul3A_367 = arith.constant 16 : i32
        %mul3A_368 = arith.muli %while3A_362, %mul3A_367 : i32
        %add3A_369 = arith.constant 6144 : i32
        %add3A_370 = arith.addi %add3A_369, %mul3A_368 : i32
        %get3A_371 = arith.index_cast %add3A_370 : i32 to index
        %get3A_372 = tpu.vector_load %arg17[%get3A_371] {strides = array<i32>} : memref<8208xf32, #tpu.memory_space<vmem>>, vector<16xf32>,
        %mul3A_373 = arith.constant 16 : i32
        %mul3A_374 = arith.muli %while3A_362, %mul3A_373 : i32
        %add3A_375 = arith.constant 6144 : i32
        %add3A_376 = arith.addi %add3A_375, %mul3A_374 : i32
        %get3A_377 = arith.index_cast %add3A_376 : i32 to index
        %get3A_378 = tpu.vector_load %arg18[%get3A_377] {strides = array<i32>} : memref<8208xi32, #tpu.memory_space<vmem>>, vector<16xi32>,
        %mul3A_379 = arith.constant 16 : i32
        %mul3A_380 = arith.muli %while3A_362, %mul3A_379 : i32
        %add3A_381 = vector.broadcast %mul3A_380 : i32 to vector<16xi32>
        %add3A_382 = arith.addi %add3A_381, %iota3A : vector<16xi32>
        %lt3A_383 = arith.cmpi slt, %add3A_382, %broadcast_in_dim3A_273 : vector<16xi32>
        %jit3A_384 = arith.constant 0x7F800000 : f32
        %broadcast_in_dim3A_385 = vector.broadcast %jit3A_384 : f32 to vector<16xf32>
        %select_n3A_386 = arith.select %lt3A_383, %get3A_372, %broadcast_in_dim3A_385 : vector<16xi1>, vector<16xf32>
        %masked_sort3A = arith.constant dense<true> : vector<16xi1>
        %masked_sort3A_387, %masked_sort3A_388, %masked_sort3A_389 = tpu.sort %select_n3A_386, %get3A_378 masked %masked_sort3A : (vector<16xf32>, vector<16xi32>, vector<16xi1>) -> (vector<16xi1>, vector<16xf32>, vector<16xi32>)
        %rev3A = arith.constant 15 : i32
        %rev3A_390 = vector.broadcast %rev3A : i32 to vector<16xi32>
        %rev3A_391 = tpu.iota {dimensions = array<i32: 0>} : vector<16xi32>
        %rev3A_392 = arith.subi %rev3A_390, %rev3A_391 : vector<16xi32>
        %rev3A_393 = tpu.dynamic_gather %masked_sort3A_388[%rev3A_392] in [0] : vector<16xf32>, vector<16xi32> -> vector<16xf32>
        %rev3A_394 = arith.constant 15 : i32
        %rev3A_395 = vector.broadcast %rev3A_394 : i32 to vector<16xi32>
        %rev3A_396 = tpu.iota {dimensions = array<i32: 0>} : vector<16xi32>
        %rev3A_397 = arith.subi %rev3A_395, %rev3A_396 : vector<16xi32>
        %rev3A_398 = tpu.dynamic_gather %masked_sort3A_389[%rev3A_397] in [0] : vector<16xi32>, vector<16xi32> -> vector<16xi32>
        %le3A = arith.cmpf ole, %while3A_365, %rev3A_393 : vector<16xf32>
        %select_n3A_399 = arith.select %le3A, %while3A_365, %rev3A_393 : vector<16xi1>, vector<16xf32>
        %select_n3A_400 = arith.select %le3A, %while3A_366, %rev3A_398 : vector<16xi1>, vector<16xi32>
        %masked_sort3A_401 = arith.constant dense<true> : vector<16xi1>
        %masked_sort3A_402, %masked_sort3A_403, %masked_sort3A_404 = tpu.sort %select_n3A_399, %select_n3A_400 masked %masked_sort3A_401 : (vector<16xf32>, vector<16xi32>, vector<16xi1>) -> (vector<16xi1>, vector<16xf32>, vector<16xi32>)
        %rev3A_405 = arith.constant 15 : i32
        %rev3A_406 = vector.broadcast %rev3A_405 : i32 to vector<16xi32>
        %rev3A_407 = tpu.iota {dimensions = array<i32: 0>} : vector<16xi32>
        %rev3A_408 = arith.subi %rev3A_406, %rev3A_407 : vector<16xi32>
        %rev3A_409 = tpu.dynamic_gather %masked_sort3A_403[%rev3A_408] in [0] : vector<16xf32>, vector<16xi32> -> vector<16xf32>
        %rev3A_410 = arith.constant 15 : i32
        %rev3A_411 = vector.broadcast %rev3A_410 : i32 to vector<16xi32>
        %rev3A_412 = tpu.iota {dimensions = array<i32: 0>} : vector<16xi32>
        %rev3A_413 = arith.subi %rev3A_411, %rev3A_412 : vector<16xi32>
        %rev3A_414 = tpu.dynamic_gather %masked_sort3A_404[%rev3A_413] in [0] : vector<16xi32>, vector<16xi32> -> vector<16xi32>
        %le3A_415 = arith.cmpf ole, %while3A_363, %rev3A_409 : vector<16xf32>
        %select_n3A_416 = arith.select %le3A_415, %while3A_363, %rev3A_409 : vector<16xi1>, vector<16xf32>
        %select_n3A_417 = arith.select %le3A_415, %while3A_364, %rev3A_414 : vector<16xi1>, vector<16xi32>
        %select_n3A_418 = arith.select %le3A_415, %rev3A_409, %while3A_363 : vector<16xi1>, vector<16xf32>
        %select_n3A_419 = arith.select %le3A_415, %rev3A_414, %while3A_364 : vector<16xi1>, vector<16xi32>
        %masked_sort3A_420 = arith.constant dense<true> : vector<16xi1>
        %masked_sort3A_421, %masked_sort3A_422, %masked_sort3A_423 = tpu.sort %select_n3A_416, %select_n3A_417 masked %masked_sort3A_420 : (vector<16xf32>, vector<16xi32>, vector<16xi1>) -> (vector<16xi1>, vector<16xf32>, vector<16xi32>)
        %masked_sort3A_424 = arith.constant dense<true> : vector<16xi1>
        %masked_sort3A_425, %masked_sort3A_426, %masked_sort3A_427 = tpu.sort %select_n3A_418, %select_n3A_419 masked %masked_sort3A_424 : (vector<16xf32>, vector<16xi32>, vector<16xi1>) -> (vector<16xi1>, vector<16xf32>, vector<16xi32>)
        scf.yield %masked_sort3A_422, %masked_sort3A_423, %masked_sort3A_426, %masked_sort3A_427 : vector<16xf32>, vector<16xi32>, vector<16xf32>, vector<16xi32>
      }
      %reduce_max3A = arith.constant true
      %reduce_max3A_313 = vector.broadcast %reduce_max3A : i1 to vector<16xi1>
      %reduce_max3A_314 = tpu.scan <max>, %while3A_312#2 masked %reduce_max3A_313 : vector<16xf32>, vector<16xi1> -> vector<16xf32>
      %reduce_max3A_315 = vector.extract %reduce_max3A_314[15] : f32 from vector<16xf32>
      %broadcast_in_dim3A_316 = vector.broadcast %reduce_max3A_315 : f32 to vector<16xf32>
      %mul3A_317 = arith.constant 2.000000e+00 : f32
      %mul3A_318 = vector.broadcast %mul3A_317 : f32 to vector<16xf32>
      %mul3A_319 = arith.mulf %broadcast_in_dim3A_316, %mul3A_318 : vector<16xf32>
      %gather3A_320 = tpu.vector_load_idx %arg5[%while3A_312#1] : memref<8192xf32, #tpu.memory_space<vmem>>[vector<16xi32>], vector<16xf32>,
      %sub3A_321 = arith.subf %gather3A_320, %gather3A : vector<16xf32>
      %gather3A_322 = tpu.vector_load_idx %arg6[%while3A_312#1] : memref<8192xf32, #tpu.memory_space<vmem>>[vector<16xi32>], vector<16xf32>,
      %sub3A_323 = arith.subf %gather3A_322, %gather3A_128 : vector<16xf32>
      %gather3A_324 = tpu.vector_load_idx %arg7[%while3A_312#1] : memref<8192xf32, #tpu.memory_space<vmem>>[vector<16xi32>], vector<16xf32>,
      %sub3A_325 = arith.subf %gather3A_324, %gather3A_129 : vector<16xf32>
      %mul3A_326 = arith.constant 32 : i32
      %mul3A_327 = arith.muli %scan3A_124, %mul3A_326 : i32
      %add3A_328 = arith.constant 0 : i32
      %add3A_329 = arith.addi %mul3A_327, %add3A_328 : i32
      %add3A_330 = vector.broadcast %add3A_329 : i32 to vector<16xi32>
      %add3A_331 = arith.addi %add3A_330, %iota3A : vector<16xi32>
      %mul3A_332 = arith.constant 3 : i32
      %mul3A_333 = vector.broadcast %mul3A_332 : i32 to vector<16xi32>
      %mul3A_334 = arith.muli %add3A_331, %mul3A_333 : vector<16xi32>
      tpu.vector_store_idx %arg12[%mul3A_334], %sub3A_321 : memref<12288xf32, #tpu.memory_space<vmem>>[vector<16xi32>], vector<16xf32>,
      %add3A_335 = arith.constant 1 : i32
      %add3A_336 = vector.broadcast %add3A_335 : i32 to vector<16xi32>
      %add3A_337 = arith.addi %mul3A_334, %add3A_336 : vector<16xi32>
      tpu.vector_store_idx %arg12[%add3A_337], %sub3A_323 : memref<12288xf32, #tpu.memory_space<vmem>>[vector<16xi32>], vector<16xf32>,
      %add3A_338 = arith.constant 2 : i32
      %add3A_339 = vector.broadcast %add3A_338 : i32 to vector<16xi32>
      %add3A_340 = arith.addi %mul3A_334, %add3A_339 : vector<16xi32>
      tpu.vector_store_idx %arg12[%add3A_340], %sub3A_325 : memref<12288xf32, #tpu.memory_space<vmem>>[vector<16xi32>], vector<16xf32>,
      %gather3A_341 = tpu.vector_load_idx %arg5[%while3A_312#3] : memref<8192xf32, #tpu.memory_space<vmem>>[vector<16xi32>], vector<16xf32>,
      %sub3A_342 = arith.subf %gather3A_341, %gather3A : vector<16xf32>
      %gather3A_343 = tpu.vector_load_idx %arg6[%while3A_312#3] : memref<8192xf32, #tpu.memory_space<vmem>>[vector<16xi32>], vector<16xf32>,
      %sub3A_344 = arith.subf %gather3A_343, %gather3A_128 : vector<16xf32>
      %gather3A_345 = tpu.vector_load_idx %arg7[%while3A_312#3] : memref<8192xf32, #tpu.memory_space<vmem>>[vector<16xi32>], vector<16xf32>,
      %sub3A_346 = arith.subf %gather3A_345, %gather3A_129 : vector<16xf32>
      %mul3A_347 = arith.constant 32 : i32
      %mul3A_348 = arith.muli %scan3A_124, %mul3A_347 : i32
      %add3A_349 = arith.constant 16 : i32
      %add3A_350 = arith.addi %mul3A_348, %add3A_349 : i32
      %add3A_351 = vector.broadcast %add3A_350 : i32 to vector<16xi32>
      %add3A_352 = arith.addi %add3A_351, %iota3A : vector<16xi32>
      %mul3A_353 = arith.constant 3 : i32
      %mul3A_354 = vector.broadcast %mul3A_353 : i32 to vector<16xi32>
      %mul3A_355 = arith.muli %add3A_352, %mul3A_354 : vector<16xi32>
      tpu.vector_store_idx %arg12[%mul3A_355], %sub3A_342 : memref<12288xf32, #tpu.memory_space<vmem>>[vector<16xi32>], vector<16xf32>,
      %add3A_356 = arith.constant 1 : i32
      %add3A_357 = vector.broadcast %add3A_356 : i32 to vector<16xi32>
      %add3A_358 = arith.addi %mul3A_355, %add3A_357 : vector<16xi32>
      tpu.vector_store_idx %arg12[%add3A_358], %sub3A_344 : memref<12288xf32, #tpu.memory_space<vmem>>[vector<16xi32>], vector<16xf32>,
      %add3A_359 = arith.constant 2 : i32
      %add3A_360 = vector.broadcast %add3A_359 : i32 to vector<16xi32>
      %add3A_361 = arith.addi %mul3A_355, %add3A_360 : vector<16xi32>
      tpu.vector_store_idx %arg12[%add3A_361], %sub3A_346 : memref<12288xf32, #tpu.memory_space<vmem>>[vector<16xi32>], vector<16xf32>,
      scf.yield %mul3A_319 : vector<16xf32>
    }
    %scan3A_113 = arith.constant 128 : i32
    %mul3A_114 = arith.constant 512 : i32
    %mul3A_115 = arith.muli %select_n3A, %mul3A_114 : i32
    %add3A_116 = arith.addi %mul3A_115, %mul3A_104 : i32
    %mul3A_117 = arith.constant 32 : i32
    %mul3A_118 = arith.muli %add3A_116, %mul3A_117 : i32
    %mul3A_119 = arith.constant 3 : i32
    %mul3A_120 = arith.muli %mul3A_118, %mul3A_119 : i32
    "tpu.region"() ({
      %run_scoped3A = tpu.sem_alloc : memref<!tpu.dma_semaphore, #tpu.memory_space<semaphore_mem>>
      %dma_start3A = tpu.memref_slice %arg3[%mul3A_120] : memref<393216xf32, #tpu.memory_space<hbm>> -> memref<12288xf32, #tpu.memory_space<hbm>>
      %dma_start3A_124 = tpu.memref_slice %arg3[%mul3A_120] : memref<393216xf32, #tpu.memory_space<hbm>> -> memref<12288xf32, #tpu.memory_space<hbm>>
      tpu.enqueue_dma source(%arg12 : memref<12288xf32, #tpu.memory_space<vmem>>) target(%dma_start3A_124 : memref<12288xf32, #tpu.memory_space<hbm>>) target_semaphore(%run_scoped3A : memref<!tpu.dma_semaphore, #tpu.memory_space<semaphore_mem>>)
      %dma_wait3A = tpu.memref_slice %arg3[%mul3A_120] : memref<393216xf32, #tpu.memory_space<hbm>> -> memref<12288xf32, #tpu.memory_space<hbm>>
      %dma_wait3A_125 = tpu.memref_slice %arg3[%mul3A_120] : memref<393216xf32, #tpu.memory_space<hbm>> -> memref<12288xf32, #tpu.memory_space<hbm>>
      tpu.wait_dma2 semaphore(%run_scoped3A : memref<!tpu.dma_semaphore, #tpu.memory_space<semaphore_mem>>) src(%arg12 : memref<12288xf32, #tpu.memory_space<vmem>>) dst(%dma_wait3A_125 : memref<12288xf32, #tpu.memory_space<hbm>>)
      tpu.yield
    }) : () -> ()
    %eq3A_121 = arith.constant 0 : i32
    %eq3A_122 = arith.cmpi eq, %select_n3A_30, %eq3A_121 : i32
    %convert_element_type3A = arith.extui %eq3A_122 : i1 to i32
    %cond3A = arith.constant 0 : i32
    %cond3A_123 = arith.cmpi ne, %convert_element_type3A, %cond3A : i32
    scf.if %cond3A_123 {
      %scan3A_124 = arith.constant 0 : i32
      %scan3A_125 = arith.constant 0 : i32
      %scan3A_126 = arith.constant 32 : i32
      %scan3A_127 = arith.addi %scan3A_125, %scan3A_126 : i32
      %scan3A_128 = arith.constant 1 : i32
      scf.for %scan3A_134 = %scan3A_125 to %scan3A_127 step %scan3A_128  : i32 {
        %mul3A_135 = arith.constant 16 : i32
        %mul3A_136 = arith.muli %scan3A_134, %mul3A_135 : i32
        %add3A_137 = vector.broadcast %mul3A_136 : i32 to vector<16xi32>
        %add3A_138 = arith.addi %add3A_137, %iota3A : vector<16xi32>
        %mul3A_139 = arith.constant 3 : i32
        %mul3A_140 = vector.broadcast %mul3A_139 : i32 to vector<16xi32>
        %mul3A_141 = arith.muli %add3A_138, %mul3A_140 : vector<16xi32>
        %mul3A_142 = arith.constant 16 : i32
        %mul3A_143 = arith.muli %scan3A_134, %mul3A_142 : i32
        %get3A_144 = arith.index_cast %mul3A_143 : i32 to index
        %get3A_145 = tpu.vector_load %arg9[%get3A_144] {strides = array<i32>} : memref<512xf32, #tpu.memory_space<vmem>>, vector<16xf32>,
        %add3A_146 = arith.constant 0 : i32
        %add3A_147 = vector.broadcast %add3A_146 : i32 to vector<16xi32>
        %add3A_148 = arith.addi %mul3A_141, %add3A_147 : vector<16xi32>
        tpu.vector_store_idx %arg13[%add3A_148], %get3A_145 : memref<1536xf32, #tpu.memory_space<vmem>>[vector<16xi32>], vector<16xf32>,
        %mul3A_149 = arith.constant 16 : i32
        %mul3A_150 = arith.muli %scan3A_134, %mul3A_149 : i32
        %get3A_151 = arith.index_cast %mul3A_150 : i32 to index
        %get3A_152 = tpu.vector_load %arg10[%get3A_151] {strides = array<i32>} : memref<512xf32, #tpu.memory_space<vmem>>, vector<16xf32>,
        %add3A_153 = arith.constant 1 : i32
        %add3A_154 = vector.broadcast %add3A_153 : i32 to vector<16xi32>
        %add3A_155 = arith.addi %mul3A_141, %add3A_154 : vector<16xi32>
        tpu.vector_store_idx %arg13[%add3A_155], %get3A_152 : memref<1536xf32, #tpu.memory_space<vmem>>[vector<16xi32>], vector<16xf32>,
        %mul3A_156 = arith.constant 16 : i32
        %mul3A_157 = arith.muli %scan3A_134, %mul3A_156 : i32
        %get3A_158 = arith.index_cast %mul3A_157 : i32 to index
        %get3A_159 = tpu.vector_load %arg11[%get3A_158] {strides = array<i32>} : memref<512xf32, #tpu.memory_space<vmem>>, vector<16xf32>,
        %add3A_160 = arith.constant 2 : i32
        %add3A_161 = vector.broadcast %add3A_160 : i32 to vector<16xi32>
        %add3A_162 = arith.addi %mul3A_141, %add3A_161 : vector<16xi32>
        tpu.vector_store_idx %arg13[%add3A_162], %get3A_159 : memref<1536xf32, #tpu.memory_space<vmem>>[vector<16xi32>], vector<16xf32>,
      }
      %scan3A_129 = arith.constant 32 : i32
      %mul3A_130 = arith.constant 512 : i32
      %mul3A_131 = arith.muli %select_n3A, %mul3A_130 : i32
      %mul3A_132 = arith.constant 3 : i32
      %mul3A_133 = arith.muli %mul3A_131, %mul3A_132 : i32
      "tpu.region"() ({
        %run_scoped3A = tpu.sem_alloc : memref<!tpu.dma_semaphore, #tpu.memory_space<semaphore_mem>>
        %dma_start3A = tpu.memref_slice %arg4[%mul3A_133] : memref<12288xf32, #tpu.memory_space<hbm>> -> memref<1536xf32, #tpu.memory_space<hbm>>
        %dma_start3A_134 = tpu.memref_slice %arg4[%mul3A_133] : memref<12288xf32, #tpu.memory_space<hbm>> -> memref<1536xf32, #tpu.memory_space<hbm>>
        tpu.enqueue_dma source(%arg13 : memref<1536xf32, #tpu.memory_space<vmem>>) target(%dma_start3A_134 : memref<1536xf32, #tpu.memory_space<hbm>>) target_semaphore(%run_scoped3A : memref<!tpu.dma_semaphore, #tpu.memory_space<semaphore_mem>>)
        %dma_wait3A = tpu.memref_slice %arg4[%mul3A_133] : memref<12288xf32, #tpu.memory_space<hbm>> -> memref<1536xf32, #tpu.memory_space<hbm>>
        %dma_wait3A_135 = tpu.memref_slice %arg4[%mul3A_133] : memref<12288xf32, #tpu.memory_space<hbm>> -> memref<1536xf32, #tpu.memory_space<hbm>>
        tpu.wait_dma2 semaphore(%run_scoped3A : memref<!tpu.dma_semaphore, #tpu.memory_space<semaphore_mem>>) src(%arg13 : memref<1536xf32, #tpu.memory_space<vmem>>) dst(%dma_wait3A_135 : memref<1536xf32, #tpu.memory_space<hbm>>)
        tpu.yield
      }) : () -> ()
    } else {
    }
    return
  }
}

</mosaic_0001>

<sc_bundles>
// kernel: kernel.3.cloned.1.call-start
scs
__scs_entry_jumppad:
0x0: {  	(pc) =	sbr.rel $0x88, $3  }
0x1: {  	(tag) =	ssettag $0x0;
	lr =	simm.s32 $0x1  }
0x2: {  	[smem:$0x3FA0] =	sst lr;
	_ =	strace $0xD0000000  }
0x3: {  	_ = 	snop  }
0x4: {  	_ = 	snop  }
0x5: {  	_ = 	snop  }
0x6: {  	_ = 	snop  }
0x7: {  	_ = 	snop  }
__scs_overlays_trampoline_lowered:
0x8: {  	[smem:$0x3FAF] =	sst s0  }
0x9: {  	[smem:$0x3FB0] =	sst s1  }
0xa: {  	[smem:$0x3FB1] =	sst s2  }
0xb: {  	[smem:$0x3FB2] =	sst s3  }
0xc: {  	[smem:$0x3FB3] =	sst s4  }
0xd: {  	[smem:$0x3FB4] =	sst s5  }
0xe: {  	[smem:$0x3FB5] =	sst s6  }
0xf: {  	[smem:$0x3FB6] =	sst s7  }
0x10: {  	[smem:$0x3FB7] =	sst s8  }
0x11: {  	[smem:$0x3FB8] =	sst s9;
	s0 =	simm.s32 @!p0 $0x0  }
0x12: {  	s1 =	sld [smem:$0x3F9E];
	s0 =	simm.s32 @p0 $0x1  }
0x13: {  	[smem:$0x3FB9] =	sst s0;
	s0 =	simm.s32 @!p1 $0x0  }
0x14: {  	s2 =	sld [smem:$0x3F9D];
	s0 =	simm.s32 @p1 $0x1  }
0x15: {  	[smem:$0x3FBA] =	sst s0;
	s0 =	simm.s32 @!p2 $0x0  }
0x16: {  	s3 =	sld [smem:$0x3FDB];
	s0 =	simm.s32 @p2 $0x1  }
0x17: {  	s4 =	simm.s32 $0x1BF5;
	[smem:$0x3FBC] =	sst s0  }
0x18: {  	s0 =	sld [smem:$0x3F9F];
	_ =	swait.ge [sflag:s4], $0x0  }
0x19: {  	s7 =	sld [smem:$0x3FA0]  }
0x1a: {  	s8 =	sadd.s32 $0xFFFFE003, lr  }
0x1b: {  	s9 =	sadd.s32 $0xFFFFFEF7, lr;
	s5 =	simm.s32 $0xFFFFFFFF;
	p2 =	slt.u32 s8, $0xFFFFF086  }
0x1c: {  	p1 =	slt.u32 s9, $0xF7A;
	s5 =	simm.s32 @!p2 $0x0  }
0x1d: {  	s5 =	simm.s32 @p1 $0x1;
	p0 =	seq.s32 s7, s2  }
0x1e: {  	s7 =	smul.u32 @!p0 $0xF7A, s2;
	p2 =	seq.s32 @!p0 s5, $0x0  }
0x1f: {  	s9 =	smul.u32 $0xF7A, s1;
	s8 =	simm.s32 @!p0 $0x1BF5;
	p2 =	por !p2, p0  }
0x20: {  	[sflag:s8] =	ssyncset.s32 @!p0 $0xFFFFF086;
	s6 =	sadd.s32 @!p0 s3, s7;
	s7 =	simm.s32 @!p0 $0x108  }
0x21: {  	s3 =	sadd.s32 s3, s9;
	s6 =	sadd.s32 @!p0 $0x88, s6;
	s7 =	simm.s32 @p2 $0x1082  }
0x22: {  	[simem:s7], [sflag:s8] =	dma.local @!p0 [hbm:s6], $0xF7A  }
0x23: {  	s9 =	sor.u32 $0xD0000000, s2;
	s6 =	simm.s32 $0x108;
	_ =	swait.ge @!p0 [sflag:s8], $0x0  }
0x24: {  	s3 =	sadd.s32 $0x88, s3;
	s6 =	simm.s32 @!p1 $0x1082;
	[sflag:s4] =	ssyncset.s32 $0xFFFFF086  }
0x25: {  	[simem:s6], [sflag:s4] =	dma.local [hbm:s3], $0xF7A  }
0x26: {  	[smem:$0x3FA0] =	sst s1;
	(tag) =	ssettag s2;
	_ =	strace s9  }
0x27: {  	s1 =	sld [smem:$0x3FB0]  }
0x28: {  	s2 =	sld [smem:$0x3FB1]  }
0x29: {  	s4 =	sld [smem:$0x3FB3]  }
0x2a: {  	p0 =	seq.s32 s5, $0x0;
	s5 =	sld [smem:$0x3FB4]  }
0x2b: {  	s6 =	sld [smem:$0x3FB5]  }
0x2c: {  	s7 =	sld [smem:$0x3FB6]  }
0x2d: {  	s3 =	simm.s32 $0x108;
	s8 =	sld [smem:$0x3FB7]  }
0x2e: {  	s3 =	simm.s32 @!p0 $0x1082;
	s9 =	sld [smem:$0x3FB8]  }
0x2f: {  	lr =	sadd.s32 s0, s3;
	s0 =	sld [smem:$0x3FAF]  }
0x30: {  	s3 =	sld [smem:$0x3FB2]  }
0x31: {  	[smem:$0x3FBB] =	sst s10  }
0x32: {  	s10 =	sld [smem:$0x3FB9];
	_ =	sdelay $0x3  }
0x33: {  	p0 =	seq.s32 s10, $0x1;
	s10 =	sld [smem:$0x3FBB];
	_ =	sdelay $0x3  }
0x34: {  	[smem:$0x3FBB] =	sst s10  }
0x35: {  	s10 =	sld [smem:$0x3FBA];
	_ =	sdelay $0x3  }
0x36: {  	p1 =	seq.s32 s10, $0x1;
	s10 =	sld [smem:$0x3FBB];
	_ =	sdelay $0x3  }
0x37: {  	[smem:$0x3FBB] =	sst s10  }
0x38: {  	s10 =	sld [smem:$0x3FBC]  }
0x39: {  	_ = 	snop;
	(pc) =	sbr.ind lr, $3  }
0x3a: {  	_ = 	snop  }
0x3b: {  	_ = 	snop  }
0x3c: {  	p2 =	seq.s32 s10, $0x1;
	s10 =	sld [smem:$0x3FBB]  }
0x3d: {  	_ =	shalt  }
0x3e: {  	_ =	shalt  }
0x3f: {  	_ =	shalt  }
0x40: {  	_ =	shalt  }
0x41: {  	_ =	shalt  }
0x42: {  	_ =	shalt  }
0x43: {  	_ =	shalt  }
0x44: {  	_ =	shalt  }
0x45: {  	_ =	shalt  }
0x46: {  	_ =	shalt  }
0x47: {  	_ =	shalt  }
0x48: {  	_ =	shalt  }
0x49: {  	_ =	shalt  }
0x4a: {  	_ =	shalt  }
0x4b: {  	_ =	shalt  }
0x4c: {  	_ =	shalt  }
0x4d: {  	_ =	shalt  }
0x4e: {  	_ =	shalt  }
0x4f: {  	_ =	shalt  }
0x50: {  	_ =	shalt  }
0x51: {  	_ =	shalt  }
0x52: {  	_ =	shalt  }
0x53: {  	_ =	shalt  }
0x54: {  	_ =	shalt  }
0x55: {  	_ =	shalt  }
0x56: {  	_ =	shalt  }
0x57: {  	_ =	shalt  }
0x58: {  	_ =	shalt  }
0x59: {  	_ =	shalt  }
0x5a: {  	_ =	shalt  }
0x5b: {  	_ =	shalt  }
0x5c: {  	_ =	shalt  }
0x5d: {  	_ =	shalt  }
0x5e: {  	_ =	shalt  }
0x5f: {  	_ =	shalt  }
0x60: {  	_ =	shalt  }
0x61: {  	_ =	shalt  }
0x62: {  	_ =	shalt  }
0x63: {  	_ =	shalt  }
0x64: {  	_ =	shalt  }
0x65: {  	_ =	shalt  }
0x66: {  	_ =	shalt  }
0x67: {  	_ =	shalt  }
0x68: {  	_ =	shalt  }
0x69: {  	_ =	shalt  }
0x6a: {  	_ =	shalt  }
0x6b: {  	_ =	shalt  }
0x6c: {  	_ =	shalt  }
0x6d: {  	_ =	shalt  }
0x6e: {  	_ =	shalt  }
0x6f: {  	_ =	shalt  }
0x70: {  	_ =	shalt  }
0x71: {  	_ =	shalt  }
0x72: {  	_ =	shalt  }
0x73: {  	_ =	shalt  }
0x74: {  	_ =	shalt  }
0x75: {  	_ =	shalt  }
0x76: {  	_ =	shalt  }
0x77: {  	_ =	shalt  }
0x78: {  	_ =	shalt  }
0x79: {  	_ =	shalt  }
0x7a: {  	_ =	shalt  }
0x7b: {  	_ =	shalt  }
0x7c: {  	_ =	shalt  }
0x7d: {  	_ =	shalt  }
0x7e: {  	_ =	shalt  }
0x7f: {  	_ =	shalt  }
0x80: {  	_ =	shalt  }
0x81: {  	_ =	shalt  }
0x82: {  	_ =	shalt  }
0x83: {  	_ =	shalt  }
0x84: {  	_ =	shalt  }
0x85: {  	_ =	shalt  }
0x86: {  	_ =	shalt  }
0x87: {  	_ =	shalt  }
.Lfunc_end0:
.L_simem_size_0:
called_computation_lowered:
.L_overlay_start_0:
0x88: {  	s2 =	sld [smem:$0x3FD9]  }
0x89: {  	s3 =	sld [smem:$0x3FFE];
	_ =	sdelay $0x1  }
0x8a: {  	s1 =	srdreg.scid  }
0x8b: {  	s0 =	sand.u32 $0x1, s1  }
0x8c: {  	s14 =	sshll.u32 s0, $0xA;
	s2 =	sadd.s32 s3, s2  }
0x8d: {  	s2 =	sadd.s32 s2, s14  }
0x8e: {  	[smem:$0x3FC7] =	sst s2  }
0x8f: {  	_ = 	snop  }
0x90: {  	s2 =	sld [smem:$0x3FD0];
	_ =	sdelay $0x2  }
0x91: {  	s15 =	simm.s32 $0xA;
	s4 =	simm.s32 $0x10  }
0x92: {  	[smem:s4], [sflag:s15] =	dma.local [hbm:s2], $0x1  }
0x93: {  	_ =	swait.eq [sflag:s15], $0x1  }
0x94: {  	[sflag:s15] =	ssyncset.done $0x0  }
0x95: {  	s16 =	sld [smem:$0x10];
	[sflag:s15] =	ssyncadd.s32 $0xFFFFFFFF  }
0x96: {  	s17 =	sld [smem:$0x11];
	(tm) =	ssettm $0x1  }
0x97: {  	s18 =	sld [smem:$0x3FFB];
	_ =	sdelay $0x3  }
0x98: {  	_ =	strace s18  }
0x99: {  	s4 =	sld [smem:$0x3FFC];
	_ =	sdelay $0x3  }
0x9a: {  	_ =	strace s4  }
0x9b: {  	s4 =	sld [smem:$0x3FFD];
	_ =	sdelay $0x3  }
0x9c: {  	_ =	strace s4  }
0x9d: {  	_ =	strace $0x8FFFFFFF  }
0x9e: {  	s19 =	sld [smem:$0x3FDB];
	_ =	sdelay $0x1  }
0x9f: {  	s5 =	simm.s32 $_scs_section_size  }
0xa0: {  	s6 =	simm.s32 $_size__tile_overlayer_lowered;
	s7 =	simm.s32 $_tile_overlayer_lowered  }
0xa1: {  	s22 =	simm.s32 $0x1BFF;
	s21 =	sshll.u32 s7, $0x1;
	s4 =	sadd.s32 s5, s19  }
0xa2: {  	s8 =	simm.s32 $0x0;
	s20 =	sshll.u32 s6, $0x1;
	s6 =	sadd.s32 s21, s4  }
0xa3: {  	[timem:s8], [sflag:s22] =	dma.local [hbm:s6], s20  }
0xa4: {  	_ =	swait.ge [sflag:s22], s20  }
0xa5: {  	s5 =	ssub.s32 $0x0, s20;
	[sflag:s22] =	ssyncset.done $0x0  }
0xa6: {  	[sflag:s22] =	ssyncadd.s32 s5;
	_ =	sdelay $0x1  }
0xa7: {  	s23 =	simm.s32 $0x1B8B  }
0xa8: {  	_ =	swait.ge [sflag:s23], $0x1  }
0xa9: {  	[sflag:s23] =	ssyncset.done $0x0  }
0xaa: {  	s25 =	simm.s32 $0x1B8E;
	s24 =	sld [smem:$0x3FFE];
	[sflag:s23] =	ssyncadd.s32 $0xFFFFFFFF  }
0xab: {  	s26 =	simm.s32 $execute0_lowered;
	[smem:$0x3FD2] =	sst s25  }
0xac: {  	s6 =	sshll.u32 s26, $0x1;
	_ =	strace $0x80000046;
	[dreg:$0x1] =	wrdreg $0xFFFFFFFF  }
0xad: {  	s28 =	simm.s32 $_size_execute0_lowered;
	s4 =	sadd.s32 s4, s6;
	[dreg:$0x0] =	wrdreg $0x0  }
0xae: {  	s6 =	sshll.u32 s28, $0x1;
	[dreg:$0x2] =	wrdreg s4  }
0xaf: {  	[dreg:$0x3] =	wrdreg s6  }
0xb0: {  	[dreg:$0x4] =	wrdreg $0xC0  }
0xb1: {  	_ =	task [dreg:s8], $0x5FFFF  }
0xb2: {  	[dreg:$0x1] =	wrdreg $0xFFFFFFFF  }
0xb3: {  	[dreg:$0x0] =	wrdreg $0x60  }
0xb4: {  	[dreg:$0x2] =	wrdreg s24  }
0xb5: {  	[dreg:$0x3] =	wrdreg s16  }
0xb6: {  	[dreg:$0x4] =	wrdreg s17  }
0xb7: {  	[dreg:$0x5] =	wrdreg $0x106000  }
0xb8: {  	[dreg:$0x6] =	wrdreg $0x9  }
0xb9: {  	_ =	task.clear_ibuf [dreg:s8], $0x7FFFF;
	_ =	strace $0x90000046  }
0xba: {  	s29 =	simm.s32 $0x9;
	_ =	strace $0x80000048  }
0xbb: {  	_ =	swait.ge [sflag:s29], $0x1  }
0xbc: {  	[sflag:s29] =	ssyncadd.s32 $0xFFFFFFFF  }
0xbd: {  	_ =	strace $0x90000048  }
0xbe: {  	_ =	sfence  }
0xbf: {  	s30 =	sld [smem:$0x0];
	_ =	sdelay $0x2  }
0xc0: {  	s31 =	sshll.u32 s1, $0xD;
	s1 =	sshrl.u32 s1, $0x2  }
0xc1: {  	s3 =	sand.u32 $0x4000, s31;
	s1 =	sadd.s32 s1, s30  }
0xc2: {  	s0 =	sor.u32 s3, s0;
	s1 =	sshll.u32 s1, $0x11  }
0xc3: {  	s0 =	sor.u32 s1, s0  }
0xc4: {  	s0 =	sadd.s32 $0x8F2B, s0  }
0xc5: {  	[sflag:s0] =	ssyncadd.remote.s32 $0x1  }
0xc6: {  	_ =	sfence.sel $0xFFFF  }
0xc7: {  	[dreg:$0x0] =	wrdreg $0xFFFFFFFF;
	(pc) =	sbr.abs _section_cstart, $3  }
0xc8: {  	[dreg:$0x1] =	wrdreg $0xFFFFFFFF  }
0xc9: {  	_ =	task.clear_ibuf [dreg:s8], $0x2FFFF;
	_ =	strace $0x9FFFFFFF  }
0xca: {  	(tm) =	ssettm $0x7FFFFFFF  }
0xcb: {  	_ =	shalt  }
tec
execute0_lowered:
.L_overlay_start_1:
0x0: {  	(tag) =	ssettag $0x1  }
0x1: {  	s2 =	rddreg [dreg:$0x0]  }
0x2: {  	s17 =	rddreg [dreg:$0x1]  }
0x3: {  	s0 =	srdreg.scid;
	s4 =	rddreg [dreg:$0x2]  }
0x4: {  	s3 =	stileid.u32;
	s12 =	rddreg [dreg:$0x3]  }
0x5: {  	s5 =	simm.s32 $0x1;
	s18 =	simm.s32 $0x0;
	s28 =	simm.s32 $0x6A00  }
0x6: {  	s0 =	sand.u32 $0x1, s0;
	s16 =	sand.u32 $0x3, s3;
	[smem:$0x7FF] =	sst s18  }
0x7: {  	s2 =	sadd.s32 $0xA00, s2;
	s1 =	sshll.u32 s0, $0x4;
	p0 =	sne.s32 s16, $0x0  }
0x8: {  	s0 =	ssub.s32 $0x2, s0;
	_ =	strace $0x80000047;
	s10 =	sshll.u32 s16, $0xB  }
0x9: {  	s21 =	sshll.u32 s16, $0x7;
	s11 =	sor.u32 s3, s1;
	s19 =	sshrl.u32 s0, $0x1  }
0xa: {  	[dreg:$0xa] =	wrdreg s21;
	s29 =	sor.u32 $0x4040, s10;
	s30 =	sor.u32 $0x2040, s10  }
0xb: {  	s31 =	sor.u32 $0x40, s10;
	p1 =	seq.s32 s11, $0x0;
	[dreg:$0x8] =	wrdreg s11  }
0xc: {  	s6 =	sshrl.u32 s11, $0x2;
	s0 =	ssub.s32 s0, s19;
	[dreg:$0x13] =	wrdreg s29  }
0xd: {  	s23 =	sshll.u32 s11, $0x4;
	[dreg:$0x14] =	wrdreg s30;
	p1 =	por !p0, !p1  }
0xe: {  	[dreg:$0x15] =	wrdreg s31;
	s24 =	sadd.s32 s23, s12;
	p1 =	por !p1, !p1  }
0xf: {  	s0 =	smax.u32 s0, $0x1;
	[dreg:$0xd] =	wrdreg s24;
	s5 =	simm.s32 @!p1 $0x0  }
0x10: {  	s19 =	simm.s32 $0x2000;
	[dreg:$0x12] =	wrdreg s0;
	s6 =	ssub.s32 s6, s5  }
0x11: {  	s5 =	simm.s32 $0x1;
	s7 =	smul.u32 $0x6000, s6;
	s22 =	sshll.u32 s6, $0x9  }
0x12: {  	s25 =	sshll.u32 s6, $0x8;
	s6 =	smul.u32 $0x600, s6;
	s1 =	sor.u32 s21, s22  }
0x13: {  	s8 =	sshrl.u32 s7, $0x3;
	s9 =	sadd.s32 $0x2000, s7;
	s7 =	sadd.s32 $0x4000, s7  }
0x14: {  	s1 =	smul.u32 $0x60, s1;
	s8 =	sadd.s32 s2, s8;
	s20 =	sshrl.u32 s9, $0x3  }
0x15: {  	s7 =	sshrl.u32 s7, $0x3;
	[dreg:$0x9] =	wrdreg s8;
	s8 =	sadd.s32 s2, s20  }
0x16: {  	s2 =	sadd.s32 s2, s7;
	s7 =	sadd.s32 $0x200, s24;
	[dreg:$0xb] =	wrdreg s8  }
.Ltmp0:
0x17: {  	v0 =	vlaneseq.u32;
	s1 =	sshrl.u32 s1, $0x3;
	[dreg:$0xc] =	wrdreg s2;
	(pc) =	sbr.rel .LBB2_1-.Ltmp0, $4  }
0x18: {  	v3 =	vand.u32 $0x3, v0;
	[dreg:$0xe] =	wrdreg s7;
	s2 =	sshra.s32 s25, $0x2;
	s1 =	sadd.s32 s17, s1  }
0x19: {  	v1 =	vimm.f32 $1.000000000e+10;
	v2 =	vimm.f32 $NaN;
	v3 =	vmul.u32 $0x10, v3;
	s26 =	sshrl.u32 s6, $0x3;
	s2 =	sadd.s32 s2, s12;
	[dreg:$0x10] =	wrdreg s1  }
0x1a: {  	vm0 =	vmmov $0x1;
	vm1 =	vcmask $0x2F20;
	vm2 =	vmmov $0xff;
	s22 =	simm.s32 $0x4000;
	s1 =	sadd.s32 s4, s26;
	[dreg:$0xf] =	wrdreg s2  }
0x1b: {  	v6 =	vimm.s32 $0x0;
	v4 =	vor.u32 $0xC, v3;
	v5 =	vor.u32 $0x8, v3;
	s26 =	simm.s32 $0x6800;
	[dreg:$0x11] =	wrdreg s1;
	s1 =	simm.s32 $0x0  }
.LBB2_52:
.Ltmp1:
0x1c: {  	s0 =	simm.s32 $0x0;
	s1 =	rddreg [dreg:$0x10];
	(pc) =	sbr.rel @!p0 .LBB2_53-.Ltmp1, $4  }
0x1d: {  	[hbm4b:s1+s0] =	stream.linear.scatter [tilespmem:s2], [sflag:$0x1], $0x3000, $0x38;
	[tilespmem:$0x10640] =	vst v63  }
0x1e: {  	_ =	swait.ge [sflag:s5], $0x3000  }
0x1f: {  	[sflag:s5] =	ssyncset.done $0x0  }
0x20: {  	s4 =	simm.s32 $0x9E00;
	s1 =	rddreg [dreg:$0x16];
	[sflag:s5] =	ssyncadd.s32 $0xFFFFD000  }
.LBB2_56:
0x21: {  	s1 =	sadd.s32 $0x1, s1;
	s0 =	rddreg [dreg:$0x12]  }
0x22: {  	p1 =	sne.s32 s1, s0  }
.Ltmp2:
0x23: {  	_ = 	snop;
	(pc) =	sbr.rel @!p1 .LBB2_57-.Ltmp2, $1  }
0x24: {  	_ =	sdelay $0x3  }
.LBB2_1:
0x25: {  	[dreg:$0x16] =	wrdreg s1  }
0x26: {  	s0 =	rddreg [dreg:$0x9]  }
0x27: {  	[tilespmem:s18], [sflag:$0x1] =	stream.linear.gather [hbm4b:s0+s18], $0x2000, $0x38;
	[tilespmem:$0x10640] =	vst v63  }
0x28: {  	_ =	swait.ge [sflag:s5], $0x2000  }
0x29: {  	[sflag:s5] =	ssyncset.done $0x0  }
0x2a: {  	s30 =	rddreg [dreg:$0xb];
	[sflag:s5] =	ssyncadd.s32 $0xFFFFE000  }
0x2b: {  	[tilespmem:s19], [sflag:$0x1] =	stream.linear.gather [hbm4b:s30+s18], $0x2000, $0x38;
	[tilespmem:$0x10640] =	vst v63  }
0x2c: {  	_ =	swait.ge [sflag:s5], $0x2000  }
0x2d: {  	[sflag:s5] =	ssyncset.done $0x0  }
0x2e: {  	s31 =	rddreg [dreg:$0xc];
	[sflag:s5] =	ssyncadd.s32 $0xFFFFE000  }
0x2f: {  	[tilespmem:s22], [sflag:$0x1] =	stream.linear.gather [hbm4b:s31+s18], $0x2000, $0x38;
	[tilespmem:$0x10640] =	vst v63  }
0x30: {  	_ =	swait.ge [sflag:s5], $0x2000  }
0x31: {  	[sflag:s5] =	ssyncset.done $0x0  }
0x32: {  	s1 =	simm.s32 $0x0;
	s0 =	simm.s32 $0x40;
	[sflag:s5] =	ssyncadd.s32 $0xFFFFE000  }
.LBB2_2:
0x33: {  	p1 =	sne.s32 s0, $0x1FC0;
	[tilespmem:s1+$0x6000] =	vst v1;
	s1 =	smov.u32 s0;
	s0 =	sadd.s32 $0x40, s0  }
.Ltmp3:
0x34: {  	(pc) =	sbr.rel @p1 .LBB2_2-.Ltmp3, $2  }
0x35: {  	_ =	sdelay $0x2  }
0x36: {  	s1 =	sshra.s32 s1, $0x2  }
0x37: {  	[tilespmem:s1+$0x6000] =	vst v1  }
0x38: {  	s0 =	rddreg [dreg:$0xd];
	s29 =	simm.s32 $0xA400;
	[tilespmem:$0xA400] =	vst v2  }
0x39: {  	[spmem:s0] =	stream.linear.scatter [tilespmem:s29], [sflag:$0x1], $0x10, $0x38;
	[tilespmem:$0x10640] =	vst v63  }
0x3a: {  	_ =	swait.ge [sflag:s5], $0x10  }
0x3b: {  	[sflag:s5] =	ssyncset.done $0x0  }
0x3c: {  	s31 =	rddreg [dreg:$0xe];
	[sflag:s5] =	ssyncadd.s32 $0xFFFFFFF0  }
0x3d: {  	[spmem:s31] =	stream.linear.scatter [tilespmem:s29], [sflag:$0x1], $0x10, $0x38;
	[tilespmem:$0x10640] =	vst v63  }
0x3e: {  	_ =	swait.ge [sflag:s5], $0x10  }
0x3f: {  	[sflag:s5] =	ssyncset.done $0x0  }
0x40: {  	[sflag:s5] =	ssyncadd.s32 $0xFFFFFFF0  }
0x41: {  	[bflag:$0x0] =	sbarrier.arrive $0xFFFF  }
0x42: {  	v7 =	vld [tilespmem:$0x0]  }
0x43: {  	v8 =	vld [tilespmem:$0x2000]  }
0x44: {  	v9 =	vld [tilespmem:$0x4000];
	_ =	sdelay $0x2  }
0x45: {  	v7 =	vnsel vm0, $0x0, v7  }
0x46: {  	(xrf2) =	vadd.scan.msk.f32 $0xffff, v7;
	v7 =	vnsel vm0, $0x0, v8  }
0x47: {  	(xrf2) =	vadd.scan.msk.f32 $0xffff, v7;
	v7 =	vnsel vm0, $0x0, v9  }
0x48: {  	(xrf2) =	vadd.scan.msk.f32 $0xffff, v7;
	_ =	sdelay $0x7  }
0x49: {  	v7, _, _ =	vpop (xrf2)  }
0x4a: {  	v8, _, _ =	vpop (xrf2)  }
0x4b: {  	v9 =	vbroadcast v7, $0xF;
	v7, _, _ =	vpop (xrf2)  }
0x4c: {  	s25 =	simm.s32 $0xA400;
	s30 =	simm.s32 $0x0;
	v8 =	vbroadcast v8, $0xF;
	v10 =	vbroadcast v7, $0xF  }
.LBB2_4:
0x4d: {  	v7 =	vmov s30;
	_ =	sdelay $0x4  }
0x4e: {  	[tilespmem:v7+s26+$0x0] =	vst.idx.msk $0x1, v9  }
0x4f: {  	s0 =	simm.s32 $0x6C00;
	[tilespmem:v7+s28+$0x0] =	vst.idx.msk $0x1, v8  }
0x50: {  	s10 =	rddreg [dreg:$0x15];
	[tilespmem:v7+s0+$0x0] =	vst.idx.msk $0x1, v10  }
0x51: {  	s12 =	rddreg [dreg:$0x13];
	v11 =	vld [tilespmem:s10+$0xFFFFFFC0]  }
0x52: {  	v12 =	vld [tilespmem:s12+$0xFFFFFFC0]  }
0x53: {  	s7 =	rddreg [dreg:$0x14]  }
0x54: {  	v13 =	vld [tilespmem:s7+$0xFFFFFFC0];
	_ =	sdelay $0x2  }
0x55: {  	v11 =	vsub.f32 v11, v9;
	v12 =	vsub.f32 v12, v10;
	_ =	sdelay $0x1  }
0x56: {  	s31 =	simm.s32 $0x6040;
	v13 =	vsub.f32 v13, v8;
	v11 =	vmul.f32 v11, v11;
	v12 =	vmul.f32 v12, v12  }
0x57: {  	v14 =	vld [tilespmem:s31+$0xFFFFFFC0]  }
0x58: {  	v13 =	vmul.f32 v13, v13;
	v11 =	vadd.f32 v12, v11;
	_ =	sdelay $0x1  }
0x59: {  	v11 =	vadd.f32 v11, v13  }
0x5a: {  	v12 =	vld [tilespmem:s12+$0x0]  }
0x5b: {  	v13 =	vld [tilespmem:s10+$0x0];
	v16 =	vmin.f32 v14, v11  }
0x5c: {  	v11 =	vld [tilespmem:s7+$0x0];
	[tilespmem:s31+$0xFFFFFFC0] =	vst v16  }
0x5d: {  	v14 =	vld [tilespmem:s12+$0xFFFFFFD0]  }
0x5e: {  	v17 =	vld [tilespmem:s10+$0xFFFFFFD0];
	_ =	sdelay $0x1  }
0x5f: {  	v12 =	vsub.f32 v12, v10;
	v18 =	vld [tilespmem:s7+$0xFFFFFFD0];
	v13 =	vsub.f32 v13, v9;
	_ =	sdelay $0x1  }
0x60: {  	v15 =	vld [tilespmem:s31+$0x20];
	v12 =	vmul.f32 v12, v12;
	v13 =	vmul.f32 v13, v13;
	v11 =	vsub.f32 v11, v8  }
0x61: {  	s0 =	sadd.s32 $0x80, s7;
	v19 =	vld [tilespmem:s31+$0x0];
	v14 =	vsub.f32 v14, v10;
	v17 =	vsub.f32 v17, v9  }
0x62: {  	s9 =	sadd.s32 $0x80, s12;
	v20 =	vld [tilespmem:s0+$0xFFFFFFC0];
	v12 =	vadd.f32 v12, v13;
	v11 =	vmul.f32 v11, v11  }
0x63: {  	v21 =	vld [tilespmem:s9+$0xFFFFFFC0];
	v18 =	vsub.f32 v18, v8;
	v14 =	vmul.f32 v14, v14;
	v17 =	vmul.f32 v17, v17  }
0x64: {  	v11 =	vadd.f32 v12, v11;
	v12 =	vld [tilespmem:s31+$0xFFFFFFD0]  }
0x65: {  	s2 =	simm.s32 $0x60C0;
	v22 =	vld [tilespmem:s0+$0x0];
	v18 =	vmul.f32 v18, v18;
	v17 =	vadd.f32 v14, v17  }
0x66: {  	s8 =	sadd.s32 $0x80, s10;
	v29 =	vld [tilespmem:s2+$0xFFFFFFC0]  }
0x67: {  	v13 =	vld [tilespmem:s8+$0xFFFFFFC0];
	v17 =	vadd.f32 v17, v18  }
0x68: {  	v14 =	vmin.f32 v19, v11;
	v11 =	vld [tilespmem:s9+$0x0]  }
0x69: {  	v19 =	vld [tilespmem:s8+$0x0];
	v23 =	vmin.f32 v12, v17  }
0x6a: {  	v30 =	vld [tilespmem:s2+$0x0];
	[tilespmem:s31+$0xFFFFFFD0] =	vst v23  }
0x6b: {  	v25 =	vld [tilespmem:s10+$0xFFFFFFE0]  }
0x6c: {  	s29 =	sadd.s32 $0x80, s8;
	v26 =	vld [tilespmem:s12+$0xFFFFFFE0]  }
0x6d: {  	v31 =	vld [tilespmem:s29+$0xFFFFFFC0];
	v21 =	vsub.f32 v21, v10;
	v13 =	vsub.f32 v13, v9  }
0x6e: {  	[tilespmem:s31+$0x0] =	vst v14;
	v11 =	vsub.f32 v11, v10;
	v19 =	vsub.f32 v19, v9;
	v27 =	vld [tilespmem:s7+$0xFFFFFFE0]  }
0x6f: {  	v20 =	vsub.f32 v20, v8;
	v21 =	vmul.f32 v21, v21;
	v24 =	vld [tilespmem:s12+$0x10];
	v13 =	vmul.f32 v13, v13  }
0x70: {  	v22 =	vsub.f32 v22, v8;
	v18 =	vld [tilespmem:s10+$0x10];
	v11 =	vmul.f32 v11, v11;
	v19 =	vmul.f32 v19, v19  }
0x71: {  	v20 =	vmul.f32 v20, v20;
	v28 =	vld [tilespmem:s7+$0x10];
	v25 =	vsub.f32 v25, v9;
	v26 =	vsub.f32 v26, v10  }
0x72: {  	s14 =	sadd.s32 $0x80, s9;
	v17 =	vld [tilespmem:s31+$0xFFFFFFE0];
	v13 =	vadd.f32 v21, v13;
	v11 =	vadd.f32 v11, v19;
	v19 =	vmul.f32 v22, v22  }
0x73: {  	v21 =	vld [tilespmem:s14+$0xFFFFFFC0];
	v27 =	vsub.f32 v27, v8;
	v25 =	vmul.f32 v25, v25;
	v26 =	vmul.f32 v26, v26  }
0x74: {  	s15 =	sadd.s32 $0x80, s0;
	v13 =	vadd.f32 v13, v20;
	v20 =	vsub.f32 v24, v10;
	v24 =	vld [tilespmem:s14+$0x0]  }
0x75: {  	v22 =	vld [tilespmem:s15+$0xFFFFFFC0];
	v11 =	vadd.f32 v11, v19;
	v19 =	vmul.f32 v27, v27;
	v25 =	vadd.f32 v26, v25  }
0x76: {  	v18 =	vsub.f32 v18, v9;
	v27 =	vld [tilespmem:s15+$0x0]  }
0x77: {  	v32 =	vimm.s32 $0x0;
	v11 =	vmin.f32 v30, v11;
	v26 =	vld [tilespmem:s31+$0x10];
	v19 =	vadd.f32 v25, v19  }
0x78: {  	v13 =	vmin.f32 v29, v13;
	v18 =	vmul.f32 v18, v18;
	v29 =	vmul.f32 v20, v20;
	[tilespmem:s2+$0x0] =	vst v11;
	v25 =	vld [tilespmem:s29+$0x0]  }
0x79: {  	s24 =	sadd.s32 $0xFFFFFFC0, s10;
	v21 =	vsub.f32 v21, v10;
	v30 =	vld [tilespmem:s8+$0x10];
	v20 =	vmin.f32 v17, v19;
	v19 =	vsub.f32 v28, v8  }
0x7a: {  	v59 =	vor.u32 s24, v0;
	[tilespmem:s2+$0xFFFFFFC0] =	vst v13;
	v18 =	vadd.f32 v29, v18;
	v22 =	vsub.f32 v22, v8;
	v58 =	vld [tilespmem:s9+$0x10]  }
0x7b: {  	s1 =	sadd.s32 $0xFFFFFFD0, s10;
	v34 =	vmul.f32 v21, v21;
	v28 =	vsub.f32 v31, v9;
	v31 =	vld [tilespmem:s9+$0xFFFFFFD0];
	[tilespmem:s31+$0xFFFFFFE0] =	vst v20;
	v19 =	vmul.f32 v19, v19  }
0x7c: {  	v35 =	vsub.f32 v24, v10;
	v21 =	vmul.f32 v22, v22;
	v22 =	vor.u32 s1, v0;
	v33 =	vld [tilespmem:s10+$0xFFFFFFF0]  }
0x7d: {  	v28 =	vmul.f32 v28, v28;
	v25 =	vsub.f32 v25, v9;
	v18 =	vadd.f32 v18, v19;
	v19 =	vld [tilespmem:s8+$0xFFFFFFD0]  }
0x7e: {  	v27 =	vsub.f32 v27, v8;
	v17 =	vimm.f32 $-1.000000000e+00;
	v30 =	vsub.f32 v30, v9;
	v29 =	vld [tilespmem:s12+$0xFFFFFFF0]  }
0x7f: {  	v36 =	vld [tilespmem:s0+$0xFFFFFFD0];
	v24 =	vadd.f32 v34, v28;
	v28 =	vmul.f32 v35, v35;
	v25 =	vmul.f32 v25, v25  }
0x80: {  	v39 =	vld [tilespmem:s2+$0xFFFFFFD0];
	v27 =	vmul.f32 v27, v27;
	vm5 =	vgt.f32 v16, v17;
	v31 =	vsub.f32 v31, v10  }
0x81: {  	v61 =	vld [tilespmem:s7+$0xFFFFFFF0];
	v16 =	vsel vm5, v16, v17;
	v18 =	vmin.f32 v26, v18;
	v25 =	vadd.f32 v28, v25  }
0x82: {  	v26 =	vsub.f32 v33, v9;
	[tilespmem:s31+$0x10] =	vst v18;
	v28 =	vmul.f32 v31, v31;
	v31 =	vld [tilespmem:s0+$0x10];
	v19 =	vsub.f32 v19, v9  }
0x83: {  	v32 =	vsel vm5, v59, v32;
	v34 =	vsub.f32 v58, v10;
	v37 =	vsub.f32 v29, v10;
	v60 =	vld [tilespmem:s12+$0x20]  }
0x84: {  	v38 =	vld [tilespmem:s10+$0x20];
	v29 =	vmul.f32 v26, v26;
	v26 =	vsub.f32 v36, v8;
	v19 =	vmul.f32 v19, v19  }
0x85: {  	v30 =	vmul.f32 v30, v30;
	v62 =	vld [tilespmem:s7+$0x20];
	v25 =	vadd.f32 v25, v27;
	v27 =	vmul.f32 v34, v34  }
0x86: {  	v12 =	vld [tilespmem:s2+$0x20];
	s1 =	simm.s32 $0x6140;
	vm4 =	vgt.f32 v23, v16;
	v26 =	vmul.f32 v26, v26;
	v19 =	vadd.f32 v28, v19  }
0x87: {  	v17 =	vld [tilespmem:s1+$0x20];
	v33 =	vmul.f32 v37, v37;
	v40 =	vadd.f32 v27, v30;
	v28 =	vsub.f32 v31, v8  }
0x88: {  	v30 =	vsel vm4, v23, v16;
	v27 =	vsub.f32 v61, v8;
	v31 =	vld [tilespmem:s31+$0xFFFFFFF0];
	v16 =	vadd.f32 v19, v26  }
0x89: {  	s23 =	simm.s32 $0x10;
	s6 =	simm.s32 $0x6140;
	v41 =	vsub.f32 v60, v10;
	v63 =	vsub.f32 v38, v9;
	v23 =	vmul.f32 v28, v28;
	v19 =	vld [tilespmem:s31+$0x30]  }
0x8a: {  	s20 =	smov.u32 s10;
	s13 =	smov.u32 s8;
	s24 =	sadd.s32 $0x80, s14;
	vm3 =	vgt.f32 v20, v30;
	v34 =	vsub.f32 v62, v8;
	v26 =	vld [tilespmem:s2+$0xFFFFFFE0];
	v16 =	vmin.f32 v39, v16  }
0x8b: {  	s21 =	smov.u32 s29;
	s11 =	smov.u32 s29;
	s3 =	smov.u32 s15;
	v28 =	vld [tilespmem:s1+$0xFFFFFFC0];
	v35 =	vmul.f32 v63, v63;
	v36 =	vmul.f32 v41, v41;
	v23 =	vadd.f32 v40, v23;
	[tilespmem:s2+$0xFFFFFFD0] =	vst v16  }
.LBB2_5:
0x8c: {  	s23 =	sadd.s32 $0x8, s23;
	s15 =	sadd.s32 $0x80, s15;
	s29 =	sadd.s32 $0x80, s29;
	v37 =	vld [tilespmem:s8+$0xFFFFFFE0];
	v22 =	vsel vm4, v22, v32;
	v29 =	vadd.f32 v33, v29;
	v27 =	vmul.f32 v27, v27  }
0x8d: {  	v24 =	vadd.f32 v24, v21;
	s4 =	sadd.s32 $0x30, s20;
	p1 =	slt.u32 s23, $0x78;
	v21 =	vld [tilespmem:s9+$0xFFFFFFE0];
	v32 =	vadd.f32 v36, v35;
	v33 =	vmul.f32 v34, v34  }
0x8e: {  	s16 =	sadd.s32 $0x10, s20;
	s17 =	sadd.s32 $0x20, s20;
	v34 =	vld [tilespmem:s0+$0xFFFFFFE0];
	v29 =	vadd.f32 v29, v27;
	v27 =	vor.u32 s4, v0  }
0x8f: {  	v36 =	vor.u32 s16, v0;
	s4 =	sadd.s32 $0xFFFFFFE0, s20;
	v35 =	vld [tilespmem:s1+$0x0];
	v32 =	vadd.f32 v32, v33;
	v33 =	vor.u32 s17, v0  }
0x90: {  	v20 =	vsel vm3, v20, v30;
	v39 =	vor.u32 s4, v0;
	v38 =	vld [tilespmem:s15+$0xFFFFFFC0];
	v29 =	vmin.f32 v31, v29  }
0x91: {  	v30 =	vld [tilespmem:s29+$0xFFFFFFC0];
	v31 =	vsub.f32 v37, v9;
	[tilespmem:s31+$0xFFFFFFF0] =	vst v29;
	vm4 =	vgt.f32 v29, v20;
	v32 =	vmin.f32 v15, v32  }
0x92: {  	v39 =	vsel vm3, v39, v22;
	v37 =	vld [tilespmem:s24+$0xFFFFFFC0];
	v21 =	vsub.f32 v21, v10;
	v20 =	vsel vm4, v29, v20;
	[tilespmem:s31+$0x20] =	vst v32  }
0x93: {  	v15 =	vmovc v12;
	v22 =	vsub.f32 v34, v8;
	v29 =	vmul.f32 v31, v31;
	vm3 =	vgt.f32 v14, v20;
	v31 =	vld [tilespmem:s7+$0x30];
	s7 =	smov.u32 s0;
	s0 =	smov.u32 s3;
	s3 =	smov.u32 s15  }
0x94: {  	v12 =	vmovc v17;
	v34 =	vor.u32 s20, v0;
	v21 =	vmul.f32 v21, v21;
	v20 =	vsel vm3, v14, v20;
	v40 =	vld [tilespmem:s10+$0x30];
	v14 =	vmovc v11;
	s10 =	smov.u32 s8;
	s8 =	smov.u32 s21;
	s21 =	smov.u32 s29  }
0x95: {  	s1 =	sadd.s32 $0x80, s1;
	v11 =	vsub.f32 v38, v8;
	v17 =	vmul.f32 v22, v22;
	vm5 =	vgt.f32 v18, v20;
	v22 =	vld [tilespmem:s12+$0x30];
	s12 =	smov.u32 s9;
	s9 =	smov.u32 s14  }
0x96: {  	s14 =	smov.u32 s24;
	v30 =	vsub.f32 v30, v9;
	v38 =	vld [tilespmem:s15+$0x0];
	v29 =	vadd.f32 v21, v29;
	v18 =	vsel vm5, v18, v20  }
0x97: {  	v21 =	vmul.f32 v11, v11;
	v11 =	vmin.f32 v35, v25;
	v25 =	vld [tilespmem:s2+$0x10];
	vm6 =	vgt.f32 v32, v18  }
0x98: {  	v20 =	vsub.f32 v37, v10;
	v30 =	vmul.f32 v30, v30;
	v35 =	vld [tilespmem:s24+$0x0];
	[tilespmem:s6+$0x0] =	vst v11;
	v17 =	vadd.f32 v29, v17  }
0x99: {  	v28 =	vmin.f32 v28, v24;
	v32 =	vsel vm6, v32, v18;
	v29 =	vld [tilespmem:s29+$0x0];
	v18 =	vsub.f32 v40, v9  }
0x9a: {  	s16 =	sadd.s32 $0xFFFFFFF0, s20;
	s4 =	sadd.s32 $0xFFFFFFD0, s13;
	s20 =	smov.u32 s13;
	v24 =	vmul.f32 v20, v20;
	[tilespmem:s6+$0xFFFFFFC0] =	vst v28;
	v37 =	vld [tilespmem:s8+$0x10];
	v20 =	vmin.f32 v26, v17;
	v17 =	vsub.f32 v22, v10  }
0x9b: {  	s13 =	smov.u32 s11;
	v40 =	vor.u32 s16, v0;
	v22 =	vor.u32 s4, v0;
	v26 =	vld [tilespmem:s9+$0xFFFFFFD0];
	[tilespmem:s2+$0xFFFFFFE0] =	vst v20;
	v18 =	vmul.f32 v18, v18  }
0x9c: {  	v31 =	vsub.f32 v31, v8;
	s4 =	sadd.s32 $0xFFFFFFC0, s20;
	v24 =	vadd.f32 v24, v30;
	v30 =	vld [tilespmem:s12+$0xFFFFFFF0];
	v17 =	vmul.f32 v17, v17  }
0x9d: {  	v39 =	vsel vm4, v40, v39;
	v41 =	vor.u32 s4, v0;
	v35 =	vsub.f32 v35, v10;
	v42 =	vld [tilespmem:s10+$0xFFFFFFF0]  }
0x9e: {  	v31 =	vmul.f32 v31, v31;
	v29 =	vsub.f32 v29, v9;
	v40 =	vld [tilespmem:s0+$0xFFFFFFD0];
	v17 =	vadd.f32 v17, v18  }
0x9f: {  	v18 =	vmin.f32 v25, v23;
	v23 =	vsel vm3, v34, v39;
	v35 =	vmul.f32 v35, v35;
	v43 =	vld [tilespmem:s8+$0xFFFFFFD0]  }
0xa0: {  	v23 =	vsel vm5, v36, v23;
	v25 =	vmul.f32 v29, v29;
	v34 =	vld [tilespmem:s9+$0x10];
	[tilespmem:s2+$0x10] =	vst v18;
	v29 =	vadd.f32 v17, v31  }
0xa1: {  	v26 =	vsub.f32 v26, v10;
	v23 =	vsel vm6, v33, v23;
	v31 =	vld [tilespmem:s7+$0xFFFFFFF0];
	v36 =	vsub.f32 v30, v10  }
0xa2: {  	v25 =	vadd.f32 v35, v25;
	v17 =	vld [tilespmem:s1+$0x20];
	v30 =	vsub.f32 v42, v9;
	v19 =	vmin.f32 v19, v29  }
0xa3: {  	v33 =	vsub.f32 v38, v8;
	v26 =	vmul.f32 v26, v26;
	v35 =	vld [tilespmem:s0+$0x10];
	[tilespmem:s31+$0x30] =	vst v19;
	vm3 =	vgt.f32 v19, v32;
	s31 =	smov.u32 s2;
	s2 =	smov.u32 s6;
	s6 =	smov.u32 s1  }
0xa4: {  	v37 =	vsub.f32 v37, v9;
	v38 =	vsub.f32 v43, v9;
	v29 =	vmul.f32 v30, v30;
	v39 =	vld [tilespmem:s10+$0x20]  }
0xa5: {  	v30 =	vmul.f32 v33, v33;
	v33 =	vsub.f32 v40, v8;
	v19 =	vsel vm3, v19, v32;
	v40 =	vld [tilespmem:s12+$0x20]  }
0xa6: {  	v32 =	vsub.f32 v34, v10;
	v34 =	vmul.f32 v37, v37;
	vm5 =	vgt.f32 v13, v19  }
0xa7: {  	v37 =	vmul.f32 v38, v38;
	v33 =	vmul.f32 v33, v33;
	v38 =	vsel vm3, v27, v23  }
0xa8: {  	v25 =	vadd.f32 v25, v30;
	v19 =	vsel vm5, v13, v19;
	v13 =	vmovc v28;
	v27 =	vmul.f32 v32, v32;
	v23 =	vld [tilespmem:s2+$0xFFFFFFD0]  }
0xa9: {  	vm4 =	vgt.f32 v16, v19;
	v26 =	vadd.f32 v26, v37;
	v28 =	vsub.f32 v35, v8;
	v35 =	vld [tilespmem:s7+$0x20]  }
.Ltmp4:
0xaa: {  	v30 =	vsel vm4, v16, v19;
	v32 =	vadd.f32 v27, v34;
	v37 =	vsub.f32 v40, v10;
	(pc) =	sbr.rel @p1 .LBB2_5-.Ltmp4, $4  }
0xab: {  	vm3 =	vgt.f32 v20, v30;
	v16 =	vadd.f32 v26, v33;
	v28 =	vmul.f32 v28, v28;
	v19 =	vld [tilespmem:s31+$0x30]  }
0xac: {  	v27 =	vsub.f32 v31, v8;
	v33 =	vmul.f32 v36, v36;
	v36 =	vsub.f32 v39, v9;
	v31 =	vld [tilespmem:s31+$0xFFFFFFF0]  }
0xad: {  	v16 =	vmin.f32 v23, v16;
	v26 =	vld [tilespmem:s2+$0xFFFFFFE0];
	v23 =	vadd.f32 v32, v28;
	v32 =	vsel vm5, v41, v38  }
0xae: {  	s11 =	sadd.s32 $0x80, s11;
	s24 =	sadd.s32 $0x80, s24;
	v28 =	vld [tilespmem:s1+$0xFFFFFFC0];
	[tilespmem:s2+$0xFFFFFFD0] =	vst v16;
	v34 =	vsub.f32 v35, v8;
	v35 =	vmul.f32 v36, v36;
	v36 =	vmul.f32 v37, v37  }
0xaf: {  	_ = 	snop  }
0xb0: {  	v51 =	vld [tilespmem:s8+$0xFFFFFFE0]  }
0xb1: {  	v52 =	vld [tilespmem:s9+$0xFFFFFFE0];
	v21 =	vadd.f32 v24, v21  }
0xb2: {  	v37 =	vld [tilespmem:s0+$0xFFFFFFE0];
	v35 =	vadd.f32 v36, v35;
	v34 =	vmul.f32 v34, v34  }
0xb3: {  	v54 =	vld [tilespmem:s1+$0x0];
	v21 =	vmin.f32 v28, v21  }
0xb4: {  	v53 =	vadd.f32 v33, v29;
	v27 =	vmul.f32 v27, v27;
	v59 =	vld [tilespmem:s2+$0x10];
	v34 =	vadd.f32 v35, v34;
	[tilespmem:s6+$0xFFFFFFC0] =	vst v21  }
0xb5: {  	v61 =	vld [tilespmem:s14+$0xFFFFFFD0]  }
0xb6: {  	v34 =	vmin.f32 v15, v34;
	v15 =	vadd.f32 v53, v27;
	v63 =	vld [tilespmem:s21+$0xFFFFFFD0]  }
0xb7: {  	v58 =	vsub.f32 v51, v9;
	v60 =	vsub.f32 v52, v10;
	[tilespmem:s31+$0x20] =	vst v34;
	v41 =	vld [tilespmem:s3+$0xFFFFFFD0]  }
0xb8: {  	v20 =	vsel vm3, v20, v30;
	v22 =	vsel vm4, v22, v32;
	v62 =	vsub.f32 v37, v8;
	v55 =	vld [tilespmem:s7+$0x30]  }
0xb9: {  	s15 =	sadd.s32 $0xFFFFFFE0, s20;
	v56 =	vld [tilespmem:s10+$0x30];
	v15 =	vmin.f32 v31, v15;
	v28 =	vmul.f32 v58, v58;
	v31 =	vmul.f32 v60, v60  }
0xba: {  	v48 =	vor.u32 s15, v0;
	v23 =	vmin.f32 v59, v23;
	v57 =	vld [tilespmem:s12+$0x30];
	vm7 =	vgt.f32 v15, v20  }
0xbb: {  	[tilespmem:s2+$0x10] =	vst v23;
	v42 =	vmul.f32 v62, v62;
	v20 =	vsel vm7, v15, v20;
	v28 =	vadd.f32 v31, v28  }
0xbc: {  	v22 =	vsel vm3, v48, v22;
	v47 =	vld [tilespmem:s9+$0x20];
	vm6 =	vgt.f32 v14, v20;
	v32 =	vsub.f32 v61, v10  }
0xbd: {  	v52 =	vld [tilespmem:s0+$0x20];
	v14 =	vsel vm6, v14, v20;
	v45 =	vsub.f32 v63, v9;
	v28 =	vadd.f32 v28, v42  }
0xbe: {  	v49 =	vld [tilespmem:s6+$0xFFFFFFD0];
	v20 =	vmin.f32 v54, v25;
	v29 =	vsub.f32 v41, v8;
	v27 =	vsub.f32 v56, v9  }
0xbf: {  	v46 =	vld [tilespmem:s8+$0x20];
	v40 =	vsub.f32 v57, v10;
	[tilespmem:s6+$0x0] =	vst v20;
	v24 =	vsub.f32 v55, v8;
	vm4 =	vgt.f32 v18, v14  }
0xc0: {  	v43 =	vld [tilespmem:s21+$0x10];
	v32 =	vmul.f32 v32, v32;
	v35 =	vmul.f32 v45, v45;
	v14 =	vsel vm4, v18, v14  }
0xc1: {  	v44 =	vld [tilespmem:s14+$0x10];
	v18 =	vmin.f32 v26, v28;
	v27 =	vmul.f32 v27, v27;
	v25 =	vmul.f32 v40, v40  }
0xc2: {  	v57 =	vsub.f32 v47, v10;
	v50 =	vmul.f32 v29, v29;
	v54 =	vld [tilespmem:s3+$0x10];
	v29 =	vsub.f32 v52, v8;
	[tilespmem:s2+$0xFFFFFFE0] =	vst v18  }
0xc3: {  	v24 =	vmul.f32 v24, v24;
	v51 =	vadd.f32 v32, v35;
	v53 =	vld [tilespmem:s9+$0xFFFFFFF0];
	v25 =	vadd.f32 v25, v27  }
0xc4: {  	vm5 =	vgt.f32 v34, v14;
	v28 =	vmul.f32 v57, v57;
	v56 =	vld [tilespmem:s8+$0xFFFFFFF0];
	v27 =	vsub.f32 v46, v9  }
0xc5: {  	v34 =	vsel vm5, v34, v14;
	v59 =	vld [tilespmem:s0+$0xFFFFFFF0];
	v55 =	vadd.f32 v51, v50;
	v24 =	vadd.f32 v25, v24  }
0xc6: {  	v62 =	vmul.f32 v29, v29;
	v31 =	vsub.f32 v43, v9;
	v30 =	vsub.f32 v44, v10  }
0xc7: {  	v27 =	vmul.f32 v27, v27;
	v14 =	vmin.f32 v19, v24;
	v24 =	vmin.f32 v49, v55  }
0xc8: {  	v37 =	vld [tilespmem:s6+$0x10];
	v31 =	vmul.f32 v31, v31;
	v30 =	vmul.f32 v30, v30;
	v19 =	vsub.f32 v54, v8;
	[tilespmem:s6+$0xFFFFFFD0] =	vst v24  }
0xc9: {  	v27 =	vadd.f32 v28, v27;
	v63 =	vsub.f32 v53, v10;
	vm3 =	vgt.f32 v14, v34;
	v60 =	vld [tilespmem:s21+$0xFFFFFFE0]  }
0xca: {  	v25 =	vsub.f32 v56, v9;
	v39 =	vsub.f32 v59, v8;
	v34 =	vsel vm3, v14, v34;
	v61 =	vld [tilespmem:s14+$0xFFFFFFE0]  }
0xcb: {  	v30 =	vadd.f32 v30, v31;
	v19 =	vmul.f32 v19, v19;
	v38 =	vld [tilespmem:s3+$0xFFFFFFE0];
	v27 =	vadd.f32 v27, v62  }
0xcc: {  	v25 =	vmul.f32 v25, v25;
	v29 =	vmul.f32 v63, v63;
	vm8 =	vgt.f32 v13, v34  }
0xcd: {  	v58 =	vld [tilespmem:s6+$0xFFFFFFE0];
	v13 =	vsel vm8, v13, v34;
	v19 =	vadd.f32 v30, v19;
	v27 =	vmin.f32 v12, v27  }
0xce: {  	v41 =	vld [tilespmem:s2+$0xFFFFFFF0];
	v28 =	vmul.f32 v39, v39;
	v25 =	vadd.f32 v29, v25;
	vm9 =	vgt.f32 v16, v13;
	[tilespmem:s2+$0x20] =	vst v27  }
0xcf: {  	v44 =	vld [tilespmem:s8+$0x30];
	v19 =	vmin.f32 v37, v19;
	v42 =	vsub.f32 v60, v9;
	v43 =	vsub.f32 v61, v10  }
0xd0: {  	v46 =	vld [tilespmem:s9+$0x30];
	v13 =	vsel vm9, v16, v13;
	v48 =	vadd.f32 v25, v28;
	v31 =	vsub.f32 v38, v8;
	[tilespmem:s6+$0x10] =	vst v19  }
0xd1: {  	s16 =	sadd.s32 $0xFFFFFFF0, s20;
	vm10 =	vgt.f32 v18, v13;
	v49 =	vld [tilespmem:s21+$0x20];
	v30 =	vmul.f32 v42, v42;
	v45 =	vmul.f32 v43, v43  }
0xd2: {  	v47 =	vor.u32 s16, v0;
	v51 =	vld [tilespmem:s14+$0x20];
	v13 =	vsel vm10, v18, v13  }
0xd3: {  	v52 =	vld [tilespmem:s0+$0x30];
	v12 =	vmin.f32 v41, v48;
	v50 =	vmul.f32 v31, v31;
	v30 =	vadd.f32 v45, v30  }
0xd4: {  	v22 =	vsel vm7, v47, v22;
	v53 =	vor.u32 s20, v0;
	v54 =	vld [tilespmem:s3+$0x20];
	vm7 =	vgt.f32 v12, v13  }
0xd5: {  	v18 =	vsel vm6, v53, v22;
	v13 =	vsel vm7, v12, v13;
	v28 =	vadd.f32 v30, v50  }
0xd6: {  	v55 =	vsub.f32 v44, v9;
	v56 =	vsub.f32 v46, v10;
	vm6 =	vgt.f32 v11, v13  }
0xd7: {  	v57 =	vsub.f32 v51, v10;
	v25 =	vsub.f32 v49, v9;
	v26 =	vmin.f32 v58, v28  }
0xd8: {  	v40 =	vld [tilespmem:s2+$0x30];
	v16 =	vsub.f32 v52, v8;
	v22 =	vmul.f32 v55, v55;
	v28 =	vmul.f32 v56, v56;
	[tilespmem:s6+$0xFFFFFFE0] =	vst v26  }
0xd9: {  	v30 =	vsub.f32 v54, v8;
	v25 =	vmul.f32 v25, v25;
	v29 =	vmul.f32 v57, v57;
	v58 =	vld [tilespmem:s21+$0xFFFFFFF0]  }
0xda: {  	v11 =	vsel vm6, v11, v13;
	v16 =	vmul.f32 v16, v16;
	v59 =	vld [tilespmem:s14+$0xFFFFFFF0];
	v60 =	vadd.f32 v28, v22  }
0xdb: {  	s23 =	sadd.s32 $0x20, s20;
	vm11 =	vgt.f32 v23, v11;
	v62 =	vmul.f32 v30, v30;
	v61 =	vld [tilespmem:s3+$0xFFFFFFF0];
	v25 =	vadd.f32 v29, v25  }
0xdc: {  	s17 =	sadd.s32 $0x10, s20;
	v36 =	vor.u32 s23, v0;
	v11 =	vsel vm11, v23, v11;
	v13 =	vadd.f32 v60, v16  }
0xdd: {  	s29 =	sadd.s32 $0xFFFFFFD0, s13;
	v63 =	vor.u32 s17, v0;
	vm12 =	vgt.f32 v27, v11;
	v31 =	vadd.f32 v25, v62  }
0xde: {  	v41 =	vor.u32 s29, v0;
	v11 =	vsel vm12, v27, v11;
	v13 =	vmin.f32 v40, v13  }
0xdf: {  	v17 =	vmin.f32 v17, v31;
	v30 =	vsub.f32 v58, v9;
	v32 =	vsub.f32 v59, v10  }
0xe0: {  	v35 =	vld [tilespmem:s6+$0xFFFFFFF0];
	v18 =	vsel vm4, v63, v18;
	vm13 =	vgt.f32 v13, v11;
	v22 =	vsub.f32 v61, v8;
	[tilespmem:s6+$0x20] =	vst v17  }
0xe1: {  	s24 =	sadd.s32 $0x30, s20;
	v11 =	vsel vm13, v13, v11;
	v37 =	vld [tilespmem:s21+$0x30];
	v16 =	vmul.f32 v30, v30;
	v34 =	vmul.f32 v32, v32  }
0xe2: {  	v18 =	vsel vm5, v36, v18;
	v40 =	vor.u32 s24, v0;
	v39 =	vld [tilespmem:s14+$0x30];
	vm4 =	vgt.f32 v21, v11  }
0xe3: {  	s1 =	sadd.s32 $0xFFFFFFC0, s13;
	v42 =	vld [tilespmem:s3+$0x30];
	v38 =	vmul.f32 v22, v22;
	v11 =	vsel vm4, v21, v11;
	v16 =	vadd.f32 v34, v16  }
0xe4: {  	v43 =	vor.u32 s1, v0;
	v18 =	vsel vm3, v40, v18;
	vm5 =	vgt.f32 v24, v11  }
0xe5: {  	v18 =	vsel vm8, v43, v18;
	v11 =	vsel vm5, v24, v11;
	v16 =	vadd.f32 v16, v38  }
0xe6: {  	v18 =	vsel vm9, v41, v18;
	vm3 =	vgt.f32 v26, v11;
	v44 =	vsub.f32 v37, v9  }
0xe7: {  	s3 =	sadd.s32 $0xFFFFFFE0, s13;
	v45 =	vsub.f32 v39, v10;
	v11 =	vsel vm3, v26, v11;
	v16 =	vmin.f32 v35, v16  }
0xe8: {  	v46 =	vor.u32 s3, v0;
	v8 =	vsub.f32 v42, v8;
	vm8 =	vgt.f32 v16, v11  }
0xe9: {  	s4 =	sadd.s32 $0xFFFFFFF0, s13;
	v9 =	vmul.f32 v44, v44;
	v10 =	vmul.f32 v45, v45;
	v11 =	vsel vm8, v16, v11  }
0xea: {  	v33 =	vld [tilespmem:s6+$0x30];
	v47 =	vor.u32 s4, v0;
	v18 =	vsel vm10, v46, v18;
	vm9 =	vgt.f32 v20, v11  }
0xeb: {  	v8 =	vmul.f32 v8, v8;
	v9 =	vadd.f32 v10, v9;
	v11 =	vsel vm9, v20, v11  }
0xec: {  	v48 =	vsel vm7, v47, v18;
	vm7 =	vgt.f32 v19, v11  }
0xed: {  	s7 =	sadd.s32 $0x10, s13;
	v8 =	vadd.f32 v9, v8;
	v11 =	vsel vm7, v19, v11  }
0xee: {  	v49 =	vor.u32 s13, v0;
	v51 =	vor.u32 s7, v0;
	vm14 =	vgt.f32 v17, v11  }
0xef: {  	s8 =	sadd.s32 $0x20, s13;
	v50 =	vsel vm6, v49, v48;
	v8 =	vmin.f32 v33, v8;
	v11 =	vsel vm14, v17, v11  }
0xf0: {  	s9 =	sadd.s32 $0x30, s13;
	v52 =	vor.u32 s8, v0;
	v9 =	vsel vm11, v51, v50;
	vm15 =	vgt.f32 v8, v11  }
0xf1: {  	s10 =	sadd.s32 $0xFFFFFFC0, s11;
	v53 =	vor.u32 s9, v0;
	v9 =	vsel vm12, v52, v9;
	v11 =	vsel vm15, v8, v11  }
0xf2: {  	s12 =	sadd.s32 $0xFFFFFFD0, s11;
	v54 =	vor.u32 s10, v0;
	v9 =	vsel vm13, v53, v9;
	(xrf0) =	vmax.scan.msk.f32 $0xffff, v11  }
0xf3: {  	v55 =	vor.u32 s12, v0;
	s13 =	sadd.s32 $0xFFFFFFE0, s11;
	v9 =	vsel vm4, v54, v9  }
0xf4: {  	s14 =	sadd.s32 $0xFFFFFFF0, s11;
	v56 =	vor.u32 s13, v0;
	v9 =	vsel vm5, v55, v9  }
0xf5: {  	v57 =	vor.u32 s14, v0;
	v9 =	vsel vm3, v56, v9  }
0xf6: {  	s15 =	sadd.s32 $0x10, s11;
	v58 =	vor.u32 s11, v0;
	v9 =	vsel vm8, v57, v9  }
0xf7: {  	s16 =	sadd.s32 $0x20, s11;
	v59 =	vor.u32 s15, v0;
	v9 =	vsel vm9, v58, v9  }
0xf8: {  	s17 =	sadd.s32 $0x30, s11;
	v60 =	vor.u32 s16, v0;
	v9 =	vsel vm7, v59, v9;
	v61, _, _ =	vpop (xrf0)  }
0xf9: {  	v62 =	vor.u32 s17, v0;
	v9 =	vsel vm14, v60, v9;
	v63 =	vbroadcast v61, $0xF  }
0xfa: {  	v9 =	vsel vm15, v62, v9  }
0xfb: {  	v9 =	vxor.u32 $0x80000000, v9;
	vm3 =	veq.f32 v11, v63  }
0xfc: {  	v9 =	vnsel vm3, $0xFFFFFFFF, v9  }
0xfd: {  	(xrf0) =	vmin.scan.msk.u32 $0xffff, v9;
	_ =	sdelay $0x5  }
0xfe: {  	v9, _, _ =	vpop (xrf0)  }
0xff: {  	(v2sf) =	vpush v9, $0xF;
	_ =	sdelay $0xa  }
0x100: {  	[tilespmem:s31+$0xFFFFFFF0] =	vst v15  }
0x101: {  	[tilespmem:s31+$0x30] =	vst v14  }
0x102: {  	[tilespmem:s2+$0xFFFFFFF0] =	vst v12  }
0x103: {  	[tilespmem:s2+$0x30] =	vst v13  }
0x104: {  	s21 =	sshll.u32 s30, $0x5;
	[tilespmem:s6+$0xFFFFFFF0] =	vst v16;
	s20 =	spop (v2sf)  }
0x105: {  	s1 =	sand.u32 $0x20, s21;
	s23 =	rddreg [dreg:$0x8];
	s0 =	sxor.u32 $0x80000000, s20  }
0x106: {  	v7 =	vsel vm1, s0, v7;
	s0 =	sor.u32 s23, s1  }
0x107: {  	s24 =	rddreg [dreg:$0x3];
	[tilespmem:s6+$0x30] =	vst v8;
	v7 =	vsel vm2, v63, v7;
	s0 =	sshll.u32 s0, $0x4  }
0x108: {  	[tilespmem:$0xA400] =	vst v7;
	s0 =	sadd.s32 s0, s24  }
0x109: {  	[spmem:s0] =	stream.linear.scatter [tilespmem:s25], [sflag:$0x1], $0x10, $0x38;
	[tilespmem:$0x10640] =	vst v63  }
0x10a: {  	_ =	swait.ge [sflag:s5], $0x10  }
0x10b: {  	[sflag:s5] =	ssyncset.done $0x0  }
0x10c: {  	[sflag:s5] =	ssyncadd.s32 $0xFFFFFFF0  }
0x10d: {  	[bflag:$0x0] =	sbarrier.arrive $0xFFFF  }
0x10e: {  	s29 =	sshll.u32 s1, $0x4;
	s31 =	rddreg [dreg:$0xf]  }
0x10f: {  	s2 =	simm.s32 $0xA480;
	s0 =	sadd.s32 s29, s31  }
.LBB2_7:
0x110: {  	[tilespmem:s2], [sflag:$0x1] =	stream.linear.gather [spmem:s0], $0x40, $0x38;
	[tilespmem:$0x10640] =	vst v63  }
0x111: {  	_ =	swait.ge [sflag:s5], $0x40  }
0x112: {  	[sflag:s5] =	ssyncset.done $0x0  }
0x113: {  	[sflag:s5] =	ssyncadd.s32 $0xFFFFFFC0  }
0x114: {  	v7 =	vld.idx.msk [tilespmem:v4+s2+$0x0], $0xffff;
	_ =	sdelay $0x4  }
0x115: {  	v7 =	vxor.u32 $0x80000000, v7  }
0x116: {  	(xrf0) =	vmin.scan.msk.u32 $0xffff, v7;
	_ =	sdelay $0x5  }
0x117: {  	v7, _, _ =	vpop (xrf0)  }
0x118: {  	(v2sf) =	vpush v7, $0xF;
	_ =	sdelay $0xe  }
0x119: {  	s1 =	spop (v2sf)  }
0x11a: {  	s1 =	sxor.u32 $0x80000000, s1  }
0x11b: {  	p1 =	slt.s32 s1, s30  }
.Ltmp5:
0x11c: {  	_ = 	snop;
	(pc) =	sbr.rel @p1 .LBB2_7-.Ltmp5, $1  }
0x11d: {  	_ =	sdelay $0x3  }
0x11e: {  	_ =	sdelay $0x3  }
0x11f: {  	v8 =	vld.idx.msk [tilespmem:v3+s2+$0x0], $0xffff;
	_ =	sdelay $0x4  }
0x120: {  	(xrf0) =	vmax.scan.msk.f32 $0xffff, v8;
	_ =	sdelay $0x3  }
0x121: {  	v9 =	vld.idx.msk [tilespmem:v5+s2+$0x0], $0xffff;
	_ =	sdelay $0x1  }
0x122: {  	v7, _, _ =	vpop (xrf0)  }
0x123: {  	v7 =	vbroadcast v7, $0xF;
	_ =	sdelay $0x1  }
0x124: {  	vm3 =	veq.f32 v8, v7;
	v8 =	vxor.u32 $0x80000000, v9  }
0x125: {  	v8 =	vnsel vm3, $0xFFFFFFFF, v8  }
0x126: {  	(xrf0) =	vmin.scan.msk.u32 $0xffff, v8;
	_ =	sdelay $0x5  }
0x127: {  	v8, _, _ =	vpop (xrf0)  }
0x128: {  	(v2sf) =	vpush v8, $0xF;
	_ =	sdelay $0xe  }
0x129: {  	s0 =	spop (v2sf)  }
0x12a: {  	s0 =	sxor.u32 $0x80000000, s0  }
0x12b: {  	v10 =	vmov s0  }
0x12c: {  	s30 =	sadd.s32 $0x1, s30  }
0x12d: {  	p1 =	sne.s32 s30, $0x200  }
.Ltmp6:
0x12e: {  	_ = 	snop;
	(pc) =	sbr.rel @p1 .LBB2_4-.Ltmp6, $4  }
0x12f: {  	_ = 	snop  }
0x130: {  	v9 =	vld.idx.msk [tilespmem:v10+s18+$0x0], $0xffff  }
0x131: {  	v8 =	vld.idx.msk [tilespmem:v10+s19+$0x0], $0xffff  }
0x132: {  	v10 =	vld.idx.msk [tilespmem:v10+s22+$0x0], $0xffff  }
.Ltmp7:
0x133: {  	(pc) =	sbr.rel .LBB2_10-.Ltmp7, $2  }
0x134: {  	_ =	sdelay $0x2  }
0x135: {  	v10 =	vmul.f32 $4.000000000e+00, v7;
	s3 =	simm.s32 $0x0  }
.LBB2_43:
0x136: {  	s3 =	rddreg [dreg:$0x17]  }
.LBB2_51:
0x137: {  	s0 =	sshll.u32 s3, $0x5  }
0x138: {  	v11 =	vmov s0  }
0x139: {  	v11 =	vmul.u32 $0x3, v11;
	_ =	sdelay $0x1  }
0x13a: {  	v16 =	vld.idx.msk [tilespmem:v10+s18+$0x0], $0xffff;
	v15 =	vmul.u32 $0x3, v0;
	v17 =	vbroadcast v11, $0x0  }
0x13b: {  	v18 =	vld.idx.msk [tilespmem:v10+s19+$0x0], $0xffff  }
0x13c: {  	v10 =	vld.idx.msk [tilespmem:v10+s22+$0x0], $0xffff;
	v14 =	vadd.s32 $0x1, v15;
	v19 =	vadd.s32 v15, v17  }
0x13d: {  	v11 =	vadd.s32 $0x2, v15;
	v20 =	vadd.s32 v14, v17  }
0x13e: {  	v17 =	vadd.s32 v11, v17  }
0x13f: {  	v16 =	vsub.f32 v16, v8  }
0x140: {  	s1 =	simm.s32 $0x6E00;
	s0 =	sor.u32 $0x10, s0;
	v18 =	vsub.f32 v18, v9  }
0x141: {  	v10 =	vsub.f32 v10, v7;
	[tilespmem:v19+s1+$0x0] =	vst.idx.msk $0xffff, v16;
	v16 =	vmov s0  }
0x142: {  	[tilespmem:v20+s1+$0x0] =	vst.idx.msk $0xffff, v18;
	v16 =	vmul.u32 $0x3, v16  }
0x143: {  	[tilespmem:v17+s1+$0x0] =	vst.idx.msk $0xffff, v10  }
0x144: {  	(xrf0) =	vmax.scan.msk.f32 $0xffff, v13;
	v10 =	vld.idx.msk [tilespmem:v12+s18+$0x0], $0xffff;
	v13 =	vbroadcast v16, $0x0  }
0x145: {  	v16 =	vld.idx.msk [tilespmem:v12+s19+$0x0], $0xffff  }
0x146: {  	v12 =	vld.idx.msk [tilespmem:v12+s22+$0x0], $0xffff;
	v17 =	vadd.s32 v15, v13  }
0x147: {  	s3 =	sadd.s32 $0x1, s3;
	v63 =	vadd.s32 v14, v13  }
0x148: {  	p1 =	sne.s32 s3, $0x80;
	v13 =	vadd.s32 v11, v13  }
.Ltmp8:
0x149: {  	v8 =	vsub.f32 v10, v8;
	(pc) =	sbr.rel @!p1 .LBB2_52-.Ltmp8, $4  }
0x14a: {  	v9 =	vsub.f32 v16, v9;
	v10, _, _ =	vpop (xrf0)  }
0x14b: {  	v7 =	vsub.f32 v12, v7;
	v10 =	vadd.f32 v10, v10;
	[tilespmem:v17+s1+$0x0] =	vst.idx.msk $0xffff, v8  }
0x14c: {  	[tilespmem:v63+s1+$0x0] =	vst.idx.msk $0xffff, v9  }
0x14d: {  	s2 =	simm.s32 $0x6E00;
	v10 =	vbroadcast v10, $0xF;
	[tilespmem:v13+s1+$0x0] =	vst.idx.msk $0xffff, v7  }
.LBB2_10:
0x14e: {  	s0 =	rddreg [dreg:$0xa]  }
0x14f: {  	s0 =	sor.u32 s0, s3  }
0x150: {  	v9 =	vmov s0;
	_ =	sdelay $0x1  }
0x151: {  	[dreg:$0x17] =	wrdreg s3;
	s7 =	simm.s32 $0x40  }
0x152: {  	s1 =	simm.s32 $0x4040;
	v11 =	vld [tilespmem:s7+$0x0]  }
0x153: {  	v12 =	vld [tilespmem:s1+$0x0]  }
0x154: {  	s30 =	simm.s32 $0x6C00;
	v8 =	vld.idx.msk [tilespmem:v9+s26+$0x0], $0xffff  }
0x155: {  	s4 =	simm.s32 $0x2040;
	v7 =	vld.idx.msk [tilespmem:v9+s30+$0x0], $0xffff  }
0x156: {  	v13 =	vld [tilespmem:s4+$0x0]  }
0x157: {  	v9 =	vld.idx.msk [tilespmem:v9+s28+$0x0], $0xffff;
	_ =	sdelay $0x2  }
0x158: {  	v11 =	vsub.f32 v11, v8;
	v12 =	vsub.f32 v12, v7;
	_ =	sdelay $0x1  }
0x159: {  	v14 =	vld [tilespmem:s1+$0xFFFFFFC0];
	v13 =	vsub.f32 v13, v9;
	v11 =	vmul.f32 v11, v11;
	v12 =	vmul.f32 v12, v12  }
0x15a: {  	v15 =	vld [tilespmem:s7+$0xFFFFFFC0]  }
0x15b: {  	v11 =	vadd.f32 v12, v11;
	v12 =	vmul.f32 v13, v13  }
0x15c: {  	v13 =	vld [tilespmem:s4+$0xFFFFFFC0]  }
0x15d: {  	v11 =	vadd.f32 v11, v12  }
0x15e: {  	s31 =	simm.s32 $0xA540  }
0x15f: {  	v14 =	vsub.f32 v14, v7;
	v12 =	vsub.f32 v15, v8;
	[tilespmem:s31+$0x0] =	vst v11  }
0x160: {  	v15 =	vld [tilespmem:s1+$0x10]  }
0x161: {  	v14 =	vmul.f32 v14, v14;
	v12 =	vmul.f32 v12, v12;
	v13 =	vsub.f32 v13, v9;
	v16 =	vld [tilespmem:s7+$0x10];
	_ =	sdelay $0x1  }
0x162: {  	v12 =	vadd.f32 v14, v12;
	v14 =	vld [tilespmem:s4+$0x10];
	v13 =	vmul.f32 v13, v13;
	_ =	sdelay $0x1  }
0x163: {  	v12 =	vadd.f32 v12, v13  }
0x164: {  	v13 =	vsub.f32 v15, v7;
	v15 =	vsub.f32 v16, v8  }
0x165: {  	s8 =	simm.s32 $0xC0  }
0x166: {  	v17 =	vld [tilespmem:s8+$0x0];
	v14 =	vsub.f32 v14, v9;
	v13 =	vmul.f32 v13, v13;
	v15 =	vmul.f32 v15, v15  }
0x167: {  	s2 =	simm.s32 $0x40C0;
	v18 =	vld [tilespmem:s8+$0xFFFFFFC0]  }
0x168: {  	s6 =	simm.s32 $0x20C0;
	v14 =	vmul.f32 v14, v14;
	v13 =	vadd.f32 v13, v15;
	v15 =	vld [tilespmem:s2+$0xFFFFFFC0]  }
0x169: {  	v19 =	vld [tilespmem:s6+$0xFFFFFFC0]  }
0x16a: {  	v13 =	vadd.f32 v13, v14;
	v14 =	vld [tilespmem:s2+$0x0]  }
0x16b: {  	v21 =	vld [tilespmem:s6+$0x0];
	[tilespmem:s31+$0xFFFFFFC0] =	vst v12  }
0x16c: {  	v16 =	vld [tilespmem:s7+$0xFFFFFFD0];
	[tilespmem:s31+$0x10] =	vst v13  }
0x16d: {  	v18 =	vsub.f32 v18, v8;
	v20 =	vld [tilespmem:s7+$0x20];
	v15 =	vsub.f32 v15, v7  }
0x16e: {  	v17 =	vsub.f32 v17, v8;
	v22 =	vld [tilespmem:s1+$0x20]  }
0x16f: {  	v18 =	vmul.f32 v18, v18;
	v23 =	vld [tilespmem:s4+$0x20];
	v14 =	vsub.f32 v14, v7;
	v15 =	vmul.f32 v15, v15  }
0x170: {  	v19 =	vsub.f32 v19, v9;
	v17 =	vmul.f32 v17, v17;
	v24 =	vld [tilespmem:s1+$0xFFFFFFD0]  }
0x171: {  	v25 =	vld [tilespmem:s4+$0xFFFFFFD0];
	v16 =	vsub.f32 v16, v8;
	v14 =	vmul.f32 v14, v14;
	v15 =	vadd.f32 v15, v18  }
0x172: {  	v18 =	vmul.f32 v19, v19;
	v19 =	vsub.f32 v21, v9;
	v20 =	vsub.f32 v20, v8  }
0x173: {  	v14 =	vadd.f32 v14, v17;
	v17 =	vsub.f32 v22, v7  }
0x174: {  	v21 =	vsub.f32 v23, v9;
	v15 =	vadd.f32 v15, v18;
	v18 =	vmul.f32 v19, v19  }
0x175: {  	s11 =	simm.s32 $0x140;
	v19 =	vmul.f32 v20, v20;
	v20 =	vsub.f32 v24, v7;
	v17 =	vmul.f32 v17, v17  }
0x176: {  	s9 =	simm.s32 $0x4140;
	v26 =	vld [tilespmem:s11+$0xFFFFFFC0];
	s0 =	simm.s32 $0xA5C0;
	v16 =	vmul.f32 v16, v16;
	v22 =	vsub.f32 v25, v9;
	v14 =	vadd.f32 v14, v18  }
0x177: {  	v25 =	vld [tilespmem:s9+$0xFFFFFFC0];
	[tilespmem:s0+$0xFFFFFFC0] =	vst v15;
	v20 =	vmul.f32 v20, v20;
	v17 =	vadd.f32 v17, v19;
	v19 =	vmul.f32 v21, v21  }
0x178: {  	v21 =	vld [tilespmem:s6+$0xFFFFFFD0];
	[tilespmem:s0+$0x0] =	vst v14  }
0x179: {  	v22 =	vmul.f32 v22, v22;
	v16 =	vadd.f32 v20, v16;
	v20 =	vld [tilespmem:s8+$0x10];
	v17 =	vadd.f32 v17, v19  }
0x17a: {  	v19 =	vld [tilespmem:s2+$0x10]  }
0x17b: {  	vm4 =	vle.f32 v12, v10;
	v23 =	vld [tilespmem:s6+$0x10];
	v16 =	vadd.f32 v16, v22;
	[tilespmem:s31+$0x20] =	vst v17  }
0x17c: {  	v26 =	vsub.f32 v26, v8;
	vm5 =	vle.f32 v11, v10;
	vm7 =	vmmov vm4;
	v24 =	vld [tilespmem:s7+$0x30]  }
0x17d: {  	vm4 =	vmmov vm5;
	vm12 =	vmmov vm7;
	vm3 =	vle.f32 v13, v10;
	[tilespmem:s31+$0xFFFFFFD0] =	vst v16;
	v11 =	vld [tilespmem:s1+$0x30]  }
0x17e: {  	vm5 =	vle.f32 v15, v10;
	vm6 =	vle.f32 v14, v10;
	v15 =	vsub.f32 v21, v9;
	v12 =	vld [tilespmem:s7+$0xFFFFFFE0]  }
0x17f: {  	vm8 =	vle.f32 v17, v10;
	v14 =	vsub.f32 v20, v8;
	v17 =	vld [tilespmem:s4+$0xFFFFFFE0];
	v19 =	vsub.f32 v19, v7  }
0x180: {  	v28 =	vsel vm4, $0x1, v6;
	vm3 =	vmmov vm3;
	v21 =	vmul.f32 v15, v15;
	v15 =	vld [tilespmem:s1+$0xFFFFFFE0]  }
0x181: {  	v13 =	vld [tilespmem:s4+$0x30];
	v20 =	vsub.f32 v23, v9;
	v14 =	vmul.f32 v14, v14;
	v19 =	vmul.f32 v19, v19  }
0x182: {  	vm7 =	vmmov vm5;
	v25 =	vsub.f32 v25, v7;
	v11 =	vsub.f32 v11, v7  }
0x183: {  	v23 =	vld [tilespmem:s11+$0x0];
	v20 =	vmul.f32 v20, v20;
	v24 =	vsub.f32 v24, v8;
	v14 =	vadd.f32 v19, v14  }
0x184: {  	v18 =	vld [tilespmem:s8+$0xFFFFFFD0];
	v12 =	vsub.f32 v12, v8;
	v19 =	vmul.f32 v11, v11;
	v11 =	vsub.f32 v17, v9  }
0x185: {  	vm4 =	vmmov vm6;
	v17 =	vld [tilespmem:s9+$0x0];
	v15 =	vsub.f32 v15, v7;
	v14 =	vadd.f32 v14, v20  }
0x186: {  	s13 =	simm.s32 $0x2140;
	v22 =	vimm.s32 $0x0;
	v13 =	vsub.f32 v13, v9;
	v20 =	vmul.f32 v24, v24  }
0x187: {  	v12 =	vmul.f32 v12, v12;
	v24 =	vld [tilespmem:s13+$0xFFFFFFC0];
	[tilespmem:s0+$0x10] =	vst v14;
	vm10 =	vle.f32 v14, v10;
	v14 =	vmul.f32 v15, v15  }
0x188: {  	vm9 =	vle.f32 v16, v10;
	v15 =	vadd.f32 v19, v20;
	v19 =	vsub.f32 v23, v8;
	v23 =	vld [tilespmem:s13+$0x0]  }
0x189: {  	v13 =	vmul.f32 v13, v13;
	v16 =	vmul.f32 v11, v11;
	v20 =	vld [tilespmem:s8+$0x20];
	v12 =	vadd.f32 v14, v12  }
0x18a: {  	v25 =	vmul.f32 v25, v25;
	v18 =	vsub.f32 v18, v8;
	v14 =	vld [tilespmem:s2+$0x20];
	v17 =	vsub.f32 v17, v7  }
0x18b: {  	v27 =	vadd.f32 v15, v13;
	v15 =	vmul.f32 v26, v26;
	v12 =	vadd.f32 v12, v16  }
0x18c: {  	v19 =	vmul.f32 v19, v19;
	v13 =	vld [tilespmem:s6+$0x20];
	v24 =	vsub.f32 v24, v9;
	v16 =	vmul.f32 v17, v17  }
0x18d: {  	v18 =	vmul.f32 v18, v18;
	v11 =	vsel vm8, $0x1, v6;
	v17 =	vld [tilespmem:s2+$0xFFFFFFD0];
	v15 =	vadd.f32 v25, v15;
	[tilespmem:s31+$0xFFFFFFE0] =	vst v12  }
0x18e: {  	v24 =	vmul.f32 v24, v24;
	v20 =	vsub.f32 v20, v8;
	v16 =	vadd.f32 v16, v19;
	v19 =	vld [tilespmem:s7+$0xFFFFFFF0]  }
0x18f: {  	vm11 =	vle.f32 v12, v10;
	v12 =	vsub.f32 v23, v9;
	v14 =	vsub.f32 v14, v7;
	v23 =	vld [tilespmem:s1+$0xFFFFFFF0]  }
0x190: {  	vm8 =	vmmov vm3;
	v15 =	vadd.f32 v15, v24;
	v24 =	vld [tilespmem:s4+$0xFFFFFFF0];
	v20 =	vmul.f32 v20, v20  }
0x191: {  	vm3 =	vmmov vm10;
	v12 =	vmul.f32 v12, v12;
	v14 =	vmul.f32 v14, v14  }
0x192: {  	vm10 =	vle.f32 v27, v10;
	v13 =	vsub.f32 v13, v9;
	v17 =	vsub.f32 v17, v7  }
0x193: {  	s1 =	simm.s32 $0xA640;
	vm5 =	vle.f32 v15, v10;
	v12 =	vadd.f32 v16, v12;
	v14 =	vadd.f32 v14, v20  }
0x194: {  	[tilespmem:s1+$0xFFFFFFC0] =	vst v15;
	v13 =	vmul.f32 v13, v13;
	v16 =	vsub.f32 v19, v8;
	v15 =	vsub.f32 v23, v7  }
0x195: {  	v17 =	vmul.f32 v17, v17;
	v19 =	vld [tilespmem:s13+$0xFFFFFFD0];
	[tilespmem:s1+$0x0] =	vst v12;
	v20 =	vsub.f32 v24, v9;
	vm6 =	vle.f32 v12, v10  }
0x196: {  	v12 =	vld [tilespmem:s13+$0x10];
	v13 =	vadd.f32 v14, v13;
	v16 =	vmul.f32 v16, v16;
	v14 =	vmul.f32 v15, v15  }
0x197: {  	v23 =	vld [tilespmem:s9+$0x10];
	v17 =	vadd.f32 v17, v18;
	v18 =	vsel vm12, $0x1, v6;
	v15 =	vsel vm8, $0x1, v6  }
0x198: {  	v24 =	vld [tilespmem:s11+$0x10];
	v20 =	vmul.f32 v20, v20;
	vm8 =	vle.f32 v13, v10;
	v16 =	vadd.f32 v14, v16  }
0x199: {  	v25 =	vld [tilespmem:s11+$0xFFFFFFD0];
	[tilespmem:s0+$0x20] =	vst v13;
	v13 =	vadd.f32 v17, v21;
	v17 =	vadd.s32 v18, v22;
	v18 =	vsel vm9, $0x1, v6  }
0x19a: {  	v21 =	vsel vm11, $0x1, v6;
	v18 =	vadd.s32 v18, v17;
	v17 =	vld [tilespmem:s8+$0x30];
	v22 =	vadd.f32 v16, v20  }
0x19b: {  	v19 =	vsub.f32 v19, v9;
	v26 =	vadd.s32 v21, v18;
	[tilespmem:s0+$0xFFFFFFD0] =	vst v13;
	v18 =	vld [tilespmem:s2+$0x30];
	v16 =	vsel vm10, $0x1, v6  }
0x19c: {  	v21 =	vsub.f32 v12, v9;
	v23 =	vsub.f32 v23, v7;
	v20 =	vld [tilespmem:s8+$0xFFFFFFE0];
	vm9 =	vle.f32 v22, v10  }
0x19d: {  	[tilespmem:s31+$0x30] =	vst v27;
	v14 =	vld [tilespmem:s6+$0x30];
	v24 =	vsub.f32 v24, v8;
	v12 =	vmul.f32 v19, v19;
	v29 =	vsel vm9, $0x1, v6  }
0x19e: {  	s10 =	simm.s32 $0x21C0;
	s12 =	simm.s32 $0x41C0;
	v23 =	vmul.f32 v23, v23;
	v21 =	vmul.f32 v21, v21;
	[tilespmem:s31+$0xFFFFFFF0] =	vst v22;
	v22 =	vld [tilespmem:s6+$0xFFFFFFE0];
	v27 =	vadd.s32 v29, v26  }
0x19f: {  	s3 =	simm.s32 $0xA640;
	s7 =	simm.s32 $0x10;
	s4 =	simm.s32 $0x1C0;
	v19 =	vld [tilespmem:s2+$0xFFFFFFE0];
	v26 =	vsub.f32 v25, v8;
	v25 =	vmul.f32 v24, v24;
	v24 =	vadd.s32 v28, v27  }
.LBB2_11:
0x1a0: {  	v27 =	vld [tilespmem:s4+$0x0];
	s7 =	sadd.s32 $0x8, s7;
	v17 =	vsub.f32 v17, v8;
	v18 =	vsub.f32 v18, v7;
	v15 =	vadd.s32 v15, v24  }
0x1a1: {  	v24 =	vld [tilespmem:s12+$0xFFFFFFC0];
	p1 =	slt.u32 s7, $0x1F8;
	v26 =	vmul.f32 v26, v26;
	v20 =	vsub.f32 v20, v8;
	v11 =	vadd.s32 v11, v15  }
0x1a2: {  	v23 =	vadd.f32 v23, v25;
	v15 =	vld [tilespmem:s4+$0xFFFFFFC0];
	v18 =	vmul.f32 v18, v18;
	v16 =	vadd.s32 v16, v11  }
0x1a3: {  	v14 =	vsub.f32 v14, v9;
	v25 =	vld [tilespmem:s10+$0x0];
	v11 =	vsub.f32 v22, v9;
	v20 =	vmul.f32 v20, v20  }
0x1a4: {  	v19 =	vsub.f32 v19, v7;
	v17 =	vmul.f32 v17, v17;
	v21 =	vadd.f32 v23, v21;
	v22 =	vld [tilespmem:s12+$0x0]  }
0x1a5: {  	vm9 =	vle.f32 v13, v10;
	v13 =	vmul.f32 v11, v11;
	v11 =	vsel vm8, $0x1, v6  }
0x1a6: {  	v19 =	vmul.f32 v19, v19;
	v17 =	vadd.f32 v18, v17;
	vm10 =	vle.f32 v21, v10;
	v23 =	vld [tilespmem:s10+$0xFFFFFFC0];
	[tilespmem:s1+$0x10] =	vst v21  }
0x1a7: {  	v14 =	vmul.f32 v14, v14;
	v18 =	vsub.f32 v27, v8;
	vm8 =	vmmov vm3;
	v21 =	vld [tilespmem:s11+$0x20]  }
0x1a8: {  	v19 =	vadd.f32 v19, v20;
	vm3 =	vmmov vm10;
	v15 =	vsub.f32 v15, v8;
	v27 =	vld [tilespmem:s9+$0x20]  }
0x1a9: {  	v14 =	vadd.f32 v17, v14;
	v18 =	vmul.f32 v18, v18;
	v20 =	vsub.f32 v22, v7  }
0x1aa: {  	vm11 =	vmmov vm7;
	v17 =	vsub.f32 v24, v7;
	v13 =	vadd.f32 v19, v13;
	v22 =	vld [tilespmem:s13+$0x20]  }
0x1ab: {  	vm10 =	vle.f32 v14, v10;
	v15 =	vmul.f32 v15, v15;
	v19 =	vmul.f32 v20, v20;
	v20 =	vld [tilespmem:s9+$0xFFFFFFD0];
	[tilespmem:s0+$0x30] =	vst v14  }
0x1ac: {  	s1 =	sadd.s32 $0x80, s1;
	v17 =	vmul.f32 v17, v17;
	v14 =	vsub.f32 v23, v9;
	v21 =	vsub.f32 v21, v8;
	[tilespmem:s0+$0xFFFFFFE0] =	vst v13  }
0x1ad: {  	vm12 =	vle.f32 v13, v10;
	v18 =	vadd.f32 v19, v18;
	v19 =	vsub.f32 v27, v7;
	v13 =	vld [tilespmem:s8+$0xFFFFFFF0];
	s8 =	smov.u32 s11;
	s11 =	smov.u32 s4  }
0x1ae: {  	v15 =	vadd.f32 v17, v15;
	v17 =	vsub.f32 v25, v9;
	v14 =	vmul.f32 v14, v14;
	v23 =	vld [tilespmem:s2+$0xFFFFFFF0];
	s2 =	smov.u32 s9;
	s9 =	smov.u32 s12  }
0x1af: {  	v21 =	vmul.f32 v21, v21;
	v22 =	vsub.f32 v22, v9;
	v19 =	vmul.f32 v19, v19;
	v24 =	vld [tilespmem:s6+$0xFFFFFFF0];
	s6 =	smov.u32 s13;
	s13 =	smov.u32 s10  }
0x1b0: {  	v14 =	vadd.f32 v15, v14;
	v15 =	vmul.f32 v17, v17;
	v17 =	vsub.f32 v20, v7  }
0x1b1: {  	vm7 =	vmmov vm5;
	v27 =	vsel vm4, $0x1, v6;
	vm4 =	vmmov vm6  }
0x1b2: {  	vm5 =	vle.f32 v14, v10;
	[tilespmem:s1+$0xFFFFFFC0] =	vst v14;
	v14 =	vadd.f32 v18, v15;
	v13 =	vsub.f32 v13, v8  }
0x1b3: {  	v15 =	vadd.f32 v19, v21;
	v18 =	vmul.f32 v22, v22;
	v25 =	vld [tilespmem:s4+$0xFFFFFFD0];
	v19 =	vsub.f32 v23, v7  }
0x1b4: {  	v17 =	vmul.f32 v17, v17;
	v20 =	vld [tilespmem:s10+$0xFFFFFFD0];
	[tilespmem:s1+$0x0] =	vst v14;
	v21 =	vsub.f32 v24, v9;
	v13 =	vmul.f32 v13, v13  }
0x1b5: {  	vm6 =	vle.f32 v14, v10;
	v14 =	vadd.f32 v15, v18;
	v22 =	vld [tilespmem:s10+$0x10];
	v18 =	vmul.f32 v19, v19  }
0x1b6: {  	v23 =	vsel vm11, $0x1, v6;
	v17 =	vadd.f32 v17, v26;
	v15 =	vsel vm8, $0x1, v6;
	v19 =	vld [tilespmem:s12+$0x10]  }
0x1b7: {  	vm8 =	vle.f32 v14, v10;
	v21 =	vmul.f32 v21, v21;
	v24 =	vld [tilespmem:s4+$0x10];
	[tilespmem:s3+$0x20] =	vst v14;
	v18 =	vadd.f32 v18, v13  }
0x1b8: {  	v13 =	vadd.f32 v17, v12;
	v12 =	vadd.s32 v23, v16;
	v16 =	vsel vm9, $0x1, v6;
	v14 =	vld [tilespmem:s6+$0x30]  }
0x1b9: {  	v12 =	vadd.s32 v16, v12;
	v16 =	vsel vm12, $0x1, v6;
	v17 =	vld [tilespmem:s8+$0x30];
	v21 =	vadd.f32 v18, v21  }
.Ltmp9:
0x1ba: {  	v23 =	vsub.f32 v20, v9;
	v26 =	vadd.s32 v16, v12;
	v16 =	vsel vm10, $0x1, v6;
	[tilespmem:s3+$0xFFFFFFD0] =	vst v13;
	v18 =	vld [tilespmem:s2+$0x30];
	(pc) =	sbr.rel @p1 .LBB2_11-.Ltmp9, $4  }
0x1bb: {  	v22 =	vsub.f32 v22, v9;
	v28 =	vsub.f32 v19, v7;
	v20 =	vld [tilespmem:s8+$0xFFFFFFE0];
	[tilespmem:s0+$0xFFFFFFF0] =	vst v21;
	vm9 =	vle.f32 v21, v10;
	s0 =	smov.u32 s3;
	s3 =	smov.u32 s1  }
0x1bc: {  	v12 =	vmul.f32 v23, v23;
	v24 =	vsub.f32 v24, v8;
	v19 =	vld [tilespmem:s2+$0xFFFFFFE0];
	v29 =	vsel vm9, $0x1, v6  }
0x1bd: {  	v21 =	vmul.f32 v22, v22;
	v23 =	vmul.f32 v28, v28;
	v22 =	vld [tilespmem:s6+$0xFFFFFFE0];
	v28 =	vadd.s32 v29, v26  }
0x1be: {  	s10 =	sadd.s32 $0x80, s10;
	s12 =	sadd.s32 $0x80, s12;
	s4 =	sadd.s32 $0x80, s4;
	v26 =	vsub.f32 v25, v8;
	v25 =	vmul.f32 v24, v24;
	v24 =	vadd.s32 v27, v28  }
0x1bf: {  	v27 =	vld [tilespmem:s9+$0xFFFFFFD0];
	_ =	sdelay $0x4  }
0x1c0: {  	v27 =	vsub.f32 v27, v7;
	_ =	sdelay $0x1  }
0x1c1: {  	v23 =	vadd.f32 v23, v25;
	v49 =	vmul.f32 v26, v26;
	v50 =	vmul.f32 v27, v27;
	_ =	sdelay $0x1  }
0x1c2: {  	v21 =	vadd.f32 v23, v21;
	v51 =	vadd.f32 v50, v49  }
0x1c3: {  	v20 =	vsub.f32 v20, v8  }
0x1c4: {  	v19 =	vsub.f32 v19, v7;
	[tilespmem:s1+$0x10] =	vst v21;
	v12 =	vadd.f32 v51, v12  }
0x1c5: {  	v52 =	vld [tilespmem:s11+$0x20]  }
0x1c6: {  	v22 =	vsub.f32 v22, v9;
	v20 =	vmul.f32 v20, v20;
	v19 =	vmul.f32 v19, v19;
	v53 =	vld [tilespmem:s9+$0x20];
	[tilespmem:s3+$0xFFFFFFD0] =	vst v12  }
0x1c7: {  	v17 =	vsub.f32 v17, v8;
	v18 =	vsub.f32 v18, v7;
	v55 =	vld [tilespmem:s11+$0xFFFFFFE0]  }
0x1c8: {  	v22 =	vmul.f32 v22, v22;
	v19 =	vadd.f32 v19, v20;
	v56 =	vld [tilespmem:s9+$0xFFFFFFE0]  }
0x1c9: {  	v15 =	vadd.s32 v15, v24;
	v18 =	vmul.f32 v18, v18;
	v17 =	vmul.f32 v17, v17;
	v54 =	vld [tilespmem:s13+$0x20]  }
0x1ca: {  	v14 =	vsub.f32 v14, v9;
	vm9 =	vle.f32 v13, v10;
	v19 =	vadd.f32 v19, v22;
	v58 =	vld [tilespmem:s13+$0xFFFFFFE0]  }
0x1cb: {  	v34 =	vsel vm8, $0x1, v6;
	vm10 =	vmmov vm3;
	v59 =	vadd.f32 v18, v17  }
0x1cc: {  	vm7 =	vmmov vm7;
	[tilespmem:s0+$0xFFFFFFE0] =	vst v19;
	v60 =	vsub.f32 v52, v8;
	v62 =	vsub.f32 v53, v7  }
0x1cd: {  	v11 =	vadd.s32 v11, v15;
	v57 =	vld [tilespmem:s8+$0xFFFFFFF0];
	v22 =	vsub.f32 v55, v8;
	v29 =	vsub.f32 v56, v7  }
0x1ce: {  	v61 =	vld [tilespmem:s2+$0xFFFFFFF0];
	v63 =	vsub.f32 v54, v9;
	v17 =	vmul.f32 v60, v60;
	v13 =	vmul.f32 v62, v62  }
0x1cf: {  	v15 =	vsub.f32 v58, v9;
	v22 =	vmul.f32 v22, v22;
	v25 =	vmul.f32 v29, v29  }
0x1d0: {  	v44 =	vsel vm4, $0x1, v6;
	v28 =	vld [tilespmem:s6+$0xFFFFFFF0];
	v30 =	vmul.f32 v63, v63;
	v13 =	vadd.f32 v13, v17  }
0x1d1: {  	vm5 =	vmmov vm5;
	v15 =	vmul.f32 v15, v15;
	v22 =	vadd.f32 v25, v22  }
0x1d2: {  	vm11 =	vmmov vm6;
	v24 =	vsub.f32 v57, v8;
	v13 =	vadd.f32 v13, v30  }
0x1d3: {  	v38 =	vsel vm7, $0x1, v6;
	v18 =	vsub.f32 v61, v7;
	v15 =	vadd.f32 v22, v15  }
0x1d4: {  	v40 =	vsel vm9, $0x1, v6;
	v11 =	vadd.s32 v16, v11;
	v14 =	vmul.f32 v14, v14;
	[tilespmem:s3+$0x20] =	vst v13  }
0x1d5: {  	v31 =	vsub.f32 v28, v9;
	v32 =	vmul.f32 v24, v24;
	v33 =	vmul.f32 v18, v18;
	v37 =	vld [tilespmem:s11+$0x30];
	[tilespmem:s3+$0xFFFFFFE0] =	vst v15  }
0x1d6: {  	v47 =	vsel vm10, $0x1, v6;
	v11 =	vadd.s32 v38, v11;
	vm13 =	vle.f32 v21, v10;
	v39 =	vld [tilespmem:s11+$0xFFFFFFF0]  }
0x1d7: {  	v14 =	vadd.f32 v59, v14;
	v36 =	vmul.f32 v31, v31;
	v35 =	vadd.f32 v33, v32;
	v41 =	vld [tilespmem:s9+$0xFFFFFFF0]  }
0x1d8: {  	vm5 =	vmmov vm5;
	v11 =	vadd.s32 v40, v11;
	vm3 =	vmmov vm13;
	v43 =	vld [tilespmem:s9+$0x30]  }
0x1d9: {  	vm14 =	vle.f32 v14, v10;
	vm15 =	vle.f32 v19, v10;
	v16 =	vadd.f32 v35, v36;
	v46 =	vld [tilespmem:s13+$0xFFFFFFF0]  }
0x1da: {  	v49 =	vsel vm14, $0x1, v6;
	v42 =	vsel vm15, $0x1, v6;
	vm12 =	vle.f32 v12, v10;
	v48 =	vld [tilespmem:s13+$0x30]  }
0x1db: {  	v11 =	vadd.s32 v42, v11;
	v57 =	vsel vm12, $0x1, v6;
	vm9 =	vle.f32 v16, v10  }
0x1dc: {  	v45 =	vsel vm9, $0x1, v6;
	v17 =	vsub.f32 v39, v8;
	v50 =	vsub.f32 v41, v7  }
0x1dd: {  	v56 =	vsel vm5, $0x1, v6;
	v20 =	vsub.f32 v37, v8;
	v11 =	vadd.s32 v45, v11  }
0x1de: {  	v52 =	vsub.f32 v46, v9;
	v17 =	vmul.f32 v17, v17;
	v19 =	vmul.f32 v50, v50  }
0x1df: {  	v51 =	vsub.f32 v43, v7;
	v53 =	vsub.f32 v48, v9;
	v11 =	vadd.s32 v44, v11  }
0x1e0: {  	v11 =	vadd.s32 v47, v11;
	v18 =	vmul.f32 v52, v52;
	v17 =	vadd.f32 v19, v17  }
0x1e1: {  	v21 =	vmul.f32 v51, v51;
	v20 =	vmul.f32 v20, v20;
	v11 =	vadd.s32 v34, v11  }
0x1e2: {  	vm13 =	vle.f32 v15, v10;
	v11 =	vadd.s32 v49, v11;
	v17 =	vadd.f32 v17, v18  }
0x1e3: {  	v55 =	vmul.f32 v53, v53;
	v58 =	vsel vm13, $0x1, v6;
	v11 =	vadd.s32 v56, v11  }
0x1e4: {  	v54 =	vadd.f32 v21, v20;
	v11 =	vadd.s32 v57, v11;
	vm14 =	vle.f32 v17, v10  }
0x1e5: {  	vm3 =	vmmov vm3;
	v11 =	vadd.s32 v58, v11;
	v59 =	vsel vm14, $0x1, v6  }
0x1e6: {  	v60 =	vsel vm11, $0x1, v6;
	v12 =	vadd.f32 v54, v55;
	v11 =	vadd.s32 v59, v11  }
0x1e7: {  	v61 =	vsel vm3, $0x1, v6;
	vm15 =	vle.f32 v13, v10;
	v11 =	vadd.s32 v60, v11  }
0x1e8: {  	v62 =	vsel vm15, $0x1, v6;
	vm3 =	vle.f32 v12, v10;
	v11 =	vadd.s32 v61, v11  }
0x1e9: {  	v63 =	vsel vm3, $0x1, v6;
	v11 =	vadd.s32 v62, v11  }
0x1ea: {  	v11 =	vadd.s32 v63, v11  }
0x1eb: {  	(xrf0) =	vadd.scan.msk.s32 $0xffff, v11;
	_ =	sdelay $0x5  }
0x1ec: {  	v11, _, _ =	vpop (xrf0)  }
0x1ed: {  	(v2sf) =	vpush v11, $0xF;
	_ =	sdelay $0xe  }
0x1ee: {  	s31 =	spop (v2sf)  }
0x1ef: {  	p1 =	slt.s32 s31, $0x20  }
.Ltmp10:
0x1f0: {  	_ = 	snop;
	(pc) =	sbr.rel @!p1 .LBB2_13-.Ltmp10, $4  }
0x1f1: {  	[tilespmem:s0+$0x30] =	vst v14  }
0x1f2: {  	[tilespmem:s0+$0xFFFFFFF0] =	vst v16  }
0x1f3: {  	[tilespmem:s3+$0x30] =	vst v12  }
0x1f4: {  	[tilespmem:s3+$0xFFFFFFF0] =	vst v17  }
.LBB2_17:
0x1f5: {  	s1 =	simm.s32 $0x0  }
0x1f6: {  	v13 =	vld [tilespmem:s1+$0xA500]  }
0x1f7: {  	v10 =	vmul.f32 $4.000000000e+00, v10;
	v14 =	vld [tilespmem:s1+$0xA510]  }
0x1f8: {  	v11 =	vld [tilespmem:s1+$0xA520]  }
0x1f9: {  	v12 =	vld [tilespmem:s1+$0xA530];
	v10 =	vadd.f32 $1.000000000e-30, v10  }
0x1fa: {  	v15 =	vimm.s32 $0x0;
	s0 =	simm.s32 $0x100  }
.LBB2_18:
0x1fb: {  	s1 =	sshra.s32 s0, $0x2;
	p1 =	sne.s32 s0, $0x7F00;
	s0 =	sadd.s32 $0x100, s0;
	vm3 =	vle.f32 v13, v10  }
.Ltmp11:
0x1fc: {  	v13 =	vld [tilespmem:s1+$0xA500];
	v16 =	vsel vm3, $0x1, v6;
	vm3 =	vle.f32 v14, v10;
	(pc) =	sbr.rel @p1 .LBB2_18-.Ltmp11, $4  }
0x1fd: {  	v14 =	vld [tilespmem:s1+$0xA510];
	v15 =	vadd.s32 v16, v15;
	v16 =	vsel vm3, $0x1, v6;
	vm3 =	vle.f32 v11, v10  }
0x1fe: {  	v11 =	vld [tilespmem:s1+$0xA520];
	v15 =	vadd.s32 v16, v15;
	v16 =	vsel vm3, $0x1, v6;
	vm3 =	vle.f32 v12, v10  }
0x1ff: {  	v12 =	vld [tilespmem:s1+$0xA530];
	v15 =	vadd.s32 v16, v15;
	v16 =	vsel vm3, $0x1, v6  }
0x200: {  	v15 =	vadd.s32 v16, v15  }
0x201: {  	vm3 =	vle.f32 v13, v10  }
0x202: {  	v13 =	vsel vm3, $0x1, v6;
	vm3 =	vle.f32 v14, v10  }
0x203: {  	v13 =	vadd.s32 v13, v15;
	v14 =	vsel vm3, $0x1, v6;
	vm3 =	vle.f32 v11, v10  }
0x204: {  	v11 =	vadd.s32 v14, v13;
	v63 =	vsel vm3, $0x1, v6;
	vm3 =	vle.f32 v12, v10  }
0x205: {  	v11 =	vadd.s32 v63, v11;
	v12 =	vsel vm3, $0x1, v6  }
0x206: {  	v11 =	vadd.s32 v12, v11  }
0x207: {  	(xrf0) =	vadd.scan.msk.s32 $0xffff, v11;
	_ =	sdelay $0x5  }
0x208: {  	v11, _, _ =	vpop (xrf0)  }
0x209: {  	(v2sf) =	vpush v11, $0xF;
	_ =	sdelay $0xe  }
0x20a: {  	s0 =	spop (v2sf)  }
0x20b: {  	p1 =	slt.s32 s0, $0x20  }
.Ltmp12:
0x20c: {  	_ = 	snop;
	(pc) =	sbr.rel @p1 .LBB2_17-.Ltmp12, $1  }
0x20d: {  	_ =	sdelay $0x3  }
.LBB2_13:
0x20e: {  	s1 =	simm.s32 $0xA500  }
0x20f: {  	v11 =	vld [tilespmem:s1+$0x0];
	_ =	sdelay $0x4  }
0x210: {  	vm3 =	vle.f32 v11, v10  }
0x211: {  	v12 =	vmpcnt.ones.xlane vm3;
	_ =	sdelay $0x1  }
0x212: {  	(v2sf) =	vpush v12, $0x0;
	_ =	sdelay $0x6  }
0x213: {  	v12 =	vld [tilespmem:s1+$0x10]  }
0x214: {  	s29 =	simm.s32 $0xA520  }
0x215: {  	v13 =	vld [tilespmem:s29+$0x0];
	_ =	sdelay $0x2  }
0x216: {  	vm4 =	vle.f32 v12, v10  }
0x217: {  	v14 =	vmpcnt.ones.xlane vm4  }
0x218: {  	s3 =	simm.s32 $0x0;
	s0 =	simm.s32 $0x0;
	s4 =	simm.s32 $0x800;
	vm5 =	vle.f32 v13, v10;
	vm3 =	vmmov vm3  }
0x219: {  	v15 =	vor.u32 s0, v0;
	s6 =	sand.u32 $0xF80, s4;
	s2 =	sand.u32 $0x60, s0;
	[tilespmem:s3+$0xC500] =	vst.msk vm3, v11;
	(v2sf) =	vpush v14, $0x0;
	v14 =	vmpcnt.ones.xlane vm5;
	s25 =	spop (v2sf)  }
0x21a: {  	s7 =	simm.s32 $0x10;
	s6 =	sor.u32 s2, s6;
	v11 =	vld [tilespmem:s29+$0x10];
	[tilespmem:s3+$0xE580] =	vst.msk vm3, v15;
	vm4 =	vmmov vm4;
	s0 =	sadd.s32 $0x0, s25  }
0x21b: {  	v15 =	vor.u32 s7, v0;
	(v2sf) =	vpush v14, $0x0;
	v14 =	vld [tilespmem:s6+$0xA500];
	[tilespmem:s0+$0xC500] =	vst.msk vm4, v12  }
0x21c: {  	[tilespmem:s0+$0xE580] =	vst.msk vm4, v15  }
0x21d: {  	v12 =	vld [tilespmem:s1+$0x810];
	_ =	sdelay $0x1  }
0x21e: {  	vm6 =	vle.f32 v11, v10  }
0x21f: {  	vm7 =	vle.f32 v14, v10;
	v15 =	vmpcnt.ones.xlane vm6  }
0x220: {  	s21 =	simm.s32 $0xA540;
	v16 =	vmpcnt.ones.xlane vm7  }
0x221: {  	(v2sf) =	vpush v15, $0x0;
	v15 =	vld [tilespmem:s21+$0x0];
	vm3 =	vle.f32 v12, v10  }
0x222: {  	(v2sf) =	vpush v16, $0x0;
	v17 =	vmpcnt.ones.xlane vm3;
	_ =	sdelay $0x1  }
0x223: {  	(v2sf) =	vpush v17, $0x0;
	_ =	sdelay $0x1  }
0x224: {  	vm4 =	vle.f32 v15, v10  }
0x225: {  	s28 =	simm.s32 $0x1000;
	s11 =	simm.s32 $0x20;
	[tilespmem:s3+$0xCD00] =	vst.msk vm7, v14;
	v16 =	vor.u32 s4, v0;
	s26 =	spop (v2sf);
	v14 =	vmpcnt.ones.xlane vm4  }
0x226: {  	s10 =	simm.s32 $0x820;
	s9 =	sand.u32 $0x1780, s28;
	vm5 =	vmmov vm5;
	[tilespmem:s3+$0xED80] =	vst.msk vm7, v16;
	s0 =	sadd.s32 s0, s26  }
0x227: {  	s8 =	sand.u32 $0x60, s11;
	s4 =	sor.u32 s2, s9;
	s9 =	sand.u32 $0xF80, s10;
	v16 =	vld [tilespmem:s21+$0x10];
	[tilespmem:s0+$0xC500] =	vst.msk vm5, v13;
	v17 =	vor.u32 s11, v0;
	(v2sf) =	vpush v14, $0x0  }
0x228: {  	s7 =	sor.u32 s8, s9;
	v13 =	vld [tilespmem:s4+$0xA500];
	s12 =	spop (v2sf);
	[tilespmem:s0+$0xE580] =	vst.msk vm5, v17  }
0x229: {  	s13 =	simm.s32 $0x30;
	s4 =	sadd.s32 s0, s12;
	vm5 =	vmmov vm6;
	v14 =	vld [tilespmem:s7+$0xA500]  }
0x22a: {  	v17 =	vor.u32 s13, v0;
	[tilespmem:s4+$0xC500] =	vst.msk vm5, v11  }
0x22b: {  	[tilespmem:s4+$0xE580] =	vst.msk vm5, v17  }
0x22c: {  	vm6 =	vle.f32 v16, v10;
	v11 =	vld [tilespmem:s29+$0x810]  }
0x22d: {  	v17 =	vmpcnt.ones.xlane vm6;
	vm5 =	vle.f32 v13, v10  }
0x22e: {  	v18 =	vmpcnt.ones.xlane vm5;
	vm7 =	vle.f32 v14, v10;
	s14 =	spop (v2sf)  }
0x22f: {  	(v2sf) =	vpush v17, $0x0;
	v17 =	vmpcnt.ones.xlane vm7;
	s15 =	spop (v2sf)  }
0x230: {  	s5 =	simm.s32 $0xA560;
	vm8 =	vmmov vm3;
	s11 =	simm.s32 $0x810;
	(v2sf) =	vpush v18, $0x0;
	s12 =	sadd.s32 $0x0, s15  }
0x231: {  	v18 =	vld [tilespmem:s5+$0x0];
	vm3 =	vle.f32 v11, v10;
	(v2sf) =	vpush v17, $0x0;
	v17 =	vor.u32 s11, v0;
	[tilespmem:s12+$0xCD00] =	vst.msk vm8, v12;
	s16 =	spop (v2sf)  }
0x232: {  	s0 =	simm.s32 $0x1020;
	v19 =	vmpcnt.ones.xlane vm3;
	[tilespmem:s12+$0xED80] =	vst.msk vm8, v17;
	v17 =	vld [tilespmem:s5+$0x10];
	s11 =	sadd.s32 s12, s16  }
0x233: {  	s17 =	sand.u32 $0x1780, s0;
	v12 =	vor.u32 s10, v0;
	[tilespmem:s11+$0xCD00] =	vst.msk vm7, v14  }
0x234: {  	s10 =	sor.u32 s8, s17;
	(v2sf) =	vpush v19, $0x0;
	v14 =	vld [tilespmem:s1+$0x1010];
	[tilespmem:s11+$0xED80] =	vst.msk vm7, v12  }
0x235: {  	s18 =	simm.s32 $0x40;
	s19 =	simm.s32 $0x840;
	vm4 =	vmmov vm4;
	s7 =	sadd.s32 s4, s14;
	v19 =	vld [tilespmem:s10+$0xA500]  }
0x236: {  	v20 =	vor.u32 s18, v0;
	s22 =	sand.u32 $0xF80, s19;
	s4 =	sand.u32 $0x60, s18;
	[tilespmem:s7+$0xC500] =	vst.msk vm4, v15;
	s13 =	spop (v2sf);
	vm7 =	vle.f32 v18, v10  }
0x237: {  	vm6 =	vmmov vm6;
	s23 =	sor.u32 s4, s22;
	[tilespmem:s7+$0xE580] =	vst.msk vm4, v20;
	s13 =	sadd.s32 s7, s13;
	vm9 =	vle.f32 v17, v10;
	v12 =	vmpcnt.ones.xlane vm7  }
0x238: {  	s14 =	simm.s32 $0x50;
	v15 =	vld [tilespmem:s23+$0xA500];
	[tilespmem:s13+$0xC500] =	vst.msk vm6, v16;
	v16 =	vmpcnt.ones.xlane vm9  }
0x239: {  	(v2sf) =	vpush v12, $0x0;
	v12 =	vor.u32 s14, v0;
	vm4 =	vle.f32 v14, v10  }
0x23a: {  	[tilespmem:s13+$0xE580] =	vst.msk vm6, v12;
	v12 =	vmpcnt.ones.xlane vm4;
	vm6 =	vle.f32 v19, v10  }
0x23b: {  	(v2sf) =	vpush v16, $0x0;
	v16 =	vmpcnt.ones.xlane vm6  }
0x23c: {  	v21 =	vld [tilespmem:s21+$0x810];
	(v2sf) =	vpush v12, $0x0  }
0x23d: {  	vm8 =	vle.f32 v15, v10;
	(v2sf) =	vpush v16, $0x0  }
0x23e: {  	vm5 =	vmmov vm5;
	s7 =	simm.s32 $0x1800;
	v12 =	vmpcnt.ones.xlane vm8  }
0x23f: {  	[tilespmem:s3+$0xD500] =	vst.msk vm5, v13;
	v13 =	vor.u32 s28, v0;
	s24 =	sand.u32 $0x1F80, s7;
	s25 =	spop (v2sf)  }
0x240: {  	[tilespmem:s3+$0xF580] =	vst.msk vm5, v13;
	s2 =	sor.u32 s2, s24;
	s15 =	spop (v2sf);
	(v2sf) =	vpush v12, $0x0  }
0x241: {  	v22 =	vld [tilespmem:s2+$0xA500];
	s26 =	spop (v2sf);
	vm5 =	vle.f32 v21, v10  }
0x242: {  	s28 =	simm.s32 $0x830;
	vm3 =	vmmov vm3;
	s2 =	simm.s32 $0xA580;
	s11 =	sadd.s32 s11, s26;
	v13 =	vmpcnt.ones.xlane vm5  }
0x243: {  	v23 =	vld [tilespmem:s2+$0x0];
	v16 =	vor.u32 s28, v0;
	[tilespmem:s11+$0xCD00] =	vst.msk vm3, v11;
	s9 =	spop (v2sf)  }
0x244: {  	s12 =	simm.s32 $0x1040;
	v12 =	vld [tilespmem:s2+$0x10];
	[tilespmem:s11+$0xED80] =	vst.msk vm3, v16;
	s14 =	sadd.s32 s11, s9;
	(v2sf) =	vpush v13, $0x0  }
0x245: {  	s16 =	sand.u32 $0x1780, s12;
	v16 =	vor.u32 s19, v0;
	v11 =	vld [tilespmem:s29+$0x1010];
	[tilespmem:s14+$0xCD00] =	vst.msk vm8, v15  }
0x246: {  	vm10 =	vmmov vm7;
	s10 =	sor.u32 s4, s16;
	s6 =	sadd.s32 s13, s25;
	vm3 =	vle.f32 v22, v10;
	[tilespmem:s14+$0xED80] =	vst.msk vm8, v16  }
0x247: {  	s22 =	simm.s32 $0x1010;
	s17 =	simm.s32 $0x60;
	[tilespmem:s6+$0xC500] =	vst.msk vm10, v18;
	s15 =	sadd.s32 $0x0, s15;
	v13 =	vmpcnt.ones.xlane vm3;
	v16 =	vld [tilespmem:s10+$0xA500]  }
0x248: {  	[tilespmem:s15+$0xD500] =	vst.msk vm4, v14;
	v14 =	vor.u32 s22, v0;
	s11 =	simm.s32 $0x860;
	v15 =	vor.u32 s17, v0;
	vm8 =	vle.f32 v23, v10  }
0x249: {  	[tilespmem:s15+$0xF580] =	vst.msk vm4, v14;
	s16 =	sand.u32 $0xF80, s11;
	s10 =	sand.u32 $0x60, s17;
	(v2sf) =	vpush v13, $0x0;
	v13 =	vmpcnt.ones.xlane vm8;
	vm7 =	vle.f32 v12, v10;
	s18 =	spop (v2sf)  }
0x24a: {  	vm9 =	vmmov vm9;
	[tilespmem:s6+$0xE580] =	vst.msk vm10, v15;
	s17 =	simm.s32 $0x70;
	v18 =	vmpcnt.ones.xlane vm7;
	vm10 =	vle.f32 v11, v10;
	s13 =	sadd.s32 s6, s18;
	s18 =	spop (v2sf)  }
0x24b: {  	s19 =	sor.u32 s10, s16;
	v15 =	vor.u32 s17, v0;
	(v2sf) =	vpush v13, $0x0;
	v13 =	vmpcnt.ones.xlane vm10;
	[tilespmem:s13+$0xC500] =	vst.msk vm9, v17;
	s23 =	spop (v2sf)  }
0x24c: {  	vm11 =	vmmov vm6;
	v24 =	vld [tilespmem:s19+$0xA500];
	(v2sf) =	vpush v18, $0x0;
	[tilespmem:s13+$0xE580] =	vst.msk vm9, v15;
	vm9 =	vle.f32 v16, v10;
	s15 =	sadd.s32 s15, s23;
	s24 =	spop (v2sf)  }
0x24d: {  	(v2sf) =	vpush v13, $0x0;
	v13 =	vmpcnt.ones.xlane vm9;
	[tilespmem:s15+$0xD500] =	vst.msk vm11, v19;
	s16 =	sadd.s32 s15, s24  }
0x24e: {  	s28 =	simm.s32 $0x1820;
	v20 =	vld [tilespmem:s5+$0x810];
	[tilespmem:s16+$0xD500] =	vst.msk vm10, v11  }
0x24f: {  	(v2sf) =	vpush v13, $0x0;
	v13 =	vor.u32 s0, v0;
	s6 =	spop (v2sf);
	[dreg:$0x5] =	wrdreg s28  }
0x250: {  	s26 =	simm.s32 $0x1030;
	vm5 =	vmmov vm5;
	s19 =	sadd.s32 s14, s6;
	[tilespmem:s15+$0xF580] =	vst.msk vm11, v13  }
0x251: {  	s25 =	simm.s32 $0x1820;
	s17 =	simm.s32 $0x850;
	vm6 =	vle.f32 v24, v10;
	v13 =	vor.u32 s26, v0;
	[tilespmem:s19+$0xCD00] =	vst.msk vm5, v21  }
0x252: {  	v14 =	vor.u32 s17, v0;
	s5 =	sand.u32 $0x1F80, s25;
	v11 =	vmpcnt.ones.xlane vm6;
	s14 =	simm.s32 $0xA5A0;
	v17 =	vld [tilespmem:s1+$0x1810];
	[tilespmem:s16+$0xF580] =	vst.msk vm10, v13  }
0x253: {  	s8 =	sor.u32 s8, s5;
	s23 =	simm.s32 $0x1830;
	vm4 =	vle.f32 v20, v10;
	s22 =	spop (v2sf);
	v15 =	vld [tilespmem:s14+$0x0];
	[tilespmem:s19+$0xED80] =	vst.msk vm5, v14  }
0x254: {  	(v2sf) =	vpush v11, $0x0;
	v13 =	vmpcnt.ones.xlane vm4;
	v11 =	vld [tilespmem:s8+$0xA500];
	s17 =	sadd.s32 s19, s22;
	[dreg:$0x7] =	wrdreg s23  }
0x255: {  	s24 =	simm.s32 $0x1850;
	[tilespmem:s17+$0xCD00] =	vst.msk vm6, v24  }
0x256: {  	v14 =	vor.u32 s11, v0;
	(v2sf) =	vpush v13, $0x0;
	v13 =	vld [tilespmem:s14+$0x10];
	[dreg:$0x6] =	wrdreg s24  }
0x257: {  	s20 =	simm.s32 $0x1810;
	s31 =	simm.s32 $0x1060;
	vm3 =	vmmov vm3;
	s13 =	sadd.s32 s13, s18;
	[tilespmem:s17+$0xED80] =	vst.msk vm6, v14  }
0x258: {  	vm12 =	vmmov vm8;
	vm8 =	vmmov vm7;
	s25 =	sand.u32 $0x1780, s31;
	s28 =	simm.s32 $0x80;
	s26 =	spop (v2sf);
	vm7 =	vle.f32 v17, v10;
	[tilespmem:s3+$0xDD00] =	vst.msk vm3, v22  }
0x259: {  	s1 =	sor.u32 s10, s25;
	s18 =	sand.u32 $0x60, s28;
	s15 =	sadd.s32 $0x0, s26;
	[tilespmem:s13+$0xC500] =	vst.msk vm12, v23;
	v18 =	vmpcnt.ones.xlane vm7  }
0x25a: {  	v19 =	vor.u32 s28, v0;
	vm4 =	vmmov vm4;
	s22 =	simm.s32 $0x90;
	s23 =	simm.s32 $0x880;
	s0 =	spop (v2sf);
	v21 =	vld [tilespmem:s21+$0x1010];
	vm5 =	vle.f32 v11, v10;
	[tilespmem:s15+$0xDD00] =	vst.msk vm7, v17  }
0x25b: {  	s19 =	sand.u32 $0xF80, s23;
	vm6 =	vmmov vm9;
	s24 =	sadd.s32 s13, s0;
	s8 =	spop (v2sf);
	v14 =	vld [tilespmem:s1+$0xA500];
	[tilespmem:s13+$0xE580] =	vst.msk vm12, v19;
	v17 =	vmpcnt.ones.xlane vm5;
	(v2sf) =	vpush v18, $0x0  }
0x25c: {  	s5 =	sor.u32 s18, s19;
	vm10 =	vle.f32 v15, v10;
	v22 =	vor.u32 s22, v0;
	v23 =	vor.u32 s20, v0;
	[tilespmem:s24+$0xC500] =	vst.msk vm8, v12;
	v12 =	vld [tilespmem:s29+$0x1810];
	s28 =	spop (v2sf)  }
0x25d: {  	s9 =	simm.s32 $0xA560;
	s11 =	simm.s32 $0x1840;
	v19 =	vld [tilespmem:s5+$0xA500];
	[tilespmem:s24+$0xE580] =	vst.msk vm8, v22;
	s5 =	sadd.s32 s16, s28;
	v18 =	vmpcnt.ones.xlane vm10;
	vm11 =	vle.f32 v13, v10;
	(v2sf) =	vpush v17, $0x0  }
0x25e: {  	s25 =	simm.s32 $0x1050;
	s6 =	sand.u32 $0x1F80, s11;
	s26 =	simm.s32 $0xA;
	vm8 =	vmmov vm10;
	[tilespmem:s5+$0xD500] =	vst.msk vm6, v16;
	v16 =	vor.u32 s12, v0;
	v17 =	vmpcnt.ones.xlane vm11  }
0x25f: {  	s22 =	sor.u32 s4, s6;
	s20 =	simm.s32 $0x1880;
	s13 =	simm.s32 $0x1860;
	[tilespmem:s15+$0xFD80] =	vst.msk vm7, v23;
	vm7 =	vmmov vm11;
	(v2sf) =	vpush v18, $0x0;
	vm9 =	vle.f32 v21, v10;
	v18 =	vld [tilespmem:s2+$0x810]  }
0x260: {  	s29 =	simm.s32 $0x1870;
	s1 =	simm.s32 $0x1070;
	s4 =	sadd.s32 s24, s8;
	[tilespmem:s5+$0xF580] =	vst.msk vm6, v16;
	v16 =	vor.u32 s7, v0;
	vm12 =	vle.f32 v14, v10;
	v22 =	vmpcnt.ones.xlane vm9  }
0x261: {  	s8 =	sand.u32 $0x1F80, s20;
	s0 =	sand.u32 $0x1F80, s13;
	[tilespmem:s3+$0xFD80] =	vst.msk vm3, v16;
	vm3 =	vmmov vm5;
	(v2sf) =	vpush v17, $0x0;
	s6 =	spop (v2sf);
	v17 =	vmpcnt.ones.xlane vm12  }
0x262: {  	s28 =	simm.s32 $0x870;
	s16 =	simm.s32 $0x1890;
	vm5 =	vle.f32 v12, v10;
	s19 =	sadd.s32 s5, s6;
	vm10 =	vle.f32 v19, v10;
	(v2sf) =	vpush v22, $0x0  }
0x263: {  	s24 =	simm.s32 $0x890;
	s10 =	sor.u32 s10, s0;
	[tilespmem:s19+$0xD500] =	vst.msk vm9, v21;
	v23 =	vmpcnt.ones.xlane vm10;
	(v2sf) =	vpush v17, $0x0;
	v17 =	vor.u32 s25, v0;
	s25 =	spop (v2sf)  }
0x264: {  	s12 =	simm.s32 $0x1090;
	s7 =	sor.u32 s18, s8;
	v16 =	vld [tilespmem:s22+$0xA500];
	vm6 =	vmmov vm12;
	v22 =	vor.u32 s28, v0;
	[tilespmem:s19+$0xF580] =	vst.msk vm9, v17;
	vm9 =	vle.f32 v18, v10;
	s30 =	sadd.s32 s17, s25  }
0x265: {  	s3 =	simm.s32 $0x1890;
	(v2sf) =	vpush v23, $0x0;
	v17 =	vld [tilespmem:s21+$0x1810];
	s21 =	simm.s32 $0xA5C0;
	v21 =	vmpcnt.ones.xlane vm9;
	[tilespmem:s30+$0xCD00] =	vst.msk vm4, v20;
	v20 =	vmpcnt.ones.xlane vm5;
	s25 =	spop (v2sf)  }
.LBB2_14:
0x266: {  	s28 =	sadd.s32 $0xFFFFF7F0, s16;
	s17 =	sadd.s32 s30, s25  }
0x267: {  	s22 =	smov.u32 s9;
	s9 =	smov.u32 s2;
	s2 =	smov.u32 s14  }
0x268: {  	s26 =	sadd.s32 $0x2, s26;
	s16 =	sadd.s32 $0x20, s16;
	s0 =	rddreg [dreg:$0x7]  }
0x269: {  	v23 =	vld [tilespmem:s21+$0x0];
	[tilespmem:s30+$0xED80] =	vst.msk vm4, v22;
	s25 =	rddreg [dreg:$0x6];
	s8 =	sand.u32 $0x1780, s28;
	p1 =	slt.u32 s26, $0x7E  }
0x26a: {  	v24 =	vor.u32 s23, v0;
	v22 =	vld [tilespmem:s21+$0x10];
	[tilespmem:s17+$0xCD00] =	vst.msk vm10, v19;
	s5 =	smov.u32 s25;
	s25 =	sadd.s32 $0xFFFFF000, s16;
	s6 =	spop (v2sf);
	(v2sf) =	vpush v21, $0x0  }
0x26b: {  	[tilespmem:s17+$0xED80] =	vst.msk vm10, v24;
	s14 =	sor.u32 s18, s8;
	[dreg:$0x7] =	wrdreg s5;
	v21 =	vld [tilespmem:s22+$0x1010];
	s30 =	sadd.s32 s15, s6  }
0x26c: {  	s5 =	smov.u32 s29;
	s8 =	sadd.s32 $0xFFFFE800, s16;
	s23 =	spop (v2sf);
	(v2sf) =	vpush v20, $0x0;
	v20 =	vld [tilespmem:s14+$0xA500];
	[tilespmem:s30+$0xDD00] =	vst.msk vm3, v11  }
0x26d: {  	[dreg:$0x6] =	wrdreg s5;
	s6 =	sadd.s32 $0xFFFFE7F0, s16;
	s15 =	sadd.s32 s30, s23;
	[tilespmem:s4+$0xC500] =	vst.msk vm8, v15  }
0x26e: {  	vm4 =	vmmov vm9;
	vm9 =	vle.f32 v16, v10;
	s18 =	sand.u32 $0x60, s6;
	v11 =	vmovc v16;
	s14 =	smov.u32 s21;
	v16 =	vor.u32 s0, v0;
	s23 =	sadd.s32 $0xFFFFEFF0, s16;
	[tilespmem:s15+$0xDD00] =	vst.msk vm5, v12  }
0x26f: {  	v19 =	vmpcnt.ones.xlane vm9;
	vm11 =	vle.f32 v23, v10;
	s21 =	sadd.s32 $0x20, s21;
	s0 =	spop (v2sf);
	v12 =	vmovc v17;
	v17 =	vor.u32 s6, v0;
	s29 =	sand.u32 $0xF80, s23;
	[tilespmem:s15+$0xFD80] =	vst.msk vm5, v16  }
0x270: {  	vm10 =	vle.f32 v22, v10;
	s5 =	sadd.s32 s4, s0;
	v16 =	vmpcnt.ones.xlane vm11;
	[tilespmem:s4+$0xE580] =	vst.msk vm8, v17;
	s6 =	sor.u32 s18, s29;
	v17 =	vor.u32 s8, v0;
	s8 =	spop (v2sf)  }
0x271: {  	(v2sf) =	vpush v19, $0x0;
	v15 =	vmovc v23;
	v23 =	vmpcnt.ones.xlane vm10;
	s0 =	sadd.s32 $0xFFFFFFF0, s16;
	vm5 =	vle.f32 v21, v10;
	v19 =	vld [tilespmem:s6+$0xA500];
	[tilespmem:s5+$0xC500] =	vst.msk vm7, v13;
	s4 =	sadd.s32 s5, s8;
	s29 =	spop (v2sf)  }
0x272: {  	s8 =	sadd.s32 $0xFFFFF800, s16;
	(v2sf) =	vpush v16, $0x0;
	vm12 =	vle.f32 v20, v10;
	v16 =	vmpcnt.ones.xlane vm5;
	[tilespmem:s5+$0xE580] =	vst.msk vm7, v17;
	s6 =	sadd.s32 s19, s29;
	s5 =	spop (v2sf)  }
0x273: {  	v13 =	vmovc v22;
	v22 =	vor.u32 s24, v0;
	s24 =	smov.u32 s25;
	s29 =	sand.u32 $0x1F80, s0;
	(v2sf) =	vpush v23, $0x0;
	v17 =	vmpcnt.ones.xlane vm12;
	v23 =	vld [tilespmem:s2+$0x810];
	s19 =	sadd.s32 s6, s5  }
0x274: {  	[tilespmem:s6+$0xD500] =	vst.msk vm6, v14;
	(v2sf) =	vpush v16, $0x0;
	s5 =	sor.u32 s18, s29;
	v16 =	vor.u32 s31, v0;
	s31 =	smov.u32 s28;
	s29 =	smov.u32 s3  }
.Ltmp13:
0x275: {  	s3 =	smov.u32 s16;
	(v2sf) =	vpush v17, $0x0;
	[tilespmem:s6+$0xF580] =	vst.msk vm6, v16;
	v17 =	vor.u32 s1, v0;
	s1 =	smov.u32 s12;
	(pc) =	sbr.rel @p1 .LBB2_14-.Ltmp13, $4  }
0x276: {  	vm8 =	vmmov vm11;
	vm7 =	vmmov vm10;
	[tilespmem:s19+$0xD500] =	vst.msk vm5, v21;
	s12 =	smov.u32 s11;
	s11 =	smov.u32 s13;
	vm10 =	vle.f32 v19, v10;
	v16 =	vld [tilespmem:s10+$0xA500];
	s10 =	rddreg [dreg:$0x5]  }
0x277: {  	v14 =	vmovc v20;
	vm6 =	vmmov vm12;
	s13 =	smov.u32 s20;
	s28 =	spop (v2sf);
	s20 =	smov.u32 s0;
	[tilespmem:s19+$0xF580] =	vst.msk vm5, v17;
	v20 =	vor.u32 s10, v0;
	v63 =	vmpcnt.ones.xlane vm10  }
0x278: {  	[dreg:$0x5] =	wrdreg s12;
	s12 =	smov.u32 s8;
	vm5 =	vle.f32 v12, v10;
	[tilespmem:s30+$0xFD80] =	vst.msk vm3, v20;
	vm3 =	vmmov vm9;
	vm9 =	vle.f32 v23, v10;
	s30 =	sadd.s32 s17, s28  }
0x279: {  	v17 =	vld [tilespmem:s22+$0x1810];
	s10 =	smov.u32 s7;
	s7 =	smov.u32 s5;
	v20 =	vmpcnt.ones.xlane vm5;
	v21 =	vmpcnt.ones.xlane vm9;
	(v2sf) =	vpush v63, $0x0;
	[tilespmem:s30+$0xCD00] =	vst.msk vm4, v18;
	s25 =	spop (v2sf);
	v18 =	vmovc v23  }
0x27a: {  	_ = 	snop  }
0x27b: {  	(v2sf) =	vpush v21, $0x0;
	_ =	sdelay $0x4  }
0x27c: {  	s21 =	sadd.s32 $0x20, s16;
	[tilespmem:s30+$0xED80] =	vst.msk vm4, v22;
	s17 =	spop (v2sf)  }
0x27d: {  	[tilespmem:s4+$0xC500] =	vst.msk vm8, v15;
	s5 =	sadd.s32 s30, s25;
	s0 =	sadd.s32 $0xFFFFE7F0, s21;
	s26 =	spop (v2sf)  }
0x27e: {  	s22 =	sadd.s32 $0xFFFFF7F0, s16;
	[tilespmem:s5+$0xCD00] =	vst.msk vm10, v19;
	v29 =	vor.u32 s0, v0;
	s8 =	spop (v2sf)  }
0x27f: {  	v30 =	vor.u32 s23, v0;
	s6 =	sand.u32 $0x1780, s22;
	[tilespmem:s4+$0xE580] =	vst.msk vm8, v29;
	s4 =	sadd.s32 s4, s8;
	s8 =	sadd.s32 $0xFFFFEFF0, s21  }
0x280: {  	v31 =	vld [tilespmem:s9+$0x1010];
	s6 =	sor.u32 s18, s6;
	[tilespmem:s5+$0xED80] =	vst.msk vm10, v30;
	s18 =	sand.u32 $0x60, s0;
	s30 =	sand.u32 $0xF80, s8  }
0x281: {  	s28 =	sadd.s32 $0xFFFFE800, s21;
	v33 =	vld [tilespmem:s6+$0xA500];
	s16 =	spop (v2sf);
	s0 =	sor.u32 s18, s30  }
0x282: {  	v32 =	vor.u32 s28, v0;
	[tilespmem:s4+$0xC500] =	vst.msk vm7, v13;
	s25 =	spop (v2sf);
	v34 =	vld [tilespmem:s0+$0xA500]  }
0x283: {  	s28 =	sadd.s32 s19, s25;
	[tilespmem:s4+$0xE580] =	vst.msk vm7, v32;
	s30 =	spop (v2sf)  }
0x284: {  	v35 =	vor.u32 s31, v0;
	vm12 =	vmmov vm9;
	vm4 =	vle.f32 v16, v10;
	[tilespmem:s28+$0xD500] =	vst.msk vm6, v14;
	s23 =	spop (v2sf)  }
0x285: {  	v37 =	vor.u32 s24, v0;
	v38 =	vmpcnt.ones.xlane vm4;
	vm8 =	vle.f32 v31, v10;
	v36 =	vld [tilespmem:s14+$0x810];
	[tilespmem:s28+$0xF580] =	vst.msk vm6, v35;
	s0 =	sadd.s32 s5, s23  }
0x286: {  	(v2sf) =	vpush v20, $0x0;
	v40 =	vmpcnt.ones.xlane vm8;
	vm9 =	vle.f32 v33, v10;
	[tilespmem:s0+$0xCD00] =	vst.msk vm12, v18;
	s24 =	spop (v2sf)  }
0x287: {  	(v2sf) =	vpush v38, $0x0;
	v41 =	vmpcnt.ones.xlane vm9;
	v39 =	vld [tilespmem:s10+$0xA500];
	s5 =	sadd.s32 $0xFFFFF7F0, s21;
	vm13 =	vle.f32 v34, v10;
	[tilespmem:s0+$0xED80] =	vst.msk vm12, v37;
	s0 =	sadd.s32 s0, s24  }
0x288: {  	(v2sf) =	vpush v40, $0x0;
	v42 =	vor.u32 s8, v0;
	s25 =	sand.u32 $0x1780, s5;
	v23 =	vmpcnt.ones.xlane vm13;
	v21 =	vld [tilespmem:s2+$0x1010];
	[tilespmem:s0+$0xCD00] =	vst.msk vm13, v34  }
0x289: {  	(v2sf) =	vpush v41, $0x0;
	s8 =	sor.u32 s18, s25;
	[tilespmem:s0+$0xED80] =	vst.msk vm13, v42  }
0x28a: {  	vm10 =	vle.f32 v36, v10;
	(v2sf) =	vpush v23, $0x0;
	v20 =	vld [tilespmem:s8+$0xA500]  }
0x28b: {  	vm6 =	vle.f32 v17, v10;
	v43 =	vmpcnt.ones.xlane vm10  }
0x28c: {  	v44 =	vmpcnt.ones.xlane vm6;
	vm7 =	vle.f32 v39, v10  }
0x28d: {  	v45 =	vmpcnt.ones.xlane vm7;
	(v2sf) =	vpush v43, $0x0;
	vm12 =	vle.f32 v21, v10  }
0x28e: {  	(v2sf) =	vpush v44, $0x0;
	v46 =	vmpcnt.ones.xlane vm12  }
0x28f: {  	(v2sf) =	vpush v45, $0x0;
	vm11 =	vle.f32 v20, v10  }
0x290: {  	(v2sf) =	vpush v46, $0x0;
	v47 =	vmpcnt.ones.xlane vm11;
	_ =	sdelay $0x1  }
0x291: {  	(v2sf) =	vpush v47, $0x0;
	_ =	sdelay $0x2  }
0x292: {  	s23 =	spop (v2sf)  }
0x293: {  	s6 =	sadd.s32 s28, s30;
	s19 =	spop (v2sf)  }
0x294: {  	v48 =	vor.u32 s1, v0;
	[tilespmem:s6+$0xD500] =	vst.msk vm8, v31;
	s28 =	spop (v2sf)  }
0x295: {  	vm14 =	vmmov vm9;
	[tilespmem:s6+$0xF580] =	vst.msk vm8, v48;
	s1 =	sadd.s32 s6, s28;
	s30 =	spop (v2sf)  }
0x296: {  	v49 =	vor.u32 s22, v0;
	[tilespmem:s1+$0xD500] =	vst.msk vm14, v33;
	s31 =	spop (v2sf)  }
0x297: {  	vm15 =	vmmov vm10;
	s8 =	sadd.s32 $0xFFFFF000, s21;
	s6 =	sadd.s32 s1, s30;
	[tilespmem:s1+$0xF580] =	vst.msk vm14, v49;
	s1 =	sadd.s32 s0, s31  }
0x298: {  	v50 =	vld [tilespmem:s9+$0x1810];
	v51 =	vor.u32 s8, v0;
	[tilespmem:s1+$0xCD00] =	vst.msk vm15, v36  }
0x299: {  	v53 =	vld [tilespmem:s7+$0xA500];
	s10 =	spop (v2sf);
	[tilespmem:s1+$0xED80] =	vst.msk vm15, v51  }
0x29a: {  	s22 =	spop (v2sf);
	v54 =	vld [tilespmem:s14+$0x1010]  }
0x29b: {  	s24 =	spop (v2sf)  }
0x29c: {  	v52 =	vor.u32 s12, v0;
	[tilespmem:s6+$0xD500] =	vst.msk vm12, v21;
	s25 =	spop (v2sf)  }
0x29d: {  	vm13 =	vmmov vm11;
	vm11 =	vle.f32 v50, v10;
	[tilespmem:s6+$0xF580] =	vst.msk vm12, v52;
	s28 =	sadd.s32 s6, s25  }
0x29e: {  	v56 =	vor.u32 s5, v0;
	v57 =	vmpcnt.ones.xlane vm11;
	vm9 =	vle.f32 v53, v10;
	s0 =	sadd.s32 $0xFFFFFFF0, s21;
	[tilespmem:s28+$0xD500] =	vst.msk vm13, v20;
	s9 =	spop (v2sf)  }
0x29f: {  	v55 =	vld [tilespmem:s2+$0x1810];
	v59 =	vmpcnt.ones.xlane vm9;
	s31 =	sadd.s32 $0xFFFFF800, s21;
	s30 =	sand.u32 $0x1F80, s0;
	vm8 =	vle.f32 v54, v10;
	[tilespmem:s28+$0xF580] =	vst.msk vm13, v56;
	s2 =	sadd.s32 s28, s9  }
0x2a0: {  	(v2sf) =	vpush v57, $0x0;
	v58 =	vor.u32 s31, v0;
	s5 =	sor.u32 s18, s30;
	[tilespmem:s2+$0xD500] =	vst.msk vm8, v54  }
0x2a1: {  	(v2sf) =	vpush v59, $0x0;
	v21 =	vld [tilespmem:s5+$0xA500];
	[tilespmem:s2+$0xF580] =	vst.msk vm8, v58  }
0x2a2: {  	v22 =	vld [tilespmem:s14+$0x1810];
	_ =	sdelay $0x1  }
0x2a3: {  	s12 =	sadd.s32 s15, s17;
	s14 =	rddreg [dreg:$0x5]  }
0x2a4: {  	vm12 =	vle.f32 v55, v10;
	v60 =	vmpcnt.ones.xlane vm8;
	[tilespmem:s12+$0xDD00] =	vst.msk vm3, v11;
	v63 =	vor.u32 s14, v0  }
0x2a5: {  	v61 =	vmpcnt.ones.xlane vm12;
	[tilespmem:s12+$0xFD80] =	vst.msk vm3, v63;
	vm14 =	vle.f32 v21, v10  }
0x2a6: {  	s5 =	sadd.s32 s12, s26;
	(v2sf) =	vpush v60, $0x0;
	s15 =	rddreg [dreg:$0x7];
	v62 =	vmpcnt.ones.xlane vm14;
	vm15 =	vle.f32 v22, v10  }
0x2a7: {  	(v2sf) =	vpush v61, $0x0;
	[tilespmem:s5+$0xDD00] =	vst.msk vm5, v12;
	v11 =	vor.u32 s15, v0;
	v10 =	vmpcnt.ones.xlane vm15  }
0x2a8: {  	vm3 =	vmmov vm4;
	[tilespmem:s5+$0xFD80] =	vst.msk vm5, v11;
	s5 =	sadd.s32 s5, s23;
	(v2sf) =	vpush v62, $0x0  }
0x2a9: {  	[tilespmem:s5+$0xDD00] =	vst.msk vm3, v16;
	(v2sf) =	vpush v10, $0x0;
	v10 =	vor.u32 s11, v0  }
0x2aa: {  	s17 =	sadd.s32 s5, s19;
	[tilespmem:s5+$0xFD80] =	vst.msk vm3, v10  }
0x2ab: {  	s18 =	sadd.s32 s17, s22;
	vm3 =	vmmov vm7;
	s5 =	rddreg [dreg:$0x6];
	[tilespmem:s17+$0xDD00] =	vst.msk vm6, v17  }
0x2ac: {  	s6 =	sadd.s32 s18, s24;
	[tilespmem:s18+$0xDD00] =	vst.msk vm3, v39  }
0x2ad: {  	[tilespmem:s6+$0xDD00] =	vst.msk vm11, v50;
	v10 =	vor.u32 s5, v0  }
0x2ae: {  	s19 =	spop (v2sf);
	[tilespmem:s17+$0xFD80] =	vst.msk vm6, v10;
	v10 =	vor.u32 s29, v0  }
0x2af: {  	s4 =	sadd.s32 s4, s16;
	s22 =	spop (v2sf);
	[tilespmem:s6+$0xFD80] =	vst.msk vm11, v10;
	v10 =	vor.u32 s13, v0;
	s6 =	sadd.s32 s6, s19  }
0x2b0: {  	s26 =	sadd.s32 $0xF, s4;
	[tilespmem:s18+$0xFD80] =	vst.msk vm3, v10;
	s24 =	sadd.s32 s6, s22  }
0x2b1: {  	s28 =	sand.u32 $0xF, s26;
	vm3 =	vmmov vm9;
	[tilespmem:s24+$0xDD00] =	vst.msk vm12, v55  }
0x2b2: {  	p2 =	slt.s32 s26, $0x1;
	p1 =	sne.s32 s28, $0x0;
	s29 =	sshra.s32 s26, $0x1F;
	v10 =	vor.u32 s3, v0;
	[tilespmem:s6+$0xDD00] =	vst.msk vm3, v53  }
0x2b3: {  	p1 =	por !p2, !p1;
	s3 =	sshrl.u32 s29, $0x1C;
	[tilespmem:s24+$0xFD80] =	vst.msk vm12, v10;
	v10 =	vor.u32 s20, v0  }
0x2b4: {  	p1 =	por !p1, !p1;
	s3 =	sadd.s32 s3, s26;
	[tilespmem:s6+$0xFD80] =	vst.msk vm3, v10;
	s6 =	simm.s32 $0x1  }
0x2b5: {  	s3 =	sshra.s32 s3, $0x4;
	s6 =	simm.s32 @!p1 $0x0  }
0x2b6: {  	s23 =	spop (v2sf);
	s3 =	ssub.s32 s3, s6  }
0x2b7: {  	s25 =	spop (v2sf);
	p1 =	slt.s32 s3, $0x1  }
.Ltmp14:
0x2b8: {  	s8 =	sadd.s32 s24, s25;
	vm3 =	vmmov vm14;
	(pc) =	sbr.rel @p1 .LBB2_16-.Ltmp14, $4  }
0x2b9: {  	v10 =	vor.u32 s0, v0;
	[tilespmem:s8+$0xDD00] =	vst.msk vm3, v21;
	s30 =	spop (v2sf)  }
0x2ba: {  	[tilespmem:s8+$0xFD80] =	vst.msk vm3, v10;
	s5 =	sadd.s32 s8, s30  }
0x2bb: {  	v11 =	vor.u32 s21, v0;
	[tilespmem:s5+$0xDD00] =	vst.msk vm15, v22;
	s31 =	spop (v2sf)  }
0x2bc: {  	s1 =	sadd.s32 s1, s10;
	s0 =	sadd.s32 s2, s23;
	v10 =	vimm.s32 $0x0;
	[tilespmem:s5+$0xFD80] =	vst.msk vm15, v11;
	s2 =	sadd.s32 s5, s31;
	v11 =	vimm.f32 $+Inf  }
0x2bd: {  	s5 =	simm.s32 $0xC500  }
0x2be: {  	s6 =	simm.s32 $0xE580;
	v13 =	vld [tilespmem:s5+$0x0]  }
0x2bf: {  	p2 =	sne.s32 s3, $0x1;
	v14 =	vld [tilespmem:s6+$0x0]  }
.Ltmp15:
0x2c0: {  	s31 =	simm.s32 $0x0;
	(pc) =	sbr.rel @!p2 .LBB2_21-.Ltmp15, $4  }
0x2c1: {  	v12 =	vmov s4;
	v15 =	vor.u32 s31, v0  }
0x2c2: {  	s7 =	sadd.s32 $0xFFFFFFFF, s3;
	vm3 =	vlt.s32 v15, v12  }
0x2c3: {  	p1 =	por $0x0, $0x0;
	s18 =	simm.s32 $0x0;
	s19 =	simm.s32 $0x2000;
	v13 =	vnsel vm3, $0x7F800000, v13  }
0x2c4: {  	s22 =	simm.s32 $0x4000;
	s26 =	simm.s32 $0x6800;
	s28 =	simm.s32 $0x6A00;
	(xrf1) =	vsort.ascd.msk.f32 $0xffff, v13, v14  }
0x2c5: {  	_ =	sdelay $0xa  }
0x2c6: {  	v13 =	vmul.u32 $0xFFFFFFFF, v0;
	_ =	sdelay $0x1  }
0x2c7: {  	v13 =	vadd.s32 $0xF, v13;
	v14, v15, _ =	vpop (xrf1)  }
0x2c8: {  	s3 =	simm.s32 $0xC510;
	v14 =	vperm.xlane v14, v13  }
0x2c9: {  	s4 =	simm.s32 $0xE590;
	v16 =	vld [tilespmem:s3+$0x0];
	v15 =	vperm.xlane v15, v13  }
0x2ca: {  	p2 =	sne.s32 s7, $0x1;
	v17 =	vld [tilespmem:s4+$0x0];
	vm3 =	vle.f32 v11, v14  }
.Ltmp16:
0x2cb: {  	s6 =	simm.s32 $0x10;
	v14 =	vsel vm3, v11, v14;
	v15 =	vsel vm3, v10, v15;
	(pc) =	sbr.rel @!p2 .LBB2_23-.Ltmp16, $4  }
0x2cc: {  	v18 =	vor.u32 s6, v0;
	(xrf1) =	vsort.ascd.msk.f32 $0xffff, v14, v15  }
0x2cd: {  	vm3 =	vlt.s32 v18, v12  }
0x2ce: {  	v14 =	vnsel vm3, $0x7F800000, v16  }
0x2cf: {  	s7 =	sadd.s32 $0xFFFFFFFF, s7;
	p1 =	por $0x1, $0x1;
	v15 =	vimm.f32 $+Inf;
	(xrf1) =	vsort.ascd.msk.f32 $0xffff, v14, v17;
	v14 =	vimm.s32 $0x0  }
.LBB2_24:
0x2d0: {  	_ = 	snop  }
0x2d1: {  	p2 =	sne.s32 s7, $0x1;
	s7 =	sadd.s32 $0xFFFFFFFF, s7;
	_ =	sdelay $0x8  }
0x2d2: {  	v16, v17, _ =	vpop (xrf1)  }
0x2d3: {  	v16 =	vperm.xlane v16, v13  }
0x2d4: {  	v17 =	vperm.xlane v17, v13  }
0x2d5: {  	v18, v19, _ =	vpop (xrf1);
	vm3 =	vle.f32 v15, v16  }
0x2d6: {  	v18 =	vperm.xlane v18, v13;
	v20 =	vsel vm3, v16, v15;
	v21 =	vsel vm3, v17, v14  }
0x2d7: {  	v15 =	vsel vm3, v15, v16;
	v14 =	vsel vm3, v14, v17;
	(xrf1) =	vsort.ascd.msk.f32 $0xffff, v20, v21  }
0x2d8: {  	(xrf1) =	vsort.ascd.msk.f32 $0xffff, v15, v14;
	_ =	sdelay $0xb  }
0x2d9: {  	s3 =	sadd.s32 $0x10, s3  }
0x2da: {  	s4 =	sadd.s32 $0x10, s4;
	v17 =	vperm.xlane v19, v13;
	v16 =	vld [tilespmem:s3+$0x0];
	v19, v20, _ =	vpop (xrf1)  }
0x2db: {  	v21 =	vld [tilespmem:s4+$0x0];
	vm3 =	vle.f32 v19, v18;
	v15, v14, _ =	vpop (xrf1)  }
.Ltmp17:
0x2dc: {  	s6 =	sadd.s32 $0x10, s6;
	v18 =	vsel vm3, v19, v18;
	v17 =	vsel vm3, v20, v17;
	(pc) =	sbr.rel @p2 .LBB2_24-.Ltmp17, $4  }
0x2dd: {  	v19 =	vor.u32 s6, v0;
	(xrf1) =	vsort.ascd.msk.f32 $0xffff, v18, v17  }
0x2de: {  	vm3 =	vlt.s32 v19, v12  }
0x2df: {  	v16 =	vnsel vm3, $0x7F800000, v16  }
0x2e0: {  	(xrf1) =	vsort.ascd.msk.f32 $0xffff, v16, v21  }
.LBB2_25:
0x2e1: {  	_ =	sdelay $0x9  }
0x2e2: {  	v12, v16, _ =	vpop @p1 (xrf1)  }
0x2e3: {  	v12 =	vperm.xlane @p1 v12, v13  }
0x2e4: {  	v13 =	vperm.xlane @p1 v16, v13  }
0x2e5: {  	vm3 =	vle.f32 @p1 v15, v12  }
0x2e6: {  	v16 =	vsel @p1 vm3, v12, v15;
	v17 =	vsel @p1 vm3, v13, v14  }
0x2e7: {  	(xrf1) =	vsort.ascd.msk.f32 @p1 $0xffff, v16, v17;
	_ =	sdelay $0xa  }
0x2e8: {  	v61 =	vmul.u32 $0xFFFFFFFF, v0;
	_ =	sdelay $0x1  }
0x2e9: {  	v62, v18, _ =	vpop (xrf1);
	v16 =	vadd.s32 $0xF, v61  }
0x2ea: {  	v17 =	vperm.xlane v62, v16;
	v19, v20, _ =	vpop @p1 (xrf1)  }
0x2eb: {  	v12 =	vsel @p1 vm3, v15, v12;
	v15 =	vperm.xlane v18, v16;
	v63 =	vpsel p1, v19, v11  }
0x2ec: {  	v13 =	vsel @p1 vm3, v14, v13;
	v14 =	vpsel p1, v20, v10;
	vm3 =	vle.f32 v63, v17  }
0x2ed: {  	(xrf1) =	vsort.ascd.msk.f32 @p1 $0xffff, v12, v13;
	v12 =	vsel vm3, v63, v17;
	v13 =	vsel vm3, v14, v15  }
0x2ee: {  	(xrf1) =	vsort.ascd.msk.f32 $0xffff, v12, v13;
	_ =	sdelay $0xc  }
0x2ef: {  	v12, v13, _ =	vpop @p1 (xrf1)  }
0x2f0: {  	v14, v15, _ =	vpop (xrf1)  }
0x2f1: {  	v14 =	vperm.xlane v14, v16  }
0x2f2: {  	v11 =	vpsel p1, v12, v11;
	v12 =	vperm.xlane v15, v16  }
0x2f3: {  	v10 =	vpsel p1, v13, v10;
	vm3 =	vle.f32 v11, v14  }
0x2f4: {  	v13 =	vsel vm3, v14, v11;
	v15 =	vsel vm3, v12, v10  }
0x2f5: {  	v11 =	vsel vm3, v11, v14;
	v10 =	vsel vm3, v10, v12;
	(xrf1) =	vsort.ascd.msk.f32 $0xffff, v13, v15  }
0x2f6: {  	(xrf1) =	vsort.ascd.msk.f32 $0xffff, v11, v10;
	_ =	sdelay $0x9  }
.Ltmp18:
0x2f7: {  	_ = 	snop;
	(pc) =	sbr.rel .LBB2_26-.Ltmp18, $3  }
0x2f8: {  	_ =	sdelay $0x1  }
0x2f9: {  	v13, v12, _ =	vpop (xrf1)  }
0x2fa: {  	v11, v10, _ =	vpop (xrf1)  }
.LBB2_16:
0x2fb: {  	s18 =	simm.s32 $0x0;
	s19 =	simm.s32 $0x2000  }
0x2fc: {  	v13 =	vimm.f32 $+Inf;
	v12 =	vimm.s32 $0x0;
	s22 =	simm.s32 $0x4000;
	s26 =	simm.s32 $0x6800;
	s28 =	simm.s32 $0x6A00  }
.LBB2_26:
0x2fd: {  	s3 =	sadd.s32 $0xF, s1  }
0x2fe: {  	s4 =	sand.u32 $0xF, s3  }
0x2ff: {  	s5 =	sshra.s32 s3, $0x1F;
	p1 =	slt.s32 s3, $0x1;
	p2 =	sne.s32 s4, $0x0  }
0x300: {  	s31 =	sshrl.u32 s5, $0x1C;
	p1 =	por !p1, !p2  }
0x301: {  	s4 =	simm.s32 $0x1;
	s3 =	sadd.s32 s31, s3;
	p1 =	por !p1, !p1  }
0x302: {  	s3 =	sshra.s32 s3, $0x4;
	s4 =	simm.s32 @!p1 $0x0  }
0x303: {  	s3 =	ssub.s32 s3, s4  }
0x304: {  	p1 =	slt.s32 s3, $0x1  }
.Ltmp19:
0x305: {  	_ = 	snop;
	(pc) =	sbr.rel @p1 .LBB2_27-.Ltmp19, $1  }
0x306: {  	_ =	sdelay $0x3  }
0x307: {  	s4 =	simm.s32 $0x0  }
0x308: {  	s5 =	sand.u32 $0xFFFFFFF0, s4  }
0x309: {  	v15 =	vld [tilespmem:s5+$0xCD00]  }
0x30a: {  	p2 =	sne.s32 s3, $0x1;
	v16 =	vld [tilespmem:s5+$0xED80]  }
.Ltmp20:
0x30b: {  	_ = 	snop;
	(pc) =	sbr.rel @!p2 .LBB2_29-.Ltmp20, $4  }
0x30c: {  	v14 =	vmov s1;
	v17 =	vor.u32 s4, v0  }
0x30d: {  	vm3 =	vlt.s32 v17, v14  }
0x30e: {  	v15 =	vnsel vm3, $0x7F800000, v15  }
0x30f: {  	s3 =	sadd.s32 $0xFFFFFFFF, s3;
	p1 =	por $0x0, $0x0;
	(xrf1) =	vsort.ascd.msk.f32 $0xffff, v15, v16  }
0x310: {  	_ =	sdelay $0xa  }
0x311: {  	v15 =	vmul.u32 $0xFFFFFFFF, v0;
	s1 =	simm.s32 $0x10  }
0x312: {  	s4 =	sand.u32 $0xFFFFFFF0, s1  }
0x313: {  	v15 =	vadd.s32 $0xF, v15;
	v18 =	vld [tilespmem:s4+$0xCD00];
	v16, v17, _ =	vpop (xrf1)  }
0x314: {  	v16 =	vperm.xlane v16, v15  }
0x315: {  	v17 =	vperm.xlane v17, v15  }
0x316: {  	p2 =	sne.s32 s3, $0x1;
	v20 =	vor.u32 s1, v0;
	v19 =	vld [tilespmem:s4+$0xED80];
	vm3 =	vle.f32 v13, v16  }
.Ltmp21:
0x317: {  	v16 =	vsel vm3, v13, v16;
	v17 =	vsel vm3, v12, v17;
	vm3 =	vlt.s32 v20, v14;
	(pc) =	sbr.rel @!p2 .LBB2_31-.Ltmp21, $2  }
0x318: {  	(xrf1) =	vsort.ascd.msk.f32 $0xffff, v16, v17;
	v16 =	vnsel vm3, $0x7F800000, v18;
	_ =	sdelay $0x2  }
0x319: {  	s3 =	sadd.s32 $0xFFFFFFFF, s3;
	p1 =	por $0x1, $0x1;
	(xrf1) =	vsort.ascd.msk.f32 $0xffff, v16, v19;
	v17 =	vmov v11;
	v16 =	vmov v10  }
.LBB2_32:
0x31a: {  	_ = 	snop  }
0x31b: {  	p2 =	sne.s32 s3, $0x1;
	s3 =	sadd.s32 $0xFFFFFFFF, s3;
	_ =	sdelay $0x8  }
0x31c: {  	v18, v19, _ =	vpop (xrf1)  }
0x31d: {  	v18 =	vperm.xlane v18, v15  }
0x31e: {  	v19 =	vperm.xlane v19, v15  }
0x31f: {  	v20, v21, _ =	vpop (xrf1);
	vm3 =	vle.f32 v17, v18  }
0x320: {  	v20 =	vperm.xlane v20, v15;
	v22 =	vsel vm3, v18, v17;
	v23 =	vsel vm3, v19, v16  }
0x321: {  	v17 =	vsel vm3, v17, v18;
	v16 =	vsel vm3, v16, v19;
	(xrf1) =	vsort.ascd.msk.f32 $0xffff, v22, v23  }
0x322: {  	(xrf1) =	vsort.ascd.msk.f32 $0xffff, v17, v16;
	_ =	sdelay $0xa  }
0x323: {  	s1 =	sadd.s32 $0x10, s1  }
0x324: {  	s4 =	sand.u32 $0xFFFFFFF0, s1  }
0x325: {  	v19 =	vperm.xlane v21, v15;
	v18 =	vld [tilespmem:s4+$0xCD00];
	v21, v22, _ =	vpop (xrf1)  }
0x326: {  	v23 =	vld [tilespmem:s4+$0xED80];
	vm3 =	vle.f32 v21, v20;
	v17, v16, _ =	vpop (xrf1)  }
.Ltmp22:
0x327: {  	v20 =	vsel vm3, v21, v20;
	v19 =	vsel vm3, v22, v19;
	(pc) =	sbr.rel @p2 .LBB2_32-.Ltmp22, $4  }
0x328: {  	v21 =	vor.u32 s1, v0;
	(xrf1) =	vsort.ascd.msk.f32 $0xffff, v20, v19  }
0x329: {  	vm3 =	vlt.s32 v21, v14  }
0x32a: {  	v18 =	vnsel vm3, $0x7F800000, v18  }
0x32b: {  	(xrf1) =	vsort.ascd.msk.f32 $0xffff, v18, v23  }
0x32c: {  	s5 =	simm.s32 $0x1  }
.LBB2_34:
0x32d: {  	_ =	sdelay $0x8  }
0x32e: {  	v14, v18, _ =	vpop @p1 (xrf1)  }
0x32f: {  	v14 =	vperm.xlane @p1 v14, v15  }
0x330: {  	v15 =	vperm.xlane @p1 v18, v15  }
0x331: {  	vm3 =	vle.f32 @p1 v17, v14  }
0x332: {  	v18 =	vsel @p1 vm3, v14, v17;
	v19 =	vsel @p1 vm3, v15, v16  }
0x333: {  	(xrf1) =	vsort.ascd.msk.f32 @p1 $0xffff, v18, v19;
	_ =	sdelay $0xa  }
0x334: {  	v61 =	vmul.u32 $0xFFFFFFFF, v0;
	_ =	sdelay $0x1  }
0x335: {  	v62, v20, _ =	vpop (xrf1);
	v18 =	vadd.s32 $0xF, v61  }
0x336: {  	v19 =	vperm.xlane v62, v18;
	v21, v22, _ =	vpop @p1 (xrf1)  }
0x337: {  	v14 =	vsel @p1 vm3, v17, v14;
	v63 =	vperm.xlane v20, v18;
	v13 =	vpsel p1, v21, v13  }
0x338: {  	v15 =	vsel @p1 vm3, v16, v15;
	v12 =	vpsel p1, v22, v12;
	vm3 =	vle.f32 v13, v19  }
0x339: {  	(xrf1) =	vsort.ascd.msk.f32 @p1 $0xffff, v14, v15;
	v13 =	vsel vm3, v13, v19;
	v12 =	vsel vm3, v12, v63  }
0x33a: {  	(xrf1) =	vsort.ascd.msk.f32 $0xffff, v13, v12;
	_ =	sdelay $0xc  }
0x33b: {  	v12, v13, _ =	vpop @p1 (xrf1)  }
0x33c: {  	v14, v15, _ =	vpop (xrf1)  }
0x33d: {  	v14 =	vperm.xlane v14, v18  }
0x33e: {  	v11 =	vpsel p1, v12, v11;
	v12 =	vperm.xlane v15, v18  }
0x33f: {  	v10 =	vpsel p1, v13, v10;
	vm3 =	vle.f32 v11, v14  }
0x340: {  	v13 =	vsel vm3, v14, v11;
	v15 =	vsel vm3, v12, v10  }
0x341: {  	v11 =	vsel vm3, v11, v14;
	v10 =	vsel vm3, v10, v12;
	(xrf1) =	vsort.ascd.msk.f32 $0xffff, v13, v15  }
0x342: {  	(xrf1) =	vsort.ascd.msk.f32 $0xffff, v11, v10;
	_ =	sdelay $0x9  }
.Ltmp23:
0x343: {  	_ = 	snop;
	(pc) =	sbr.rel .LBB2_35-.Ltmp23, $3  }
0x344: {  	_ =	sdelay $0x1  }
0x345: {  	v13, v12, _ =	vpop (xrf1)  }
0x346: {  	v11, v10, _ =	vpop (xrf1)  }
.LBB2_27:
0x347: {  	s5 =	simm.s32 $0x1  }
.LBB2_35:
0x348: {  	s1 =	sadd.s32 $0xF, s0  }
0x349: {  	s3 =	sand.u32 $0xF, s1  }
0x34a: {  	s4 =	sshra.s32 s1, $0x1F;
	p1 =	slt.s32 s1, $0x1;
	p2 =	sne.s32 s3, $0x0  }
0x34b: {  	s31 =	sshrl.u32 s4, $0x1C;
	p1 =	por !p1, !p2  }
0x34c: {  	s3 =	simm.s32 $0x1;
	s1 =	sadd.s32 s31, s1;
	p1 =	por !p1, !p1  }
0x34d: {  	s1 =	sshra.s32 s1, $0x4;
	s3 =	simm.s32 @!p1 $0x0  }
0x34e: {  	s1 =	ssub.s32 s1, s3  }
0x34f: {  	p1 =	slt.s32 s1, $0x1  }
.Ltmp24:
0x350: {  	_ = 	snop;
	(pc) =	sbr.rel @p1 .LBB2_42-.Ltmp24, $1  }
0x351: {  	_ =	sdelay $0x3  }
0x352: {  	s3 =	simm.s32 $0x0  }
0x353: {  	s4 =	sand.u32 $0xFFFFFFF0, s3  }
0x354: {  	v15 =	vld [tilespmem:s4+$0xD500]  }
0x355: {  	p2 =	sne.s32 s1, $0x1;
	v16 =	vld [tilespmem:s4+$0xF580]  }
.Ltmp25:
0x356: {  	_ = 	snop;
	(pc) =	sbr.rel @!p2 .LBB2_37-.Ltmp25, $4  }
0x357: {  	v14 =	vmov s0;
	v17 =	vor.u32 s3, v0  }
0x358: {  	vm3 =	vlt.s32 v17, v14  }
0x359: {  	v15 =	vnsel vm3, $0x7F800000, v15  }
0x35a: {  	s1 =	sadd.s32 $0xFFFFFFFF, s1;
	p1 =	por $0x0, $0x0;
	(xrf1) =	vsort.ascd.msk.f32 $0xffff, v15, v16  }
0x35b: {  	_ =	sdelay $0xa  }
0x35c: {  	v15 =	vmul.u32 $0xFFFFFFFF, v0;
	s0 =	simm.s32 $0x10  }
0x35d: {  	s3 =	sand.u32 $0xFFFFFFF0, s0  }
0x35e: {  	v15 =	vadd.s32 $0xF, v15;
	v18 =	vld [tilespmem:s3+$0xD500];
	v16, v17, _ =	vpop (xrf1)  }
0x35f: {  	v16 =	vperm.xlane v16, v15  }
0x360: {  	v17 =	vperm.xlane v17, v15  }
0x361: {  	p2 =	sne.s32 s1, $0x1;
	v20 =	vor.u32 s0, v0;
	v19 =	vld [tilespmem:s3+$0xF580];
	vm3 =	vle.f32 v13, v16  }
.Ltmp26:
0x362: {  	v16 =	vsel vm3, v13, v16;
	v17 =	vsel vm3, v12, v17;
	vm3 =	vlt.s32 v20, v14;
	(pc) =	sbr.rel @!p2 .LBB2_39-.Ltmp26, $2  }
0x363: {  	(xrf1) =	vsort.ascd.msk.f32 $0xffff, v16, v17;
	v16 =	vnsel vm3, $0x7F800000, v18;
	_ =	sdelay $0x2  }
0x364: {  	s1 =	sadd.s32 $0xFFFFFFFF, s1;
	p1 =	por $0x1, $0x1;
	(xrf1) =	vsort.ascd.msk.f32 $0xffff, v16, v19;
	v17 =	vmov v11;
	v16 =	vmov v10  }
.LBB2_40:
0x365: {  	_ = 	snop  }
0x366: {  	p2 =	sne.s32 s1, $0x1;
	s1 =	sadd.s32 $0xFFFFFFFF, s1;
	_ =	sdelay $0x8  }
0x367: {  	v18, v19, _ =	vpop (xrf1)  }
0x368: {  	v18 =	vperm.xlane v18, v15  }
0x369: {  	v19 =	vperm.xlane v19, v15  }
0x36a: {  	v20, v21, _ =	vpop (xrf1);
	vm3 =	vle.f32 v17, v18  }
0x36b: {  	v20 =	vperm.xlane v20, v15;
	v22 =	vsel vm3, v18, v17;
	v23 =	vsel vm3, v19, v16  }
0x36c: {  	v17 =	vsel vm3, v17, v18;
	v16 =	vsel vm3, v16, v19;
	(xrf1) =	vsort.ascd.msk.f32 $0xffff, v22, v23  }
0x36d: {  	(xrf1) =	vsort.ascd.msk.f32 $0xffff, v17, v16;
	_ =	sdelay $0xa  }
0x36e: {  	s0 =	sadd.s32 $0x10, s0  }
0x36f: {  	s3 =	sand.u32 $0xFFFFFFF0, s0  }
0x370: {  	v19 =	vperm.xlane v21, v15;
	v18 =	vld [tilespmem:s3+$0xD500];
	v21, v22, _ =	vpop (xrf1)  }
0x371: {  	v23 =	vld [tilespmem:s3+$0xF580];
	vm3 =	vle.f32 v21, v20;
	v17, v16, _ =	vpop (xrf1)  }
.Ltmp27:
0x372: {  	v20 =	vsel vm3, v21, v20;
	v19 =	vsel vm3, v22, v19;
	(pc) =	sbr.rel @p2 .LBB2_40-.Ltmp27, $4  }
0x373: {  	v21 =	vor.u32 s0, v0;
	(xrf1) =	vsort.ascd.msk.f32 $0xffff, v20, v19  }
0x374: {  	vm3 =	vlt.s32 v21, v14  }
0x375: {  	v18 =	vnsel vm3, $0x7F800000, v18  }
0x376: {  	(xrf1) =	vsort.ascd.msk.f32 $0xffff, v18, v23  }
.LBB2_41:
0x377: {  	_ =	sdelay $0x9  }
0x378: {  	v14, v18, _ =	vpop @p1 (xrf1)  }
0x379: {  	v14 =	vperm.xlane @p1 v14, v15  }
0x37a: {  	v15 =	vperm.xlane @p1 v18, v15  }
0x37b: {  	vm3 =	vle.f32 @p1 v17, v14  }
0x37c: {  	v18 =	vsel @p1 vm3, v14, v17;
	v19 =	vsel @p1 vm3, v15, v16  }
0x37d: {  	(xrf1) =	vsort.ascd.msk.f32 @p1 $0xffff, v18, v19;
	_ =	sdelay $0xa  }
0x37e: {  	v61 =	vmul.u32 $0xFFFFFFFF, v0;
	_ =	sdelay $0x1  }
0x37f: {  	v62, v20, _ =	vpop (xrf1);
	v18 =	vadd.s32 $0xF, v61  }
0x380: {  	v19 =	vperm.xlane v62, v18;
	v21, v22, _ =	vpop @p1 (xrf1)  }
0x381: {  	v14 =	vsel @p1 vm3, v17, v14;
	v63 =	vperm.xlane v20, v18;
	v13 =	vpsel p1, v21, v13  }
0x382: {  	v15 =	vsel @p1 vm3, v16, v15;
	v12 =	vpsel p1, v22, v12;
	vm3 =	vle.f32 v13, v19  }
0x383: {  	(xrf1) =	vsort.ascd.msk.f32 @p1 $0xffff, v14, v15;
	v13 =	vsel vm3, v13, v19;
	v12 =	vsel vm3, v12, v63  }
0x384: {  	(xrf1) =	vsort.ascd.msk.f32 $0xffff, v13, v12;
	_ =	sdelay $0xc  }
0x385: {  	v12, v13, _ =	vpop @p1 (xrf1)  }
0x386: {  	v14, v15, _ =	vpop (xrf1)  }
0x387: {  	v14 =	vperm.xlane v14, v18  }
0x388: {  	v11 =	vpsel p1, v12, v11;
	v12 =	vperm.xlane v15, v18  }
0x389: {  	v10 =	vpsel p1, v13, v10;
	vm3 =	vle.f32 v11, v14  }
0x38a: {  	v13 =	vsel vm3, v14, v11;
	v15 =	vsel vm3, v12, v10  }
0x38b: {  	v11 =	vsel vm3, v11, v14;
	v10 =	vsel vm3, v10, v12;
	(xrf1) =	vsort.ascd.msk.f32 $0xffff, v13, v15  }
0x38c: {  	(xrf1) =	vsort.ascd.msk.f32 $0xffff, v11, v10;
	_ =	sdelay $0xc  }
0x38d: {  	v13, v12, _ =	vpop (xrf1)  }
0x38e: {  	v11, v10, _ =	vpop (xrf1)  }
.LBB2_42:
0x38f: {  	s0 =	sadd.s32 $0xF, s2  }
0x390: {  	s1 =	sand.u32 $0xF, s0  }
0x391: {  	s3 =	sshra.s32 s0, $0x1F;
	p1 =	slt.s32 s0, $0x1;
	p2 =	sne.s32 s1, $0x0  }
0x392: {  	s31 =	sshrl.u32 s3, $0x1C;
	p1 =	por !p1, !p2  }
0x393: {  	s1 =	simm.s32 $0x1;
	s0 =	sadd.s32 s31, s0;
	p1 =	por !p1, !p1  }
0x394: {  	s0 =	sshra.s32 s0, $0x4;
	s1 =	simm.s32 @!p1 $0x0  }
0x395: {  	s0 =	ssub.s32 s0, s1  }
0x396: {  	p1 =	slt.s32 s0, $0x1  }
.Ltmp28:
0x397: {  	_ = 	snop;
	(pc) =	sbr.rel @p1 .LBB2_43-.Ltmp28, $1  }
0x398: {  	_ =	sdelay $0x3  }
0x399: {  	s1 =	simm.s32 $0x0  }
0x39a: {  	s3 =	sand.u32 $0xFFFFFFF0, s1  }
0x39b: {  	v14 =	vld [tilespmem:s3+$0xDD00]  }
0x39c: {  	p2 =	sne.s32 s0, $0x1;
	v16 =	vld [tilespmem:s3+$0xFD80]  }
.Ltmp29:
0x39d: {  	_ = 	snop;
	(pc) =	sbr.rel @!p2 .LBB2_45-.Ltmp29, $4  }
0x39e: {  	v15 =	vmov s2;
	v17 =	vor.u32 s1, v0  }
0x39f: {  	vm3 =	vlt.s32 v17, v15  }
0x3a0: {  	v14 =	vnsel vm3, $0x7F800000, v14  }
0x3a1: {  	p1 =	por $0x0, $0x0;
	s1 =	sadd.s32 $0xFFFFFFFF, s0;
	(xrf1) =	vsort.ascd.msk.f32 $0xffff, v14, v16;
	v14 =	vmul.u32 $0xFFFFFFFF, v0  }
0x3a2: {  	_ =	sdelay $0xa  }
0x3a3: {  	s0 =	simm.s32 $0x10  }
0x3a4: {  	s2 =	sand.u32 $0xFFFFFFF0, s0  }
0x3a5: {  	v16 =	vadd.s32 $0xF, v14;
	v19 =	vld [tilespmem:s2+$0xDD00];
	v17, v18, _ =	vpop (xrf1)  }
0x3a6: {  	v17 =	vperm.xlane v17, v16  }
0x3a7: {  	v18 =	vperm.xlane v18, v16  }
0x3a8: {  	p2 =	sne.s32 s1, $0x1;
	v21 =	vor.u32 s0, v0;
	v20 =	vld [tilespmem:s2+$0xFD80];
	vm3 =	vle.f32 v13, v17  }
.Ltmp30:
0x3a9: {  	v17 =	vsel vm3, v13, v17;
	v18 =	vsel vm3, v12, v18;
	vm3 =	vlt.s32 v21, v15;
	(pc) =	sbr.rel @!p2 .LBB2_47-.Ltmp30, $2  }
0x3aa: {  	(xrf1) =	vsort.ascd.msk.f32 $0xffff, v17, v18;
	v17 =	vnsel vm3, $0x7F800000, v19;
	_ =	sdelay $0x2  }
0x3ab: {  	s1 =	sadd.s32 $0xFFFFFFFF, s1;
	p1 =	por $0x1, $0x1;
	(xrf1) =	vsort.ascd.msk.f32 $0xffff, v17, v20;
	v18 =	vmov v11;
	v17 =	vmov v10  }
.LBB2_48:
0x3ac: {  	_ = 	snop  }
0x3ad: {  	p2 =	sne.s32 s1, $0x1;
	s1 =	sadd.s32 $0xFFFFFFFF, s1;
	_ =	sdelay $0x8  }
0x3ae: {  	v19, v20, _ =	vpop (xrf1)  }
0x3af: {  	v19 =	vperm.xlane v19, v16  }
0x3b0: {  	v20 =	vperm.xlane v20, v16  }
0x3b1: {  	v21, v22, _ =	vpop (xrf1);
	vm3 =	vle.f32 v18, v19  }
0x3b2: {  	v21 =	vperm.xlane v21, v16;
	v23 =	vsel vm3, v19, v18;
	v24 =	vsel vm3, v20, v17  }
0x3b3: {  	v18 =	vsel vm3, v18, v19;
	v17 =	vsel vm3, v17, v20;
	(xrf1) =	vsort.ascd.msk.f32 $0xffff, v23, v24  }
0x3b4: {  	(xrf1) =	vsort.ascd.msk.f32 $0xffff, v18, v17;
	_ =	sdelay $0xa  }
0x3b5: {  	s0 =	sadd.s32 $0x10, s0  }
0x3b6: {  	s2 =	sand.u32 $0xFFFFFFF0, s0  }
0x3b7: {  	v20 =	vperm.xlane v22, v16;
	v19 =	vld [tilespmem:s2+$0xDD00];
	v22, v23, _ =	vpop (xrf1)  }
0x3b8: {  	v24 =	vld [tilespmem:s2+$0xFD80];
	vm3 =	vle.f32 v22, v21;
	v18, v17, _ =	vpop (xrf1)  }
.Ltmp31:
0x3b9: {  	v21 =	vsel vm3, v22, v21;
	v20 =	vsel vm3, v23, v20;
	(pc) =	sbr.rel @p2 .LBB2_48-.Ltmp31, $4  }
0x3ba: {  	v22 =	vor.u32 s0, v0;
	(xrf1) =	vsort.ascd.msk.f32 $0xffff, v21, v20  }
0x3bb: {  	vm3 =	vlt.s32 v22, v15  }
0x3bc: {  	v19 =	vnsel vm3, $0x7F800000, v19  }
0x3bd: {  	(xrf1) =	vsort.ascd.msk.f32 $0xffff, v19, v24  }
0x3be: {  	s3 =	rddreg [dreg:$0x17]  }
.LBB2_50:
0x3bf: {  	_ =	sdelay $0x8  }
0x3c0: {  	v15, v19, _ =	vpop @p1 (xrf1)  }
0x3c1: {  	v15 =	vperm.xlane @p1 v15, v16  }
0x3c2: {  	v16 =	vperm.xlane @p1 v19, v16  }
0x3c3: {  	vm3 =	vle.f32 @p1 v18, v15  }
0x3c4: {  	v19 =	vsel @p1 vm3, v15, v18;
	v20 =	vsel @p1 vm3, v16, v17  }
0x3c5: {  	(xrf1) =	vsort.ascd.msk.f32 @p1 $0xffff, v19, v20;
	_ =	sdelay $0xc  }
0x3c6: {  	v14 =	vadd.s32 $0xF, v14;
	v19, v20, _ =	vpop (xrf1)  }
0x3c7: {  	v19 =	vperm.xlane v19, v14;
	v21, v22, _ =	vpop @p1 (xrf1)  }
0x3c8: {  	v15 =	vsel @p1 vm3, v18, v15;
	v63 =	vperm.xlane v20, v14;
	v13 =	vpsel p1, v21, v13  }
0x3c9: {  	v16 =	vsel @p1 vm3, v17, v16;
	v12 =	vpsel p1, v22, v12;
	vm3 =	vle.f32 v13, v19  }
0x3ca: {  	(xrf1) =	vsort.ascd.msk.f32 @p1 $0xffff, v15, v16;
	v13 =	vsel vm3, v13, v19;
	v12 =	vsel vm3, v12, v63  }
0x3cb: {  	(xrf1) =	vsort.ascd.msk.f32 $0xffff, v13, v12;
	_ =	sdelay $0xc  }
0x3cc: {  	v12, v13, _ =	vpop @p1 (xrf1)  }
0x3cd: {  	v15, v16, _ =	vpop (xrf1)  }
0x3ce: {  	v15 =	vperm.xlane v15, v14  }
0x3cf: {  	v11 =	vpsel p1, v12, v11;
	v12 =	vperm.xlane v16, v14  }
0x3d0: {  	v10 =	vpsel p1, v13, v10;
	vm3 =	vle.f32 v11, v15  }
0x3d1: {  	v13 =	vsel vm3, v15, v11;
	v14 =	vsel vm3, v12, v10  }
0x3d2: {  	v11 =	vsel vm3, v11, v15;
	v10 =	vsel vm3, v10, v12;
	(xrf1) =	vsort.ascd.msk.f32 $0xffff, v13, v14  }
0x3d3: {  	(xrf1) =	vsort.ascd.msk.f32 $0xffff, v11, v10;
	_ =	sdelay $0x9  }
.Ltmp32:
0x3d4: {  	_ = 	snop;
	(pc) =	sbr.rel .LBB2_51-.Ltmp32, $3  }
0x3d5: {  	_ =	sdelay $0x1  }
0x3d6: {  	v13, v12, _ =	vpop (xrf1)  }
0x3d7: {  	v11, v10, _ =	vpop (xrf1)  }
.LBB2_21:
.Ltmp33:
0x3d8: {  	(pc) =	sbr.rel .LBB2_25-.Ltmp33, $2  }
0x3d9: {  	_ =	sdelay $0x2  }
0x3da: {  	v15 =	vimm.f32 $+Inf;
	v14 =	vimm.s32 $0x0  }
.LBB2_29:
.Ltmp34:
0x3db: {  	(pc) =	sbr.rel .LBB2_34-.Ltmp34, $2  }
0x3dc: {  	_ =	sdelay $0x2  }
0x3dd: {  	v17 =	vmov v11;
	v16 =	vmov v10;
	s5 =	simm.s32 $0x1  }
.LBB2_37:
.Ltmp35:
0x3de: {  	(pc) =	sbr.rel .LBB2_41-.Ltmp35, $2  }
0x3df: {  	_ =	sdelay $0x2  }
0x3e0: {  	v17 =	vmov v11;
	v16 =	vmov v10  }
.LBB2_45:
.Ltmp36:
0x3e1: {  	(pc) =	sbr.rel .LBB2_50-.Ltmp36, $2  }
0x3e2: {  	_ =	sdelay $0x2  }
0x3e3: {  	v18 =	vmov v11;
	v17 =	vmov v10;
	s3 =	rddreg [dreg:$0x17]  }
.LBB2_23:
.Ltmp37:
0x3e4: {  	(pc) =	sbr.rel .LBB2_25-.Ltmp37, $2  }
0x3e5: {  	_ =	sdelay $0x2  }
0x3e6: {  	v15 =	vimm.f32 $+Inf;
	v14 =	vimm.s32 $0x0  }
.LBB2_31:
.Ltmp38:
0x3e7: {  	(pc) =	sbr.rel .LBB2_34-.Ltmp38, $2  }
0x3e8: {  	_ =	sdelay $0x2  }
0x3e9: {  	v17 =	vmov v11;
	v16 =	vmov v10;
	s5 =	simm.s32 $0x1  }
.LBB2_39:
.Ltmp39:
0x3ea: {  	(pc) =	sbr.rel .LBB2_41-.Ltmp39, $2  }
0x3eb: {  	_ =	sdelay $0x2  }
0x3ec: {  	v17 =	vmov v11;
	v16 =	vmov v10  }
.LBB2_47:
.Ltmp40:
0x3ed: {  	(pc) =	sbr.rel .LBB2_50-.Ltmp40, $2  }
0x3ee: {  	_ =	sdelay $0x2  }
0x3ef: {  	v18 =	vmov v11;
	v17 =	vmov v10;
	s3 =	rddreg [dreg:$0x17]  }
.LBB2_53:
0x3f0: {  	v7 =	vmov s0  }
0x3f1: {  	v7 =	vmul.u32 $0x3, v7;
	_ =	sdelay $0x1  }
0x3f2: {  	v8 =	vbroadcast v7, $0x0  }
0x3f3: {  	s2 =	simm.s32 $0x6800  }
0x3f4: {  	v9 =	vld [tilespmem:s2+$0x0];
	v7 =	vadd.s32 v15, v8;
	_ =	sdelay $0x4  }
0x3f5: {  	s0 =	simm.s32 $0x6A00;
	[tilespmem:v7+s4+$0x0] =	vst.idx.msk $0xffff, v9  }
0x3f6: {  	v9 =	vadd.s32 v14, v8;
	v7 =	vld [tilespmem:s0+$0x0];
	_ =	sdelay $0x4  }
0x3f7: {  	s1 =	simm.s32 $0x6C00;
	[tilespmem:v9+s4+$0x0] =	vst.idx.msk $0xffff, v7  }
0x3f8: {  	s3 =	simm.s32 $0x10;
	v8 =	vadd.s32 v11, v8;
	v7 =	vld [tilespmem:s1+$0x0]  }
0x3f9: {  	v9 =	vmov s3;
	s3 =	simm.s32 $0x20  }
.LBB2_54:
0x3fa: {  	p1 =	sne.s32 s3, $0x1F0;
	v9 =	vmul.u32 $0x3, v9;
	_ =	sdelay $0x1  }
0x3fb: {  	v9 =	vbroadcast v9, $0x0  }
0x3fc: {  	s2 =	sadd.s32 $0x10, s2;
	[tilespmem:v8+s4+$0x0] =	vst.idx.msk $0xffff, v7  }
0x3fd: {  	v7 =	vadd.s32 v15, v9;
	v8 =	vld [tilespmem:s2+$0x0];
	_ =	sdelay $0x4  }
0x3fe: {  	s0 =	sadd.s32 $0x10, s0;
	[tilespmem:v7+s4+$0x0] =	vst.idx.msk $0xffff, v8  }
0x3ff: {  	v8 =	vadd.s32 v14, v9;
	v7 =	vld [tilespmem:s0+$0x0];
	_ =	sdelay $0x2  }
.Ltmp41:
0x400: {  	(pc) =	sbr.rel @p1 .LBB2_54-.Ltmp41, $4  }
0x401: {  	_ = 	snop  }
0x402: {  	s1 =	sadd.s32 $0x10, s1;
	[tilespmem:v8+s4+$0x0] =	vst.idx.msk $0xffff, v7  }
0x403: {  	v8 =	vadd.s32 v11, v9;
	v7 =	vld [tilespmem:s1+$0x0]  }
0x404: {  	v9 =	vmov s3;
	s3 =	sadd.s32 $0x10, s3  }
0x405: {  	_ = 	snop  }
0x406: {  	v9 =	vmul.u32 $0x3, v9;
	_ =	sdelay $0x1  }
0x407: {  	v9 =	vbroadcast v9, $0x0  }
0x408: {  	s2 =	sadd.s32 $0x10, s2;
	[tilespmem:v8+s4+$0x0] =	vst.idx.msk $0xffff, v7  }
0x409: {  	v7 =	vadd.s32 v15, v9;
	v8 =	vld [tilespmem:s2+$0x0];
	_ =	sdelay $0x4  }
0x40a: {  	s0 =	sadd.s32 $0x10, s0;
	[tilespmem:v7+s4+$0x0] =	vst.idx.msk $0xffff, v8  }
0x40b: {  	v8 =	vadd.s32 v14, v9;
	v7 =	vld [tilespmem:s0+$0x0];
	_ =	sdelay $0x4  }
0x40c: {  	s30 =	sadd.s32 $0x10, s1;
	[tilespmem:v8+s4+$0x0] =	vst.idx.msk $0xffff, v7  }
0x40d: {  	v8 =	vadd.s32 v11, v9;
	v7 =	vld [tilespmem:s30+$0x0];
	_ =	sdelay $0x4  }
.Ltmp42:
0x40e: {  	s31 =	rddreg [dreg:$0x11];
	[tilespmem:v8+s4+$0x0] =	vst.idx.msk $0xffff, v7;
	(pc) =	sbr.rel .LBB2_56-.Ltmp42, $4  }
0x40f: {  	[hbm4b:s31+s18] =	stream.linear.scatter [tilespmem:s4], [sflag:$0x1], $0x600, $0x38;
	[tilespmem:$0x10640] =	vst v63  }
0x410: {  	_ =	swait.ge [sflag:s5], $0x600  }
0x411: {  	[sflag:s5] =	ssyncset.done $0x0  }
0x412: {  	s1 =	rddreg [dreg:$0x16];
	[sflag:s5] =	ssyncadd.s32 $0xFFFFFA00  }
.LBB2_57:
0x413: {  	_ =	sfence.sel $0x180000  }
0x414: {  	[bflag:$0x0] =	sbarrier.arrive $0xFFFF  }
0x415: {  	_ =	strace $0x90000047  }
0x416: {  	s0 =	stileid.u32;
	[bflag:$0x2] =	sbarrier.arrive $0xFFFF  }
0x417: {  	p0 =	sne.s32 s0, $0x0;
	s0 =	rddreg [dreg:$0x4]  }
0x418: {  	s0 =	sadd.s32 @!p0 $0x100000, s0  }
0x419: {  	[sflag:s0] =	ssyncadd.tile.s32 @!p0 $0x1;
	_ =	shalt  }
.Lfunc_end2:
_tile_overlayer_lowered:
.L_overlay_start_2:
0x41a: {  	(tag) =	ssettag $0x2  }
0x41b: {  	s0 =	rddreg [dreg:$0x0];
	s2 =	stileid.u32  }
0x41c: {  	s1 =	rddreg [dreg:$0x1];
	p0 =	sne.s32 s2, $0x0  }
0x41d: {  	s3 =	rddreg [dreg:$0x2];
	[bflag:$0x3] =	sbarrier.arrive $0xFFFF;
	s2 =	simm.s32 @!p0 $0x1C01  }
0x41e: {  	[timem:s3], [sflag:s2] =	dma.local @!p0 [hbm:s0], s1  }
0x41f: {  	s0 =	simm.s32 @!p0 $0x1  }
0x420: {  	_ =	swait.ge @!p0 [sflag:s0], s1  }
0x421: {  	s1 =	ssub.s32 @!p0 $0x0, s1;
	[sflag:s0] =	ssyncset.done @!p0 $0x0  }
0x422: {  	[sflag:s0] =	ssyncadd.s32 @!p0 s1  }
0x423: {  	[bflag:$0x3] =	sbarrier.arrive $0xFFFF  }
0x424: {  	_ =	shalt  }

</sc_bundles>
